<compile_context>
chip_gen: v7x
topology: tpu7x:2x2x1
jax: 0.10.2.dev20260603
libtpu: 0.0.44.dev20260713+nightly
codegen_flags: <defaults>
</compile_context>

<pallas_src>
import jax
import jax.numpy as jnp
from jax import lax
from jax.experimental import pallas as pl
from jax.experimental.pallas import tpu as pltpu
from jax.experimental.pallas import tpu_sc as plsc

N_NODES = 100000
D = 128
G = 64
NC = 2
NS = 16
NW = NC * NS
CH = 125
NCH = 10
N_SC = NW * NCH * CH
TB = 5000
NTB = (N_NODES - N_SC) // TB
TB_OFF = N_SC // TB
NBUF = 4

_MESH = plsc.VectorSubcoreMesh(
    core_axis_name="c", subcore_axis_name="s", num_cores=NC, num_subcores=NS
)


def _sc_body(feat_hbm, batch_hbm,
             acc_out, cnt_out,
             idx_v, feat_a, feat_b, feat_c, feat_d, cntf_v, cntm_v, zrow_v,
             acc_sh, sem_a, sem_b, sem_c, sem_d):
    c = lax.axis_index("c")
    s = lax.axis_index("s")
    wid = c * NS + s
    ch0 = wid * NCH

    pltpu.sync_copy(batch_hbm.at[wid], idx_v)
    bufs = (feat_a, feat_b, feat_c, feat_d)
    sems = (sem_a, sem_b, sem_c, sem_d)
    cps = [pltpu.async_copy(feat_hbm.at[ch0 + b], bufs[b], sems[b])
           for b in range(NBUF)]

    @pl.when(s == 0)
    def _():
        for r in range(16):
            for k in range(D // 16):
                zrow_v[r, pl.ds(k * 16, 16)] = jnp.zeros((16,), jnp.float32)
        for q in range(G // 16):
            pltpu.sync_copy(zrow_v, acc_sh.at[pl.ds(q * 16, 16)])

    for r in range(16):
        for k in range(G // 16):
            cntm_v[r, pl.ds(k * 16, 16)] = jnp.zeros((16,), jnp.float32)
    lane = lax.iota(jnp.int32, 16)
    ones16 = jnp.ones((16,), jnp.float32)
    tail_mask = lane >= 3

    def cstep(ch, carry):
        for k in range(7):
            x = idx_v[ch, pl.ds(k * 16, 16)]
            plsc.addupdate_scatter(cntm_v, [lane, x], ones16)
        xt = idx_v[ch, pl.ds(CH - 16, 16)]
        plsc.addupdate_scatter(cntm_v, [lane, xt], ones16, mask=tail_mask)
        return carry

    lax.fori_loop(0, NCH, cstep, 0)
    for k in range(G // 16):
        tot = jnp.zeros((16,), jnp.float32)
        for r in range(16):
            tot = tot + cntm_v[r, pl.ds(k * 16, 16)]
        cntf_v[pl.ds(k * 16, 16)] = tot
    pltpu.sync_copy(cntf_v, cnt_out.at[wid])

    plsc.subcore_barrier()

    for ch in range(NCH):
        b = ch % NBUF
        cps[ch].wait()
        pltpu.sync_copy(bufs[b], acc_sh.at[idx_v.at[ch]], add=True)
        if ch + NBUF < NCH:
            cps.append(pltpu.async_copy(
                feat_hbm.at[ch0 + ch + NBUF], bufs[b], sems[b]))

    plsc.subcore_barrier()

    @pl.when(s == 0)
    def _():
        pltpu.sync_copy(acc_sh, acc_out.at[c])


_sc_pool = pl.kernel(
    _sc_body,
    out_type=[
        jax.ShapeDtypeStruct((NC, G, D), jnp.float32),
        jax.ShapeDtypeStruct((NW, G), jnp.float32),
    ],
    mesh=_MESH,
    compiler_params=pltpu.CompilerParams(needs_layout_passes=False),
    scratch_types=[
        pltpu.VMEM((NCH, CH), jnp.int32),
        pltpu.VMEM((CH, D), jnp.float32),
        pltpu.VMEM((CH, D), jnp.float32),
        pltpu.VMEM((CH, D), jnp.float32),
        pltpu.VMEM((CH, D), jnp.float32),
        pltpu.VMEM((G,), jnp.float32),
        pltpu.VMEM((16, G), jnp.float32),
        pltpu.VMEM((16, D), jnp.float32),
        pltpu.VMEM_SHARED((G, D), jnp.float32),
        pltpu.SemaphoreType.DMA,
        pltpu.SemaphoreType.DMA,
        pltpu.SemaphoreType.DMA,
        pltpu.SemaphoreType.DMA,
    ],
)


def _tc_body(batch_ref, feat_ref, p_ref, c_ref):
    @pl.when(pl.program_id(0) == 0)
    def _():
        p_ref[...] = jnp.zeros_like(p_ref)
        c_ref[...] = jnp.zeros_like(c_ref)

    bt = batch_ref[0]
    gi = lax.broadcasted_iota(jnp.int32, (G, TB), 0)
    oh = jnp.where(bt == gi, 1.0, 0.0)
    p_ref[...] += jnp.dot(oh, feat_ref[0],
                          preferred_element_type=jnp.float32)
    c_ref[...] += jnp.sum(oh, axis=1, keepdims=True)


_tc_pool = pl.pallas_call(
    _tc_body,
    grid=(NTB,),
    in_specs=[
        pl.BlockSpec((1, 1, TB), lambda i: (TB_OFF + i, 0, 0)),
        pl.BlockSpec((1, TB, D), lambda i: (TB_OFF + i, 0, 0)),
    ],
    out_specs=[
        pl.BlockSpec((G, D), lambda i: (0, 0)),
        pl.BlockSpec((G, 1), lambda i: (0, 0)),
    ],
    out_shape=[
        jax.ShapeDtypeStruct((G, D), jnp.float32),
        jax.ShapeDtypeStruct((G, 1), jnp.float32),
    ],
)


def _finish_body(acc_ref, cnt_ref, ptc_ref, ctc_ref, w_ref, b_ref, o_ref):
    sums = acc_ref[0] + acc_ref[1] + ptc_ref[...]
    counts = jnp.sum(cnt_ref[...], axis=0) + ctc_ref[...]
    pooled = sums / jnp.maximum(counts, 1.0)
    logits = jnp.sum(pooled * w_ref[...], axis=1, keepdims=True) + b_ref[0, 0]
    o_ref[...] = 1.0 / (1.0 + jnp.exp(-logits))


_finish = pl.pallas_call(
    _finish_body,
    out_shape=jax.ShapeDtypeStruct((G, 1), jnp.float32),
)


def kernel(node_features, batch, graph_embedding, W, b):
    batch_i = batch.astype(jnp.int32)
    feat_sc = node_features.reshape(N_NODES // CH, CH, D)
    batch_sc = batch_i.reshape(N_NODES // (NCH * CH), NCH, CH)
    feat_tc = node_features.reshape(N_NODES // TB, TB, D)
    batch_tc = batch_i.reshape(N_NODES // TB, 1, TB)
    acc, cnt = _sc_pool(feat_sc, batch_sc)
    ptc, ctc = _tc_pool(batch_tc, feat_tc)
    return _finish(acc, cnt.reshape(NW, G, 1), ptc, ctc, W, b.reshape(1, 1))

# --- scband reference (transcript-rebuilt; emitter-appended) ---
"""Pipeline reference for scband-front-running-head-81587198755036 (READ-ONLY COPY).

The authoritative reference and input builder live on the scoring server;
editing this copy changes nothing except your own understanding.
"""

import jax, jax.numpy as jnp
import numpy as np

N_NODES = 100000
D = 128
NUM_GRAPHS = 64


def setup_inputs(seed: int = 0) -> dict:
    key = jax.random.key(seed)
    k1, k2, k3, k4, k5 = jax.random.split(key, 5)
    node_features = jax.random.normal(k1, (N_NODES, D), dtype=jnp.float32)
    batch = jnp.sort(jax.random.randint(k2, (N_NODES,), 0, NUM_GRAPHS))
    graph_embedding = jax.random.normal(k3, (NUM_GRAPHS, D), dtype=jnp.float32)
    # nn.Linear(hidden_dim, 1): weight [1, D], bias [1]
    W = jax.random.normal(k4, (1, D), dtype=jnp.float32) * (1.0 / np.sqrt(D))
    b = jax.random.normal(k5, (1,), dtype=jnp.float32) * 0.01
    return {"node_features": node_features, "batch": batch,
            "graph_embedding": graph_embedding, "W": W, "b": b}


def global_mean_pool(x, batch, num_segments):
    sums = jax.ops.segment_sum(x, batch, num_segments=num_segments)
    counts = jax.ops.segment_sum(jnp.ones((x.shape[0],), dtype=x.dtype), batch,
                                 num_segments=num_segments)
    return sums / jnp.maximum(counts, 1.0)[:, None]


def reference(node_features, batch, graph_embedding, W, b):
    pooled = global_mean_pool(node_features, batch, NUM_GRAPHS)  # [G, D]
    logits = pooled @ W.T + b  # [G, 1]
    return jax.nn.sigmoid(logits)

if __name__ == "__main__":
    import jax
    _d = setup_inputs()
    print(jax.jit(kernel)(*tuple(_d.values())))

</pallas_src>

<mosaic_0001>
#map = affine_map<(d0, d1) -> (0, 0, 0)>
#map1 = affine_map<(d0, d1) -> (0, 0)>
module attributes {stable_mosaic.version = 14 : i64} {
  func.func @_sc_body(%arg0: i32, %arg1: i32, %arg2: memref<800x125x128xf32, #tpu.memory_space<hbm>>, %arg3: memref<80x10x125xi32, #tpu.memory_space<hbm>>, %arg4: memref<2x64x128xf32, #tpu.memory_space<hbm>>, %arg5: memref<32x64xf32, #tpu.memory_space<hbm>>, %arg6: memref<10x125xi32, #tpu.memory_space<vmem>>, %arg7: memref<125x128xf32, #tpu.memory_space<vmem>>, %arg8: memref<125x128xf32, #tpu.memory_space<vmem>>, %arg9: memref<125x128xf32, #tpu.memory_space<vmem>>, %arg10: memref<125x128xf32, #tpu.memory_space<vmem>>, %arg11: memref<64xf32, #tpu.memory_space<vmem>>, %arg12: memref<16x64xf32, #tpu.memory_space<vmem>>, %arg13: memref<16x128xf32, #tpu.memory_space<vmem>>, %arg14: memref<64x128xf32, #tpu.memory_space<vmem_shared>>, %arg15: memref<!tpu.dma_semaphore, #tpu.memory_space<semaphore_mem>>, %arg16: memref<!tpu.dma_semaphore, #tpu.memory_space<semaphore_mem>>, %arg17: memref<!tpu.dma_semaphore, #tpu.memory_space<semaphore_mem>>, %arg18: memref<!tpu.dma_semaphore, #tpu.memory_space<semaphore_mem>>) attributes {dimension_semantics = [#tpu.dimension_semantics<core_parallel>, #tpu.dimension_semantics<subcore_parallel>], iteration_bounds = array<i64: 2, 16>, scalar_prefetch = 0 : i64, scratch_operands = 13 : i64, tpu.core_type = #tpu.core_type<sc_vector_subcore>, window_params = [{transform_indices = #map}, {transform_indices = #map}, {transform_indices = #map}, {transform_indices = #map1}]} {
    %mul3A = arith.constant 16 : i32
    %mul3A_0 = arith.muli %arg0, %mul3A : i32
    %add3A = arith.addi %mul3A_0, %arg1 : i32
    %mul3A_1 = arith.constant 10 : i32
    %mul3A_2 = arith.muli %add3A, %mul3A_1 : i32
    "tpu.region"() ({
      %run_scoped3A_936 = tpu.sem_alloc : memref<!tpu.dma_semaphore, #tpu.memory_space<semaphore_mem>>
      %dma_start3A_937 = arith.constant 0 : i32
      %dma_start3A_938 = arith.constant 0 : i32
      %dma_start3A_939 = tpu.memref_slice %arg3[%add3A, %dma_start3A_937, %dma_start3A_938] : memref<80x10x125xi32, #tpu.memory_space<hbm>> -> memref<1x10x125xi32, #tpu.memory_space<hbm>>
      %dma_start3A_940 = tpu.memref_squeeze %dma_start3A_939 : memref<1x10x125xi32, #tpu.memory_space<hbm>> -> memref<10x125xi32, #tpu.memory_space<hbm>>
      %dma_start3A_941 = arith.constant 0 : i32
      %dma_start3A_942 = arith.constant 0 : i32
      %dma_start3A_943 = tpu.memref_slice %arg3[%add3A, %dma_start3A_941, %dma_start3A_942] : memref<80x10x125xi32, #tpu.memory_space<hbm>> -> memref<1x10x125xi32, #tpu.memory_space<hbm>>
      %dma_start3A_944 = tpu.memref_squeeze %dma_start3A_943 : memref<1x10x125xi32, #tpu.memory_space<hbm>> -> memref<10x125xi32, #tpu.memory_space<hbm>>
      tpu.enqueue_dma source(%dma_start3A_944 : memref<10x125xi32, #tpu.memory_space<hbm>>) target(%arg6 : memref<10x125xi32, #tpu.memory_space<vmem>>) target_semaphore(%run_scoped3A_936 : memref<!tpu.dma_semaphore, #tpu.memory_space<semaphore_mem>>)
      %dma_wait3A_945 = arith.constant 0 : i32
      %dma_wait3A_946 = arith.constant 0 : i32
      %dma_wait3A_947 = tpu.memref_slice %arg3[%add3A, %dma_wait3A_945, %dma_wait3A_946] : memref<80x10x125xi32, #tpu.memory_space<hbm>> -> memref<1x10x125xi32, #tpu.memory_space<hbm>>
      %dma_wait3A_948 = tpu.memref_squeeze %dma_wait3A_947 : memref<1x10x125xi32, #tpu.memory_space<hbm>> -> memref<10x125xi32, #tpu.memory_space<hbm>>
      %dma_wait3A_949 = arith.constant 0 : i32
      %dma_wait3A_950 = arith.constant 0 : i32
      %dma_wait3A_951 = tpu.memref_slice %arg3[%add3A, %dma_wait3A_949, %dma_wait3A_950] : memref<80x10x125xi32, #tpu.memory_space<hbm>> -> memref<1x10x125xi32, #tpu.memory_space<hbm>>
      %dma_wait3A_952 = tpu.memref_squeeze %dma_wait3A_951 : memref<1x10x125xi32, #tpu.memory_space<hbm>> -> memref<10x125xi32, #tpu.memory_space<hbm>>
      tpu.wait_dma2 semaphore(%run_scoped3A_936 : memref<!tpu.dma_semaphore, #tpu.memory_space<semaphore_mem>>) src(%dma_wait3A_952 : memref<10x125xi32, #tpu.memory_space<hbm>>) dst(%arg6 : memref<10x125xi32, #tpu.memory_space<vmem>>)
      tpu.yield
    }) : () -> ()
    %add3A_3 = arith.constant 0 : i32
    %add3A_4 = arith.addi %mul3A_2, %add3A_3 : i32
    %dma_start3A = arith.constant 0 : i32
    %dma_start3A_5 = arith.constant 0 : i32
    %dma_start3A_6 = tpu.memref_slice %arg2[%add3A_4, %dma_start3A, %dma_start3A_5] : memref<800x125x128xf32, #tpu.memory_space<hbm>> -> memref<1x125x128xf32, #tpu.memory_space<hbm>>
    %dma_start3A_7 = tpu.memref_squeeze %dma_start3A_6 : memref<1x125x128xf32, #tpu.memory_space<hbm>> -> memref<125x128xf32, #tpu.memory_space<hbm>>
    %dma_start3A_8 = arith.constant 0 : i32
    %dma_start3A_9 = arith.constant 0 : i32
    %dma_start3A_10 = tpu.memref_slice %arg2[%add3A_4, %dma_start3A_8, %dma_start3A_9] : memref<800x125x128xf32, #tpu.memory_space<hbm>> -> memref<1x125x128xf32, #tpu.memory_space<hbm>>
    %dma_start3A_11 = tpu.memref_squeeze %dma_start3A_10 : memref<1x125x128xf32, #tpu.memory_space<hbm>> -> memref<125x128xf32, #tpu.memory_space<hbm>>
    tpu.enqueue_dma source(%dma_start3A_11 : memref<125x128xf32, #tpu.memory_space<hbm>>) target(%arg7 : memref<125x128xf32, #tpu.memory_space<vmem>>) target_semaphore(%arg15 : memref<!tpu.dma_semaphore, #tpu.memory_space<semaphore_mem>>)
    %add3A_12 = arith.constant 1 : i32
    %add3A_13 = arith.addi %mul3A_2, %add3A_12 : i32
    %dma_start3A_14 = arith.constant 0 : i32
    %dma_start3A_15 = arith.constant 0 : i32
    %dma_start3A_16 = tpu.memref_slice %arg2[%add3A_13, %dma_start3A_14, %dma_start3A_15] : memref<800x125x128xf32, #tpu.memory_space<hbm>> -> memref<1x125x128xf32, #tpu.memory_space<hbm>>
    %dma_start3A_17 = tpu.memref_squeeze %dma_start3A_16 : memref<1x125x128xf32, #tpu.memory_space<hbm>> -> memref<125x128xf32, #tpu.memory_space<hbm>>
    %dma_start3A_18 = arith.constant 0 : i32
    %dma_start3A_19 = arith.constant 0 : i32
    %dma_start3A_20 = tpu.memref_slice %arg2[%add3A_13, %dma_start3A_18, %dma_start3A_19] : memref<800x125x128xf32, #tpu.memory_space<hbm>> -> memref<1x125x128xf32, #tpu.memory_space<hbm>>
    %dma_start3A_21 = tpu.memref_squeeze %dma_start3A_20 : memref<1x125x128xf32, #tpu.memory_space<hbm>> -> memref<125x128xf32, #tpu.memory_space<hbm>>
    tpu.enqueue_dma source(%dma_start3A_21 : memref<125x128xf32, #tpu.memory_space<hbm>>) target(%arg8 : memref<125x128xf32, #tpu.memory_space<vmem>>) target_semaphore(%arg16 : memref<!tpu.dma_semaphore, #tpu.memory_space<semaphore_mem>>)
    %add3A_22 = arith.constant 2 : i32
    %add3A_23 = arith.addi %mul3A_2, %add3A_22 : i32
    %dma_start3A_24 = arith.constant 0 : i32
    %dma_start3A_25 = arith.constant 0 : i32
    %dma_start3A_26 = tpu.memref_slice %arg2[%add3A_23, %dma_start3A_24, %dma_start3A_25] : memref<800x125x128xf32, #tpu.memory_space<hbm>> -> memref<1x125x128xf32, #tpu.memory_space<hbm>>
    %dma_start3A_27 = tpu.memref_squeeze %dma_start3A_26 : memref<1x125x128xf32, #tpu.memory_space<hbm>> -> memref<125x128xf32, #tpu.memory_space<hbm>>
    %dma_start3A_28 = arith.constant 0 : i32
    %dma_start3A_29 = arith.constant 0 : i32
    %dma_start3A_30 = tpu.memref_slice %arg2[%add3A_23, %dma_start3A_28, %dma_start3A_29] : memref<800x125x128xf32, #tpu.memory_space<hbm>> -> memref<1x125x128xf32, #tpu.memory_space<hbm>>
    %dma_start3A_31 = tpu.memref_squeeze %dma_start3A_30 : memref<1x125x128xf32, #tpu.memory_space<hbm>> -> memref<125x128xf32, #tpu.memory_space<hbm>>
    tpu.enqueue_dma source(%dma_start3A_31 : memref<125x128xf32, #tpu.memory_space<hbm>>) target(%arg9 : memref<125x128xf32, #tpu.memory_space<vmem>>) target_semaphore(%arg17 : memref<!tpu.dma_semaphore, #tpu.memory_space<semaphore_mem>>)
    %add3A_32 = arith.constant 3 : i32
    %add3A_33 = arith.addi %mul3A_2, %add3A_32 : i32
    %dma_start3A_34 = arith.constant 0 : i32
    %dma_start3A_35 = arith.constant 0 : i32
    %dma_start3A_36 = tpu.memref_slice %arg2[%add3A_33, %dma_start3A_34, %dma_start3A_35] : memref<800x125x128xf32, #tpu.memory_space<hbm>> -> memref<1x125x128xf32, #tpu.memory_space<hbm>>
    %dma_start3A_37 = tpu.memref_squeeze %dma_start3A_36 : memref<1x125x128xf32, #tpu.memory_space<hbm>> -> memref<125x128xf32, #tpu.memory_space<hbm>>
    %dma_start3A_38 = arith.constant 0 : i32
    %dma_start3A_39 = arith.constant 0 : i32
    %dma_start3A_40 = tpu.memref_slice %arg2[%add3A_33, %dma_start3A_38, %dma_start3A_39] : memref<800x125x128xf32, #tpu.memory_space<hbm>> -> memref<1x125x128xf32, #tpu.memory_space<hbm>>
    %dma_start3A_41 = tpu.memref_squeeze %dma_start3A_40 : memref<1x125x128xf32, #tpu.memory_space<hbm>> -> memref<125x128xf32, #tpu.memory_space<hbm>>
    tpu.enqueue_dma source(%dma_start3A_41 : memref<125x128xf32, #tpu.memory_space<hbm>>) target(%arg10 : memref<125x128xf32, #tpu.memory_space<vmem>>) target_semaphore(%arg18 : memref<!tpu.dma_semaphore, #tpu.memory_space<semaphore_mem>>)
    %eq3A = arith.constant 0 : i32
    %eq3A_42 = arith.cmpi eq, %arg1, %eq3A : i32
    %convert_element_type3A = arith.extui %eq3A_42 : i1 to i32
    %cond3A = arith.constant 0 : i32
    %cond3A_43 = arith.cmpi ne, %convert_element_type3A, %cond3A : i32
    scf.if %cond3A_43 {
      %broadcast_in_dim3A_936 = arith.constant 0.000000e+00 : f32
      %broadcast_in_dim3A_937 = vector.broadcast %broadcast_in_dim3A_936 : f32 to vector<16xf32>
      %swap3A_938 = arith.constant 0 : i32
      %swap3A_939 = arith.index_cast %swap3A_938 : i32 to index
      %swap3A_940 = arith.constant 0 : index
      %swap3A_941 = tpu.vector_load %arg13[%swap3A_939, %swap3A_940] {strides = array<i32>} : memref<16x128xf32, #tpu.memory_space<vmem>>, vector<16xf32>,
      tpu.vector_store %arg13[%swap3A_939, %swap3A_940], %broadcast_in_dim3A_937 {strides = array<i32>} : memref<16x128xf32, #tpu.memory_space<vmem>>, vector<16xf32>,
      %broadcast_in_dim3A_942 = arith.constant 0.000000e+00 : f32
      %broadcast_in_dim3A_943 = vector.broadcast %broadcast_in_dim3A_942 : f32 to vector<16xf32>
      %swap3A_944 = arith.constant 0 : i32
      %swap3A_945 = arith.index_cast %swap3A_944 : i32 to index
      %swap3A_946 = arith.constant 16 : index
      %swap3A_947 = tpu.vector_load %arg13[%swap3A_945, %swap3A_946] {strides = array<i32>} : memref<16x128xf32, #tpu.memory_space<vmem>>, vector<16xf32>,
      tpu.vector_store %arg13[%swap3A_945, %swap3A_946], %broadcast_in_dim3A_943 {strides = array<i32>} : memref<16x128xf32, #tpu.memory_space<vmem>>, vector<16xf32>,
      %broadcast_in_dim3A_948 = arith.constant 0.000000e+00 : f32
      %broadcast_in_dim3A_949 = vector.broadcast %broadcast_in_dim3A_948 : f32 to vector<16xf32>
      %swap3A_950 = arith.constant 0 : i32
      %swap3A_951 = arith.index_cast %swap3A_950 : i32 to index
      %swap3A_952 = arith.constant 32 : index
      %swap3A_953 = tpu.vector_load %arg13[%swap3A_951, %swap3A_952] {strides = array<i32>} : memref<16x128xf32, #tpu.memory_space<vmem>>, vector<16xf32>,
      tpu.vector_store %arg13[%swap3A_951, %swap3A_952], %broadcast_in_dim3A_949 {strides = array<i32>} : memref<16x128xf32, #tpu.memory_space<vmem>>, vector<16xf32>,
      %broadcast_in_dim3A_954 = arith.constant 0.000000e+00 : f32
      %broadcast_in_dim3A_955 = vector.broadcast %broadcast_in_dim3A_954 : f32 to vector<16xf32>
      %swap3A_956 = arith.constant 0 : i32
      %swap3A_957 = arith.index_cast %swap3A_956 : i32 to index
      %swap3A_958 = arith.constant 48 : index
      %swap3A_959 = tpu.vector_load %arg13[%swap3A_957, %swap3A_958] {strides = array<i32>} : memref<16x128xf32, #tpu.memory_space<vmem>>, vector<16xf32>,
      tpu.vector_store %arg13[%swap3A_957, %swap3A_958], %broadcast_in_dim3A_955 {strides = array<i32>} : memref<16x128xf32, #tpu.memory_space<vmem>>, vector<16xf32>,
      %broadcast_in_dim3A_960 = arith.constant 0.000000e+00 : f32
      %broadcast_in_dim3A_961 = vector.broadcast %broadcast_in_dim3A_960 : f32 to vector<16xf32>
      %swap3A_962 = arith.constant 0 : i32
      %swap3A_963 = arith.index_cast %swap3A_962 : i32 to index
      %swap3A_964 = arith.constant 64 : index
      %swap3A_965 = tpu.vector_load %arg13[%swap3A_963, %swap3A_964] {strides = array<i32>} : memref<16x128xf32, #tpu.memory_space<vmem>>, vector<16xf32>,
      tpu.vector_store %arg13[%swap3A_963, %swap3A_964], %broadcast_in_dim3A_961 {strides = array<i32>} : memref<16x128xf32, #tpu.memory_space<vmem>>, vector<16xf32>,
      %broadcast_in_dim3A_966 = arith.constant 0.000000e+00 : f32
      %broadcast_in_dim3A_967 = vector.broadcast %broadcast_in_dim3A_966 : f32 to vector<16xf32>
      %swap3A_968 = arith.constant 0 : i32
      %swap3A_969 = arith.index_cast %swap3A_968 : i32 to index
      %swap3A_970 = arith.constant 80 : index
      %swap3A_971 = tpu.vector_load %arg13[%swap3A_969, %swap3A_970] {strides = array<i32>} : memref<16x128xf32, #tpu.memory_space<vmem>>, vector<16xf32>,
      tpu.vector_store %arg13[%swap3A_969, %swap3A_970], %broadcast_in_dim3A_967 {strides = array<i32>} : memref<16x128xf32, #tpu.memory_space<vmem>>, vector<16xf32>,
      %broadcast_in_dim3A_972 = arith.constant 0.000000e+00 : f32
      %broadcast_in_dim3A_973 = vector.broadcast %broadcast_in_dim3A_972 : f32 to vector<16xf32>
      %swap3A_974 = arith.constant 0 : i32
      %swap3A_975 = arith.index_cast %swap3A_974 : i32 to index
      %swap3A_976 = arith.constant 96 : index
      %swap3A_977 = tpu.vector_load %arg13[%swap3A_975, %swap3A_976] {strides = array<i32>} : memref<16x128xf32, #tpu.memory_space<vmem>>, vector<16xf32>,
      tpu.vector_store %arg13[%swap3A_975, %swap3A_976], %broadcast_in_dim3A_973 {strides = array<i32>} : memref<16x128xf32, #tpu.memory_space<vmem>>, vector<16xf32>,
      %broadcast_in_dim3A_978 = arith.constant 0.000000e+00 : f32
      %broadcast_in_dim3A_979 = vector.broadcast %broadcast_in_dim3A_978 : f32 to vector<16xf32>
      %swap3A_980 = arith.constant 0 : i32
      %swap3A_981 = arith.index_cast %swap3A_980 : i32 to index
      %swap3A_982 = arith.constant 112 : index
      %swap3A_983 = tpu.vector_load %arg13[%swap3A_981, %swap3A_982] {strides = array<i32>} : memref<16x128xf32, #tpu.memory_space<vmem>>, vector<16xf32>,
      tpu.vector_store %arg13[%swap3A_981, %swap3A_982], %broadcast_in_dim3A_979 {strides = array<i32>} : memref<16x128xf32, #tpu.memory_space<vmem>>, vector<16xf32>,
      %broadcast_in_dim3A_984 = arith.constant 0.000000e+00 : f32
      %broadcast_in_dim3A_985 = vector.broadcast %broadcast_in_dim3A_984 : f32 to vector<16xf32>
      %swap3A_986 = arith.constant 1 : i32
      %swap3A_987 = arith.index_cast %swap3A_986 : i32 to index
      %swap3A_988 = arith.constant 0 : index
      %swap3A_989 = tpu.vector_load %arg13[%swap3A_987, %swap3A_988] {strides = array<i32>} : memref<16x128xf32, #tpu.memory_space<vmem>>, vector<16xf32>,
      tpu.vector_store %arg13[%swap3A_987, %swap3A_988], %broadcast_in_dim3A_985 {strides = array<i32>} : memref<16x128xf32, #tpu.memory_space<vmem>>, vector<16xf32>,
      %broadcast_in_dim3A_990 = arith.constant 0.000000e+00 : f32
      %broadcast_in_dim3A_991 = vector.broadcast %broadcast_in_dim3A_990 : f32 to vector<16xf32>
      %swap3A_992 = arith.constant 1 : i32
      %swap3A_993 = arith.index_cast %swap3A_992 : i32 to index
      %swap3A_994 = arith.constant 16 : index
      %swap3A_995 = tpu.vector_load %arg13[%swap3A_993, %swap3A_994] {strides = array<i32>} : memref<16x128xf32, #tpu.memory_space<vmem>>, vector<16xf32>,
      tpu.vector_store %arg13[%swap3A_993, %swap3A_994], %broadcast_in_dim3A_991 {strides = array<i32>} : memref<16x128xf32, #tpu.memory_space<vmem>>, vector<16xf32>,
      %broadcast_in_dim3A_996 = arith.constant 0.000000e+00 : f32
      %broadcast_in_dim3A_997 = vector.broadcast %broadcast_in_dim3A_996 : f32 to vector<16xf32>
      %swap3A_998 = arith.constant 1 : i32
      %swap3A_999 = arith.index_cast %swap3A_998 : i32 to index
      %swap3A_1000 = arith.constant 32 : index
      %swap3A_1001 = tpu.vector_load %arg13[%swap3A_999, %swap3A_1000] {strides = array<i32>} : memref<16x128xf32, #tpu.memory_space<vmem>>, vector<16xf32>,
      tpu.vector_store %arg13[%swap3A_999, %swap3A_1000], %broadcast_in_dim3A_997 {strides = array<i32>} : memref<16x128xf32, #tpu.memory_space<vmem>>, vector<16xf32>,
      %broadcast_in_dim3A_1002 = arith.constant 0.000000e+00 : f32
      %broadcast_in_dim3A_1003 = vector.broadcast %broadcast_in_dim3A_1002 : f32 to vector<16xf32>
      %swap3A_1004 = arith.constant 1 : i32
      %swap3A_1005 = arith.index_cast %swap3A_1004 : i32 to index
      %swap3A_1006 = arith.constant 48 : index
      %swap3A_1007 = tpu.vector_load %arg13[%swap3A_1005, %swap3A_1006] {strides = array<i32>} : memref<16x128xf32, #tpu.memory_space<vmem>>, vector<16xf32>,
      tpu.vector_store %arg13[%swap3A_1005, %swap3A_1006], %broadcast_in_dim3A_1003 {strides = array<i32>} : memref<16x128xf32, #tpu.memory_space<vmem>>, vector<16xf32>,
      %broadcast_in_dim3A_1008 = arith.constant 0.000000e+00 : f32
      %broadcast_in_dim3A_1009 = vector.broadcast %broadcast_in_dim3A_1008 : f32 to vector<16xf32>
      %swap3A_1010 = arith.constant 1 : i32
      %swap3A_1011 = arith.index_cast %swap3A_1010 : i32 to index
      %swap3A_1012 = arith.constant 64 : index
      %swap3A_1013 = tpu.vector_load %arg13[%swap3A_1011, %swap3A_1012] {strides = array<i32>} : memref<16x128xf32, #tpu.memory_space<vmem>>, vector<16xf32>,
      tpu.vector_store %arg13[%swap3A_1011, %swap3A_1012], %broadcast_in_dim3A_1009 {strides = array<i32>} : memref<16x128xf32, #tpu.memory_space<vmem>>, vector<16xf32>,
      %broadcast_in_dim3A_1014 = arith.constant 0.000000e+00 : f32
      %broadcast_in_dim3A_1015 = vector.broadcast %broadcast_in_dim3A_1014 : f32 to vector<16xf32>
      %swap3A_1016 = arith.constant 1 : i32
      %swap3A_1017 = arith.index_cast %swap3A_1016 : i32 to index
      %swap3A_1018 = arith.constant 80 : index
      %swap3A_1019 = tpu.vector_load %arg13[%swap3A_1017, %swap3A_1018] {strides = array<i32>} : memref<16x128xf32, #tpu.memory_space<vmem>>, vector<16xf32>,
      tpu.vector_store %arg13[%swap3A_1017, %swap3A_1018], %broadcast_in_dim3A_1015 {strides = array<i32>} : memref<16x128xf32, #tpu.memory_space<vmem>>, vector<16xf32>,
      %broadcast_in_dim3A_1020 = arith.constant 0.000000e+00 : f32
      %broadcast_in_dim3A_1021 = vector.broadcast %broadcast_in_dim3A_1020 : f32 to vector<16xf32>
      %swap3A_1022 = arith.constant 1 : i32
      %swap3A_1023 = arith.index_cast %swap3A_1022 : i32 to index
      %swap3A_1024 = arith.constant 96 : index
      %swap3A_1025 = tpu.vector_load %arg13[%swap3A_1023, %swap3A_1024] {strides = array<i32>} : memref<16x128xf32, #tpu.memory_space<vmem>>, vector<16xf32>,
      tpu.vector_store %arg13[%swap3A_1023, %swap3A_1024], %broadcast_in_dim3A_1021 {strides = array<i32>} : memref<16x128xf32, #tpu.memory_space<vmem>>, vector<16xf32>,
      %broadcast_in_dim3A_1026 = arith.constant 0.000000e+00 : f32
      %broadcast_in_dim3A_1027 = vector.broadcast %broadcast_in_dim3A_1026 : f32 to vector<16xf32>
      %swap3A_1028 = arith.constant 1 : i32
      %swap3A_1029 = arith.index_cast %swap3A_1028 : i32 to index
      %swap3A_1030 = arith.constant 112 : index
      %swap3A_1031 = tpu.vector_load %arg13[%swap3A_1029, %swap3A_1030] {strides = array<i32>} : memref<16x128xf32, #tpu.memory_space<vmem>>, vector<16xf32>,
      tpu.vector_store %arg13[%swap3A_1029, %swap3A_1030], %broadcast_in_dim3A_1027 {strides = array<i32>} : memref<16x128xf32, #tpu.memory_space<vmem>>, vector<16xf32>,
      %broadcast_in_dim3A_1032 = arith.constant 0.000000e+00 : f32
      %broadcast_in_dim3A_1033 = vector.broadcast %broadcast_in_dim3A_1032 : f32 to vector<16xf32>
      %swap3A_1034 = arith.constant 2 : i32
      %swap3A_1035 = arith.index_cast %swap3A_1034 : i32 to index
      %swap3A_1036 = arith.constant 0 : index
      %swap3A_1037 = tpu.vector_load %arg13[%swap3A_1035, %swap3A_1036] {strides = array<i32>} : memref<16x128xf32, #tpu.memory_space<vmem>>, vector<16xf32>,
      tpu.vector_store %arg13[%swap3A_1035, %swap3A_1036], %broadcast_in_dim3A_1033 {strides = array<i32>} : memref<16x128xf32, #tpu.memory_space<vmem>>, vector<16xf32>,
      %broadcast_in_dim3A_1038 = arith.constant 0.000000e+00 : f32
      %broadcast_in_dim3A_1039 = vector.broadcast %broadcast_in_dim3A_1038 : f32 to vector<16xf32>
      %swap3A_1040 = arith.constant 2 : i32
      %swap3A_1041 = arith.index_cast %swap3A_1040 : i32 to index
      %swap3A_1042 = arith.constant 16 : index
      %swap3A_1043 = tpu.vector_load %arg13[%swap3A_1041, %swap3A_1042] {strides = array<i32>} : memref<16x128xf32, #tpu.memory_space<vmem>>, vector<16xf32>,
      tpu.vector_store %arg13[%swap3A_1041, %swap3A_1042], %broadcast_in_dim3A_1039 {strides = array<i32>} : memref<16x128xf32, #tpu.memory_space<vmem>>, vector<16xf32>,
      %broadcast_in_dim3A_1044 = arith.constant 0.000000e+00 : f32
      %broadcast_in_dim3A_1045 = vector.broadcast %broadcast_in_dim3A_1044 : f32 to vector<16xf32>
      %swap3A_1046 = arith.constant 2 : i32
      %swap3A_1047 = arith.index_cast %swap3A_1046 : i32 to index
      %swap3A_1048 = arith.constant 32 : index
      %swap3A_1049 = tpu.vector_load %arg13[%swap3A_1047, %swap3A_1048] {strides = array<i32>} : memref<16x128xf32, #tpu.memory_space<vmem>>, vector<16xf32>,
      tpu.vector_store %arg13[%swap3A_1047, %swap3A_1048], %broadcast_in_dim3A_1045 {strides = array<i32>} : memref<16x128xf32, #tpu.memory_space<vmem>>, vector<16xf32>,
      %broadcast_in_dim3A_1050 = arith.constant 0.000000e+00 : f32
      %broadcast_in_dim3A_1051 = vector.broadcast %broadcast_in_dim3A_1050 : f32 to vector<16xf32>
      %swap3A_1052 = arith.constant 2 : i32
      %swap3A_1053 = arith.index_cast %swap3A_1052 : i32 to index
      %swap3A_1054 = arith.constant 48 : index
      %swap3A_1055 = tpu.vector_load %arg13[%swap3A_1053, %swap3A_1054] {strides = array<i32>} : memref<16x128xf32, #tpu.memory_space<vmem>>, vector<16xf32>,
      tpu.vector_store %arg13[%swap3A_1053, %swap3A_1054], %broadcast_in_dim3A_1051 {strides = array<i32>} : memref<16x128xf32, #tpu.memory_space<vmem>>, vector<16xf32>,
      %broadcast_in_dim3A_1056 = arith.constant 0.000000e+00 : f32
      %broadcast_in_dim3A_1057 = vector.broadcast %broadcast_in_dim3A_1056 : f32 to vector<16xf32>
      %swap3A_1058 = arith.constant 2 : i32
      %swap3A_1059 = arith.index_cast %swap3A_1058 : i32 to index
      %swap3A_1060 = arith.constant 64 : index
      %swap3A_1061 = tpu.vector_load %arg13[%swap3A_1059, %swap3A_1060] {strides = array<i32>} : memref<16x128xf32, #tpu.memory_space<vmem>>, vector<16xf32>,
      tpu.vector_store %arg13[%swap3A_1059, %swap3A_1060], %broadcast_in_dim3A_1057 {strides = array<i32>} : memref<16x128xf32, #tpu.memory_space<vmem>>, vector<16xf32>,
      %broadcast_in_dim3A_1062 = arith.constant 0.000000e+00 : f32
      %broadcast_in_dim3A_1063 = vector.broadcast %broadcast_in_dim3A_1062 : f32 to vector<16xf32>
      %swap3A_1064 = arith.constant 2 : i32
      %swap3A_1065 = arith.index_cast %swap3A_1064 : i32 to index
      %swap3A_1066 = arith.constant 80 : index
      %swap3A_1067 = tpu.vector_load %arg13[%swap3A_1065, %swap3A_1066] {strides = array<i32>} : memref<16x128xf32, #tpu.memory_space<vmem>>, vector<16xf32>,
      tpu.vector_store %arg13[%swap3A_1065, %swap3A_1066], %broadcast_in_dim3A_1063 {strides = array<i32>} : memref<16x128xf32, #tpu.memory_space<vmem>>, vector<16xf32>,
      %broadcast_in_dim3A_1068 = arith.constant 0.000000e+00 : f32
      %broadcast_in_dim3A_1069 = vector.broadcast %broadcast_in_dim3A_1068 : f32 to vector<16xf32>
      %swap3A_1070 = arith.constant 2 : i32
      %swap3A_1071 = arith.index_cast %swap3A_1070 : i32 to index
      %swap3A_1072 = arith.constant 96 : index
      %swap3A_1073 = tpu.vector_load %arg13[%swap3A_1071, %swap3A_1072] {strides = array<i32>} : memref<16x128xf32, #tpu.memory_space<vmem>>, vector<16xf32>,
      tpu.vector_store %arg13[%swap3A_1071, %swap3A_1072], %broadcast_in_dim3A_1069 {strides = array<i32>} : memref<16x128xf32, #tpu.memory_space<vmem>>, vector<16xf32>,
      %broadcast_in_dim3A_1074 = arith.constant 0.000000e+00 : f32
      %broadcast_in_dim3A_1075 = vector.broadcast %broadcast_in_dim3A_1074 : f32 to vector<16xf32>
      %swap3A_1076 = arith.constant 2 : i32
      %swap3A_1077 = arith.index_cast %swap3A_1076 : i32 to index
      %swap3A_1078 = arith.constant 112 : index
      %swap3A_1079 = tpu.vector_load %arg13[%swap3A_1077, %swap3A_1078] {strides = array<i32>} : memref<16x128xf32, #tpu.memory_space<vmem>>, vector<16xf32>,
      tpu.vector_store %arg13[%swap3A_1077, %swap3A_1078], %broadcast_in_dim3A_1075 {strides = array<i32>} : memref<16x128xf32, #tpu.memory_space<vmem>>, vector<16xf32>,
      %broadcast_in_dim3A_1080 = arith.constant 0.000000e+00 : f32
      %broadcast_in_dim3A_1081 = vector.broadcast %broadcast_in_dim3A_1080 : f32 to vector<16xf32>
      %swap3A_1082 = arith.constant 3 : i32
      %swap3A_1083 = arith.index_cast %swap3A_1082 : i32 to index
      %swap3A_1084 = arith.constant 0 : index
      %swap3A_1085 = tpu.vector_load %arg13[%swap3A_1083, %swap3A_1084] {strides = array<i32>} : memref<16x128xf32, #tpu.memory_space<vmem>>, vector<16xf32>,
      tpu.vector_store %arg13[%swap3A_1083, %swap3A_1084], %broadcast_in_dim3A_1081 {strides = array<i32>} : memref<16x128xf32, #tpu.memory_space<vmem>>, vector<16xf32>,
      %broadcast_in_dim3A_1086 = arith.constant 0.000000e+00 : f32
      %broadcast_in_dim3A_1087 = vector.broadcast %broadcast_in_dim3A_1086 : f32 to vector<16xf32>
      %swap3A_1088 = arith.constant 3 : i32
      %swap3A_1089 = arith.index_cast %swap3A_1088 : i32 to index
      %swap3A_1090 = arith.constant 16 : index
      %swap3A_1091 = tpu.vector_load %arg13[%swap3A_1089, %swap3A_1090] {strides = array<i32>} : memref<16x128xf32, #tpu.memory_space<vmem>>, vector<16xf32>,
      tpu.vector_store %arg13[%swap3A_1089, %swap3A_1090], %broadcast_in_dim3A_1087 {strides = array<i32>} : memref<16x128xf32, #tpu.memory_space<vmem>>, vector<16xf32>,
      %broadcast_in_dim3A_1092 = arith.constant 0.000000e+00 : f32
      %broadcast_in_dim3A_1093 = vector.broadcast %broadcast_in_dim3A_1092 : f32 to vector<16xf32>
      %swap3A_1094 = arith.constant 3 : i32
      %swap3A_1095 = arith.index_cast %swap3A_1094 : i32 to index
      %swap3A_1096 = arith.constant 32 : index
      %swap3A_1097 = tpu.vector_load %arg13[%swap3A_1095, %swap3A_1096] {strides = array<i32>} : memref<16x128xf32, #tpu.memory_space<vmem>>, vector<16xf32>,
      tpu.vector_store %arg13[%swap3A_1095, %swap3A_1096], %broadcast_in_dim3A_1093 {strides = array<i32>} : memref<16x128xf32, #tpu.memory_space<vmem>>, vector<16xf32>,
      %broadcast_in_dim3A_1098 = arith.constant 0.000000e+00 : f32
      %broadcast_in_dim3A_1099 = vector.broadcast %broadcast_in_dim3A_1098 : f32 to vector<16xf32>
      %swap3A_1100 = arith.constant 3 : i32
      %swap3A_1101 = arith.index_cast %swap3A_1100 : i32 to index
      %swap3A_1102 = arith.constant 48 : index
      %swap3A_1103 = tpu.vector_load %arg13[%swap3A_1101, %swap3A_1102] {strides = array<i32>} : memref<16x128xf32, #tpu.memory_space<vmem>>, vector<16xf32>,
      tpu.vector_store %arg13[%swap3A_1101, %swap3A_1102], %broadcast_in_dim3A_1099 {strides = array<i32>} : memref<16x128xf32, #tpu.memory_space<vmem>>, vector<16xf32>,
      %broadcast_in_dim3A_1104 = arith.constant 0.000000e+00 : f32
      %broadcast_in_dim3A_1105 = vector.broadcast %broadcast_in_dim3A_1104 : f32 to vector<16xf32>
      %swap3A_1106 = arith.constant 3 : i32
      %swap3A_1107 = arith.index_cast %swap3A_1106 : i32 to index
      %swap3A_1108 = arith.constant 64 : index
      %swap3A_1109 = tpu.vector_load %arg13[%swap3A_1107, %swap3A_1108] {strides = array<i32>} : memref<16x128xf32, #tpu.memory_space<vmem>>, vector<16xf32>,
      tpu.vector_store %arg13[%swap3A_1107, %swap3A_1108], %broadcast_in_dim3A_1105 {strides = array<i32>} : memref<16x128xf32, #tpu.memory_space<vmem>>, vector<16xf32>,
      %broadcast_in_dim3A_1110 = arith.constant 0.000000e+00 : f32
      %broadcast_in_dim3A_1111 = vector.broadcast %broadcast_in_dim3A_1110 : f32 to vector<16xf32>
      %swap3A_1112 = arith.constant 3 : i32
      %swap3A_1113 = arith.index_cast %swap3A_1112 : i32 to index
      %swap3A_1114 = arith.constant 80 : index
      %swap3A_1115 = tpu.vector_load %arg13[%swap3A_1113, %swap3A_1114] {strides = array<i32>} : memref<16x128xf32, #tpu.memory_space<vmem>>, vector<16xf32>,
      tpu.vector_store %arg13[%swap3A_1113, %swap3A_1114], %broadcast_in_dim3A_1111 {strides = array<i32>} : memref<16x128xf32, #tpu.memory_space<vmem>>, vector<16xf32>,
      %broadcast_in_dim3A_1116 = arith.constant 0.000000e+00 : f32
      %broadcast_in_dim3A_1117 = vector.broadcast %broadcast_in_dim3A_1116 : f32 to vector<16xf32>
      %swap3A_1118 = arith.constant 3 : i32
      %swap3A_1119 = arith.index_cast %swap3A_1118 : i32 to index
      %swap3A_1120 = arith.constant 96 : index
      %swap3A_1121 = tpu.vector_load %arg13[%swap3A_1119, %swap3A_1120] {strides = array<i32>} : memref<16x128xf32, #tpu.memory_space<vmem>>, vector<16xf32>,
      tpu.vector_store %arg13[%swap3A_1119, %swap3A_1120], %broadcast_in_dim3A_1117 {strides = array<i32>} : memref<16x128xf32, #tpu.memory_space<vmem>>, vector<16xf32>,
      %broadcast_in_dim3A_1122 = arith.constant 0.000000e+00 : f32
      %broadcast_in_dim3A_1123 = vector.broadcast %broadcast_in_dim3A_1122 : f32 to vector<16xf32>
      %swap3A_1124 = arith.constant 3 : i32
      %swap3A_1125 = arith.index_cast %swap3A_1124 : i32 to index
      %swap3A_1126 = arith.constant 112 : index
      %swap3A_1127 = tpu.vector_load %arg13[%swap3A_1125, %swap3A_1126] {strides = array<i32>} : memref<16x128xf32, #tpu.memory_space<vmem>>, vector<16xf32>,
      tpu.vector_store %arg13[%swap3A_1125, %swap3A_1126], %broadcast_in_dim3A_1123 {strides = array<i32>} : memref<16x128xf32, #tpu.memory_space<vmem>>, vector<16xf32>,
      %broadcast_in_dim3A_1128 = arith.constant 0.000000e+00 : f32
      %broadcast_in_dim3A_1129 = vector.broadcast %broadcast_in_dim3A_1128 : f32 to vector<16xf32>
      %swap3A_1130 = arith.constant 4 : i32
      %swap3A_1131 = arith.index_cast %swap3A_1130 : i32 to index
      %swap3A_1132 = arith.constant 0 : index
      %swap3A_1133 = tpu.vector_load %arg13[%swap3A_1131, %swap3A_1132] {strides = array<i32>} : memref<16x128xf32, #tpu.memory_space<vmem>>, vector<16xf32>,
      tpu.vector_store %arg13[%swap3A_1131, %swap3A_1132], %broadcast_in_dim3A_1129 {strides = array<i32>} : memref<16x128xf32, #tpu.memory_space<vmem>>, vector<16xf32>,
      %broadcast_in_dim3A_1134 = arith.constant 0.000000e+00 : f32
      %broadcast_in_dim3A_1135 = vector.broadcast %broadcast_in_dim3A_1134 : f32 to vector<16xf32>
      %swap3A_1136 = arith.constant 4 : i32
      %swap3A_1137 = arith.index_cast %swap3A_1136 : i32 to index
      %swap3A_1138 = arith.constant 16 : index
      %swap3A_1139 = tpu.vector_load %arg13[%swap3A_1137, %swap3A_1138] {strides = array<i32>} : memref<16x128xf32, #tpu.memory_space<vmem>>, vector<16xf32>,
      tpu.vector_store %arg13[%swap3A_1137, %swap3A_1138], %broadcast_in_dim3A_1135 {strides = array<i32>} : memref<16x128xf32, #tpu.memory_space<vmem>>, vector<16xf32>,
      %broadcast_in_dim3A_1140 = arith.constant 0.000000e+00 : f32
      %broadcast_in_dim3A_1141 = vector.broadcast %broadcast_in_dim3A_1140 : f32 to vector<16xf32>
      %swap3A_1142 = arith.constant 4 : i32
      %swap3A_1143 = arith.index_cast %swap3A_1142 : i32 to index
      %swap3A_1144 = arith.constant 32 : index
      %swap3A_1145 = tpu.vector_load %arg13[%swap3A_1143, %swap3A_1144] {strides = array<i32>} : memref<16x128xf32, #tpu.memory_space<vmem>>, vector<16xf32>,
      tpu.vector_store %arg13[%swap3A_1143, %swap3A_1144], %broadcast_in_dim3A_1141 {strides = array<i32>} : memref<16x128xf32, #tpu.memory_space<vmem>>, vector<16xf32>,
      %broadcast_in_dim3A_1146 = arith.constant 0.000000e+00 : f32
      %broadcast_in_dim3A_1147 = vector.broadcast %broadcast_in_dim3A_1146 : f32 to vector<16xf32>
      %swap3A_1148 = arith.constant 4 : i32
      %swap3A_1149 = arith.index_cast %swap3A_1148 : i32 to index
      %swap3A_1150 = arith.constant 48 : index
      %swap3A_1151 = tpu.vector_load %arg13[%swap3A_1149, %swap3A_1150] {strides = array<i32>} : memref<16x128xf32, #tpu.memory_space<vmem>>, vector<16xf32>,
      tpu.vector_store %arg13[%swap3A_1149, %swap3A_1150], %broadcast_in_dim3A_1147 {strides = array<i32>} : memref<16x128xf32, #tpu.memory_space<vmem>>, vector<16xf32>,
      %broadcast_in_dim3A_1152 = arith.constant 0.000000e+00 : f32
      %broadcast_in_dim3A_1153 = vector.broadcast %broadcast_in_dim3A_1152 : f32 to vector<16xf32>
      %swap3A_1154 = arith.constant 4 : i32
      %swap3A_1155 = arith.index_cast %swap3A_1154 : i32 to index
      %swap3A_1156 = arith.constant 64 : index
      %swap3A_1157 = tpu.vector_load %arg13[%swap3A_1155, %swap3A_1156] {strides = array<i32>} : memref<16x128xf32, #tpu.memory_space<vmem>>, vector<16xf32>,
      tpu.vector_store %arg13[%swap3A_1155, %swap3A_1156], %broadcast_in_dim3A_1153 {strides = array<i32>} : memref<16x128xf32, #tpu.memory_space<vmem>>, vector<16xf32>,
      %broadcast_in_dim3A_1158 = arith.constant 0.000000e+00 : f32
      %broadcast_in_dim3A_1159 = vector.broadcast %broadcast_in_dim3A_1158 : f32 to vector<16xf32>
      %swap3A_1160 = arith.constant 4 : i32
      %swap3A_1161 = arith.index_cast %swap3A_1160 : i32 to index
      %swap3A_1162 = arith.constant 80 : index
      %swap3A_1163 = tpu.vector_load %arg13[%swap3A_1161, %swap3A_1162] {strides = array<i32>} : memref<16x128xf32, #tpu.memory_space<vmem>>, vector<16xf32>,
      tpu.vector_store %arg13[%swap3A_1161, %swap3A_1162], %broadcast_in_dim3A_1159 {strides = array<i32>} : memref<16x128xf32, #tpu.memory_space<vmem>>, vector<16xf32>,
      %broadcast_in_dim3A_1164 = arith.constant 0.000000e+00 : f32
      %broadcast_in_dim3A_1165 = vector.broadcast %broadcast_in_dim3A_1164 : f32 to vector<16xf32>
      %swap3A_1166 = arith.constant 4 : i32
      %swap3A_1167 = arith.index_cast %swap3A_1166 : i32 to index
      %swap3A_1168 = arith.constant 96 : index
      %swap3A_1169 = tpu.vector_load %arg13[%swap3A_1167, %swap3A_1168] {strides = array<i32>} : memref<16x128xf32, #tpu.memory_space<vmem>>, vector<16xf32>,
      tpu.vector_store %arg13[%swap3A_1167, %swap3A_1168], %broadcast_in_dim3A_1165 {strides = array<i32>} : memref<16x128xf32, #tpu.memory_space<vmem>>, vector<16xf32>,
      %broadcast_in_dim3A_1170 = arith.constant 0.000000e+00 : f32
      %broadcast_in_dim3A_1171 = vector.broadcast %broadcast_in_dim3A_1170 : f32 to vector<16xf32>
      %swap3A_1172 = arith.constant 4 : i32
      %swap3A_1173 = arith.index_cast %swap3A_1172 : i32 to index
      %swap3A_1174 = arith.constant 112 : index
      %swap3A_1175 = tpu.vector_load %arg13[%swap3A_1173, %swap3A_1174] {strides = array<i32>} : memref<16x128xf32, #tpu.memory_space<vmem>>, vector<16xf32>,
      tpu.vector_store %arg13[%swap3A_1173, %swap3A_1174], %broadcast_in_dim3A_1171 {strides = array<i32>} : memref<16x128xf32, #tpu.memory_space<vmem>>, vector<16xf32>,
      %broadcast_in_dim3A_1176 = arith.constant 0.000000e+00 : f32
      %broadcast_in_dim3A_1177 = vector.broadcast %broadcast_in_dim3A_1176 : f32 to vector<16xf32>
      %swap3A_1178 = arith.constant 5 : i32
      %swap3A_1179 = arith.index_cast %swap3A_1178 : i32 to index
      %swap3A_1180 = arith.constant 0 : index
      %swap3A_1181 = tpu.vector_load %arg13[%swap3A_1179, %swap3A_1180] {strides = array<i32>} : memref<16x128xf32, #tpu.memory_space<vmem>>, vector<16xf32>,
      tpu.vector_store %arg13[%swap3A_1179, %swap3A_1180], %broadcast_in_dim3A_1177 {strides = array<i32>} : memref<16x128xf32, #tpu.memory_space<vmem>>, vector<16xf32>,
      %broadcast_in_dim3A_1182 = arith.constant 0.000000e+00 : f32
      %broadcast_in_dim3A_1183 = vector.broadcast %broadcast_in_dim3A_1182 : f32 to vector<16xf32>
      %swap3A_1184 = arith.constant 5 : i32
      %swap3A_1185 = arith.index_cast %swap3A_1184 : i32 to index
      %swap3A_1186 = arith.constant 16 : index
      %swap3A_1187 = tpu.vector_load %arg13[%swap3A_1185, %swap3A_1186] {strides = array<i32>} : memref<16x128xf32, #tpu.memory_space<vmem>>, vector<16xf32>,
      tpu.vector_store %arg13[%swap3A_1185, %swap3A_1186], %broadcast_in_dim3A_1183 {strides = array<i32>} : memref<16x128xf32, #tpu.memory_space<vmem>>, vector<16xf32>,
      %broadcast_in_dim3A_1188 = arith.constant 0.000000e+00 : f32
      %broadcast_in_dim3A_1189 = vector.broadcast %broadcast_in_dim3A_1188 : f32 to vector<16xf32>
      %swap3A_1190 = arith.constant 5 : i32
      %swap3A_1191 = arith.index_cast %swap3A_1190 : i32 to index
      %swap3A_1192 = arith.constant 32 : index
      %swap3A_1193 = tpu.vector_load %arg13[%swap3A_1191, %swap3A_1192] {strides = array<i32>} : memref<16x128xf32, #tpu.memory_space<vmem>>, vector<16xf32>,
      tpu.vector_store %arg13[%swap3A_1191, %swap3A_1192], %broadcast_in_dim3A_1189 {strides = array<i32>} : memref<16x128xf32, #tpu.memory_space<vmem>>, vector<16xf32>,
      %broadcast_in_dim3A_1194 = arith.constant 0.000000e+00 : f32
      %broadcast_in_dim3A_1195 = vector.broadcast %broadcast_in_dim3A_1194 : f32 to vector<16xf32>
      %swap3A_1196 = arith.constant 5 : i32
      %swap3A_1197 = arith.index_cast %swap3A_1196 : i32 to index
      %swap3A_1198 = arith.constant 48 : index
      %swap3A_1199 = tpu.vector_load %arg13[%swap3A_1197, %swap3A_1198] {strides = array<i32>} : memref<16x128xf32, #tpu.memory_space<vmem>>, vector<16xf32>,
      tpu.vector_store %arg13[%swap3A_1197, %swap3A_1198], %broadcast_in_dim3A_1195 {strides = array<i32>} : memref<16x128xf32, #tpu.memory_space<vmem>>, vector<16xf32>,
      %broadcast_in_dim3A_1200 = arith.constant 0.000000e+00 : f32
      %broadcast_in_dim3A_1201 = vector.broadcast %broadcast_in_dim3A_1200 : f32 to vector<16xf32>
      %swap3A_1202 = arith.constant 5 : i32
      %swap3A_1203 = arith.index_cast %swap3A_1202 : i32 to index
      %swap3A_1204 = arith.constant 64 : index
      %swap3A_1205 = tpu.vector_load %arg13[%swap3A_1203, %swap3A_1204] {strides = array<i32>} : memref<16x128xf32, #tpu.memory_space<vmem>>, vector<16xf32>,
      tpu.vector_store %arg13[%swap3A_1203, %swap3A_1204], %broadcast_in_dim3A_1201 {strides = array<i32>} : memref<16x128xf32, #tpu.memory_space<vmem>>, vector<16xf32>,
      %broadcast_in_dim3A_1206 = arith.constant 0.000000e+00 : f32
      %broadcast_in_dim3A_1207 = vector.broadcast %broadcast_in_dim3A_1206 : f32 to vector<16xf32>
      %swap3A_1208 = arith.constant 5 : i32
      %swap3A_1209 = arith.index_cast %swap3A_1208 : i32 to index
      %swap3A_1210 = arith.constant 80 : index
      %swap3A_1211 = tpu.vector_load %arg13[%swap3A_1209, %swap3A_1210] {strides = array<i32>} : memref<16x128xf32, #tpu.memory_space<vmem>>, vector<16xf32>,
      tpu.vector_store %arg13[%swap3A_1209, %swap3A_1210], %broadcast_in_dim3A_1207 {strides = array<i32>} : memref<16x128xf32, #tpu.memory_space<vmem>>, vector<16xf32>,
      %broadcast_in_dim3A_1212 = arith.constant 0.000000e+00 : f32
      %broadcast_in_dim3A_1213 = vector.broadcast %broadcast_in_dim3A_1212 : f32 to vector<16xf32>
      %swap3A_1214 = arith.constant 5 : i32
      %swap3A_1215 = arith.index_cast %swap3A_1214 : i32 to index
      %swap3A_1216 = arith.constant 96 : index
      %swap3A_1217 = tpu.vector_load %arg13[%swap3A_1215, %swap3A_1216] {strides = array<i32>} : memref<16x128xf32, #tpu.memory_space<vmem>>, vector<16xf32>,
      tpu.vector_store %arg13[%swap3A_1215, %swap3A_1216], %broadcast_in_dim3A_1213 {strides = array<i32>} : memref<16x128xf32, #tpu.memory_space<vmem>>, vector<16xf32>,
      %broadcast_in_dim3A_1218 = arith.constant 0.000000e+00 : f32
      %broadcast_in_dim3A_1219 = vector.broadcast %broadcast_in_dim3A_1218 : f32 to vector<16xf32>
      %swap3A_1220 = arith.constant 5 : i32
      %swap3A_1221 = arith.index_cast %swap3A_1220 : i32 to index
      %swap3A_1222 = arith.constant 112 : index
      %swap3A_1223 = tpu.vector_load %arg13[%swap3A_1221, %swap3A_1222] {strides = array<i32>} : memref<16x128xf32, #tpu.memory_space<vmem>>, vector<16xf32>,
      tpu.vector_store %arg13[%swap3A_1221, %swap3A_1222], %broadcast_in_dim3A_1219 {strides = array<i32>} : memref<16x128xf32, #tpu.memory_space<vmem>>, vector<16xf32>,
      %broadcast_in_dim3A_1224 = arith.constant 0.000000e+00 : f32
      %broadcast_in_dim3A_1225 = vector.broadcast %broadcast_in_dim3A_1224 : f32 to vector<16xf32>
      %swap3A_1226 = arith.constant 6 : i32
      %swap3A_1227 = arith.index_cast %swap3A_1226 : i32 to index
      %swap3A_1228 = arith.constant 0 : index
      %swap3A_1229 = tpu.vector_load %arg13[%swap3A_1227, %swap3A_1228] {strides = array<i32>} : memref<16x128xf32, #tpu.memory_space<vmem>>, vector<16xf32>,
      tpu.vector_store %arg13[%swap3A_1227, %swap3A_1228], %broadcast_in_dim3A_1225 {strides = array<i32>} : memref<16x128xf32, #tpu.memory_space<vmem>>, vector<16xf32>,
      %broadcast_in_dim3A_1230 = arith.constant 0.000000e+00 : f32
      %broadcast_in_dim3A_1231 = vector.broadcast %broadcast_in_dim3A_1230 : f32 to vector<16xf32>
      %swap3A_1232 = arith.constant 6 : i32
      %swap3A_1233 = arith.index_cast %swap3A_1232 : i32 to index
      %swap3A_1234 = arith.constant 16 : index
      %swap3A_1235 = tpu.vector_load %arg13[%swap3A_1233, %swap3A_1234] {strides = array<i32>} : memref<16x128xf32, #tpu.memory_space<vmem>>, vector<16xf32>,
      tpu.vector_store %arg13[%swap3A_1233, %swap3A_1234], %broadcast_in_dim3A_1231 {strides = array<i32>} : memref<16x128xf32, #tpu.memory_space<vmem>>, vector<16xf32>,
      %broadcast_in_dim3A_1236 = arith.constant 0.000000e+00 : f32
      %broadcast_in_dim3A_1237 = vector.broadcast %broadcast_in_dim3A_1236 : f32 to vector<16xf32>
      %swap3A_1238 = arith.constant 6 : i32
      %swap3A_1239 = arith.index_cast %swap3A_1238 : i32 to index
      %swap3A_1240 = arith.constant 32 : index
      %swap3A_1241 = tpu.vector_load %arg13[%swap3A_1239, %swap3A_1240] {strides = array<i32>} : memref<16x128xf32, #tpu.memory_space<vmem>>, vector<16xf32>,
      tpu.vector_store %arg13[%swap3A_1239, %swap3A_1240], %broadcast_in_dim3A_1237 {strides = array<i32>} : memref<16x128xf32, #tpu.memory_space<vmem>>, vector<16xf32>,
      %broadcast_in_dim3A_1242 = arith.constant 0.000000e+00 : f32
      %broadcast_in_dim3A_1243 = vector.broadcast %broadcast_in_dim3A_1242 : f32 to vector<16xf32>
      %swap3A_1244 = arith.constant 6 : i32
      %swap3A_1245 = arith.index_cast %swap3A_1244 : i32 to index
      %swap3A_1246 = arith.constant 48 : index
      %swap3A_1247 = tpu.vector_load %arg13[%swap3A_1245, %swap3A_1246] {strides = array<i32>} : memref<16x128xf32, #tpu.memory_space<vmem>>, vector<16xf32>,
      tpu.vector_store %arg13[%swap3A_1245, %swap3A_1246], %broadcast_in_dim3A_1243 {strides = array<i32>} : memref<16x128xf32, #tpu.memory_space<vmem>>, vector<16xf32>,
      %broadcast_in_dim3A_1248 = arith.constant 0.000000e+00 : f32
      %broadcast_in_dim3A_1249 = vector.broadcast %broadcast_in_dim3A_1248 : f32 to vector<16xf32>
      %swap3A_1250 = arith.constant 6 : i32
      %swap3A_1251 = arith.index_cast %swap3A_1250 : i32 to index
      %swap3A_1252 = arith.constant 64 : index
      %swap3A_1253 = tpu.vector_load %arg13[%swap3A_1251, %swap3A_1252] {strides = array<i32>} : memref<16x128xf32, #tpu.memory_space<vmem>>, vector<16xf32>,
      tpu.vector_store %arg13[%swap3A_1251, %swap3A_1252], %broadcast_in_dim3A_1249 {strides = array<i32>} : memref<16x128xf32, #tpu.memory_space<vmem>>, vector<16xf32>,
      %broadcast_in_dim3A_1254 = arith.constant 0.000000e+00 : f32
      %broadcast_in_dim3A_1255 = vector.broadcast %broadcast_in_dim3A_1254 : f32 to vector<16xf32>
      %swap3A_1256 = arith.constant 6 : i32
      %swap3A_1257 = arith.index_cast %swap3A_1256 : i32 to index
      %swap3A_1258 = arith.constant 80 : index
      %swap3A_1259 = tpu.vector_load %arg13[%swap3A_1257, %swap3A_1258] {strides = array<i32>} : memref<16x128xf32, #tpu.memory_space<vmem>>, vector<16xf32>,
      tpu.vector_store %arg13[%swap3A_1257, %swap3A_1258], %broadcast_in_dim3A_1255 {strides = array<i32>} : memref<16x128xf32, #tpu.memory_space<vmem>>, vector<16xf32>,
      %broadcast_in_dim3A_1260 = arith.constant 0.000000e+00 : f32
      %broadcast_in_dim3A_1261 = vector.broadcast %broadcast_in_dim3A_1260 : f32 to vector<16xf32>
      %swap3A_1262 = arith.constant 6 : i32
      %swap3A_1263 = arith.index_cast %swap3A_1262 : i32 to index
      %swap3A_1264 = arith.constant 96 : index
      %swap3A_1265 = tpu.vector_load %arg13[%swap3A_1263, %swap3A_1264] {strides = array<i32>} : memref<16x128xf32, #tpu.memory_space<vmem>>, vector<16xf32>,
      tpu.vector_store %arg13[%swap3A_1263, %swap3A_1264], %broadcast_in_dim3A_1261 {strides = array<i32>} : memref<16x128xf32, #tpu.memory_space<vmem>>, vector<16xf32>,
      %broadcast_in_dim3A_1266 = arith.constant 0.000000e+00 : f32
      %broadcast_in_dim3A_1267 = vector.broadcast %broadcast_in_dim3A_1266 : f32 to vector<16xf32>
      %swap3A_1268 = arith.constant 6 : i32
      %swap3A_1269 = arith.index_cast %swap3A_1268 : i32 to index
      %swap3A_1270 = arith.constant 112 : index
      %swap3A_1271 = tpu.vector_load %arg13[%swap3A_1269, %swap3A_1270] {strides = array<i32>} : memref<16x128xf32, #tpu.memory_space<vmem>>, vector<16xf32>,
      tpu.vector_store %arg13[%swap3A_1269, %swap3A_1270], %broadcast_in_dim3A_1267 {strides = array<i32>} : memref<16x128xf32, #tpu.memory_space<vmem>>, vector<16xf32>,
      %broadcast_in_dim3A_1272 = arith.constant 0.000000e+00 : f32
      %broadcast_in_dim3A_1273 = vector.broadcast %broadcast_in_dim3A_1272 : f32 to vector<16xf32>
      %swap3A_1274 = arith.constant 7 : i32
      %swap3A_1275 = arith.index_cast %swap3A_1274 : i32 to index
      %swap3A_1276 = arith.constant 0 : index
      %swap3A_1277 = tpu.vector_load %arg13[%swap3A_1275, %swap3A_1276] {strides = array<i32>} : memref<16x128xf32, #tpu.memory_space<vmem>>, vector<16xf32>,
      tpu.vector_store %arg13[%swap3A_1275, %swap3A_1276], %broadcast_in_dim3A_1273 {strides = array<i32>} : memref<16x128xf32, #tpu.memory_space<vmem>>, vector<16xf32>,
      %broadcast_in_dim3A_1278 = arith.constant 0.000000e+00 : f32
      %broadcast_in_dim3A_1279 = vector.broadcast %broadcast_in_dim3A_1278 : f32 to vector<16xf32>
      %swap3A_1280 = arith.constant 7 : i32
      %swap3A_1281 = arith.index_cast %swap3A_1280 : i32 to index
      %swap3A_1282 = arith.constant 16 : index
      %swap3A_1283 = tpu.vector_load %arg13[%swap3A_1281, %swap3A_1282] {strides = array<i32>} : memref<16x128xf32, #tpu.memory_space<vmem>>, vector<16xf32>,
      tpu.vector_store %arg13[%swap3A_1281, %swap3A_1282], %broadcast_in_dim3A_1279 {strides = array<i32>} : memref<16x128xf32, #tpu.memory_space<vmem>>, vector<16xf32>,
      %broadcast_in_dim3A_1284 = arith.constant 0.000000e+00 : f32
      %broadcast_in_dim3A_1285 = vector.broadcast %broadcast_in_dim3A_1284 : f32 to vector<16xf32>
      %swap3A_1286 = arith.constant 7 : i32
      %swap3A_1287 = arith.index_cast %swap3A_1286 : i32 to index
      %swap3A_1288 = arith.constant 32 : index
      %swap3A_1289 = tpu.vector_load %arg13[%swap3A_1287, %swap3A_1288] {strides = array<i32>} : memref<16x128xf32, #tpu.memory_space<vmem>>, vector<16xf32>,
      tpu.vector_store %arg13[%swap3A_1287, %swap3A_1288], %broadcast_in_dim3A_1285 {strides = array<i32>} : memref<16x128xf32, #tpu.memory_space<vmem>>, vector<16xf32>,
      %broadcast_in_dim3A_1290 = arith.constant 0.000000e+00 : f32
      %broadcast_in_dim3A_1291 = vector.broadcast %broadcast_in_dim3A_1290 : f32 to vector<16xf32>
      %swap3A_1292 = arith.constant 7 : i32
      %swap3A_1293 = arith.index_cast %swap3A_1292 : i32 to index
      %swap3A_1294 = arith.constant 48 : index
      %swap3A_1295 = tpu.vector_load %arg13[%swap3A_1293, %swap3A_1294] {strides = array<i32>} : memref<16x128xf32, #tpu.memory_space<vmem>>, vector<16xf32>,
      tpu.vector_store %arg13[%swap3A_1293, %swap3A_1294], %broadcast_in_dim3A_1291 {strides = array<i32>} : memref<16x128xf32, #tpu.memory_space<vmem>>, vector<16xf32>,
      %broadcast_in_dim3A_1296 = arith.constant 0.000000e+00 : f32
      %broadcast_in_dim3A_1297 = vector.broadcast %broadcast_in_dim3A_1296 : f32 to vector<16xf32>
      %swap3A_1298 = arith.constant 7 : i32
      %swap3A_1299 = arith.index_cast %swap3A_1298 : i32 to index
      %swap3A_1300 = arith.constant 64 : index
      %swap3A_1301 = tpu.vector_load %arg13[%swap3A_1299, %swap3A_1300] {strides = array<i32>} : memref<16x128xf32, #tpu.memory_space<vmem>>, vector<16xf32>,
      tpu.vector_store %arg13[%swap3A_1299, %swap3A_1300], %broadcast_in_dim3A_1297 {strides = array<i32>} : memref<16x128xf32, #tpu.memory_space<vmem>>, vector<16xf32>,
      %broadcast_in_dim3A_1302 = arith.constant 0.000000e+00 : f32
      %broadcast_in_dim3A_1303 = vector.broadcast %broadcast_in_dim3A_1302 : f32 to vector<16xf32>
      %swap3A_1304 = arith.constant 7 : i32
      %swap3A_1305 = arith.index_cast %swap3A_1304 : i32 to index
      %swap3A_1306 = arith.constant 80 : index
      %swap3A_1307 = tpu.vector_load %arg13[%swap3A_1305, %swap3A_1306] {strides = array<i32>} : memref<16x128xf32, #tpu.memory_space<vmem>>, vector<16xf32>,
      tpu.vector_store %arg13[%swap3A_1305, %swap3A_1306], %broadcast_in_dim3A_1303 {strides = array<i32>} : memref<16x128xf32, #tpu.memory_space<vmem>>, vector<16xf32>,
      %broadcast_in_dim3A_1308 = arith.constant 0.000000e+00 : f32
      %broadcast_in_dim3A_1309 = vector.broadcast %broadcast_in_dim3A_1308 : f32 to vector<16xf32>
      %swap3A_1310 = arith.constant 7 : i32
      %swap3A_1311 = arith.index_cast %swap3A_1310 : i32 to index
      %swap3A_1312 = arith.constant 96 : index
      %swap3A_1313 = tpu.vector_load %arg13[%swap3A_1311, %swap3A_1312] {strides = array<i32>} : memref<16x128xf32, #tpu.memory_space<vmem>>, vector<16xf32>,
      tpu.vector_store %arg13[%swap3A_1311, %swap3A_1312], %broadcast_in_dim3A_1309 {strides = array<i32>} : memref<16x128xf32, #tpu.memory_space<vmem>>, vector<16xf32>,
      %broadcast_in_dim3A_1314 = arith.constant 0.000000e+00 : f32
      %broadcast_in_dim3A_1315 = vector.broadcast %broadcast_in_dim3A_1314 : f32 to vector<16xf32>
      %swap3A_1316 = arith.constant 7 : i32
      %swap3A_1317 = arith.index_cast %swap3A_1316 : i32 to index
      %swap3A_1318 = arith.constant 112 : index
      %swap3A_1319 = tpu.vector_load %arg13[%swap3A_1317, %swap3A_1318] {strides = array<i32>} : memref<16x128xf32, #tpu.memory_space<vmem>>, vector<16xf32>,
      tpu.vector_store %arg13[%swap3A_1317, %swap3A_1318], %broadcast_in_dim3A_1315 {strides = array<i32>} : memref<16x128xf32, #tpu.memory_space<vmem>>, vector<16xf32>,
      %broadcast_in_dim3A_1320 = arith.constant 0.000000e+00 : f32
      %broadcast_in_dim3A_1321 = vector.broadcast %broadcast_in_dim3A_1320 : f32 to vector<16xf32>
      %swap3A_1322 = arith.constant 8 : i32
      %swap3A_1323 = arith.index_cast %swap3A_1322 : i32 to index
      %swap3A_1324 = arith.constant 0 : index
      %swap3A_1325 = tpu.vector_load %arg13[%swap3A_1323, %swap3A_1324] {strides = array<i32>} : memref<16x128xf32, #tpu.memory_space<vmem>>, vector<16xf32>,
      tpu.vector_store %arg13[%swap3A_1323, %swap3A_1324], %broadcast_in_dim3A_1321 {strides = array<i32>} : memref<16x128xf32, #tpu.memory_space<vmem>>, vector<16xf32>,
      %broadcast_in_dim3A_1326 = arith.constant 0.000000e+00 : f32
      %broadcast_in_dim3A_1327 = vector.broadcast %broadcast_in_dim3A_1326 : f32 to vector<16xf32>
      %swap3A_1328 = arith.constant 8 : i32
      %swap3A_1329 = arith.index_cast %swap3A_1328 : i32 to index
      %swap3A_1330 = arith.constant 16 : index
      %swap3A_1331 = tpu.vector_load %arg13[%swap3A_1329, %swap3A_1330] {strides = array<i32>} : memref<16x128xf32, #tpu.memory_space<vmem>>, vector<16xf32>,
      tpu.vector_store %arg13[%swap3A_1329, %swap3A_1330], %broadcast_in_dim3A_1327 {strides = array<i32>} : memref<16x128xf32, #tpu.memory_space<vmem>>, vector<16xf32>,
      %broadcast_in_dim3A_1332 = arith.constant 0.000000e+00 : f32
      %broadcast_in_dim3A_1333 = vector.broadcast %broadcast_in_dim3A_1332 : f32 to vector<16xf32>
      %swap3A_1334 = arith.constant 8 : i32
      %swap3A_1335 = arith.index_cast %swap3A_1334 : i32 to index
      %swap3A_1336 = arith.constant 32 : index
      %swap3A_1337 = tpu.vector_load %arg13[%swap3A_1335, %swap3A_1336] {strides = array<i32>} : memref<16x128xf32, #tpu.memory_space<vmem>>, vector<16xf32>,
      tpu.vector_store %arg13[%swap3A_1335, %swap3A_1336], %broadcast_in_dim3A_1333 {strides = array<i32>} : memref<16x128xf32, #tpu.memory_space<vmem>>, vector<16xf32>,
      %broadcast_in_dim3A_1338 = arith.constant 0.000000e+00 : f32
      %broadcast_in_dim3A_1339 = vector.broadcast %broadcast_in_dim3A_1338 : f32 to vector<16xf32>
      %swap3A_1340 = arith.constant 8 : i32
      %swap3A_1341 = arith.index_cast %swap3A_1340 : i32 to index
      %swap3A_1342 = arith.constant 48 : index
      %swap3A_1343 = tpu.vector_load %arg13[%swap3A_1341, %swap3A_1342] {strides = array<i32>} : memref<16x128xf32, #tpu.memory_space<vmem>>, vector<16xf32>,
      tpu.vector_store %arg13[%swap3A_1341, %swap3A_1342], %broadcast_in_dim3A_1339 {strides = array<i32>} : memref<16x128xf32, #tpu.memory_space<vmem>>, vector<16xf32>,
      %broadcast_in_dim3A_1344 = arith.constant 0.000000e+00 : f32
      %broadcast_in_dim3A_1345 = vector.broadcast %broadcast_in_dim3A_1344 : f32 to vector<16xf32>
      %swap3A_1346 = arith.constant 8 : i32
      %swap3A_1347 = arith.index_cast %swap3A_1346 : i32 to index
      %swap3A_1348 = arith.constant 64 : index
      %swap3A_1349 = tpu.vector_load %arg13[%swap3A_1347, %swap3A_1348] {strides = array<i32>} : memref<16x128xf32, #tpu.memory_space<vmem>>, vector<16xf32>,
      tpu.vector_store %arg13[%swap3A_1347, %swap3A_1348], %broadcast_in_dim3A_1345 {strides = array<i32>} : memref<16x128xf32, #tpu.memory_space<vmem>>, vector<16xf32>,
      %broadcast_in_dim3A_1350 = arith.constant 0.000000e+00 : f32
      %broadcast_in_dim3A_1351 = vector.broadcast %broadcast_in_dim3A_1350 : f32 to vector<16xf32>
      %swap3A_1352 = arith.constant 8 : i32
      %swap3A_1353 = arith.index_cast %swap3A_1352 : i32 to index
      %swap3A_1354 = arith.constant 80 : index
      %swap3A_1355 = tpu.vector_load %arg13[%swap3A_1353, %swap3A_1354] {strides = array<i32>} : memref<16x128xf32, #tpu.memory_space<vmem>>, vector<16xf32>,
      tpu.vector_store %arg13[%swap3A_1353, %swap3A_1354], %broadcast_in_dim3A_1351 {strides = array<i32>} : memref<16x128xf32, #tpu.memory_space<vmem>>, vector<16xf32>,
      %broadcast_in_dim3A_1356 = arith.constant 0.000000e+00 : f32
      %broadcast_in_dim3A_1357 = vector.broadcast %broadcast_in_dim3A_1356 : f32 to vector<16xf32>
      %swap3A_1358 = arith.constant 8 : i32
      %swap3A_1359 = arith.index_cast %swap3A_1358 : i32 to index
      %swap3A_1360 = arith.constant 96 : index
      %swap3A_1361 = tpu.vector_load %arg13[%swap3A_1359, %swap3A_1360] {strides = array<i32>} : memref<16x128xf32, #tpu.memory_space<vmem>>, vector<16xf32>,
      tpu.vector_store %arg13[%swap3A_1359, %swap3A_1360], %broadcast_in_dim3A_1357 {strides = array<i32>} : memref<16x128xf32, #tpu.memory_space<vmem>>, vector<16xf32>,
      %broadcast_in_dim3A_1362 = arith.constant 0.000000e+00 : f32
      %broadcast_in_dim3A_1363 = vector.broadcast %broadcast_in_dim3A_1362 : f32 to vector<16xf32>
      %swap3A_1364 = arith.constant 8 : i32
      %swap3A_1365 = arith.index_cast %swap3A_1364 : i32 to index
      %swap3A_1366 = arith.constant 112 : index
      %swap3A_1367 = tpu.vector_load %arg13[%swap3A_1365, %swap3A_1366] {strides = array<i32>} : memref<16x128xf32, #tpu.memory_space<vmem>>, vector<16xf32>,
      tpu.vector_store %arg13[%swap3A_1365, %swap3A_1366], %broadcast_in_dim3A_1363 {strides = array<i32>} : memref<16x128xf32, #tpu.memory_space<vmem>>, vector<16xf32>,
      %broadcast_in_dim3A_1368 = arith.constant 0.000000e+00 : f32
      %broadcast_in_dim3A_1369 = vector.broadcast %broadcast_in_dim3A_1368 : f32 to vector<16xf32>
      %swap3A_1370 = arith.constant 9 : i32
      %swap3A_1371 = arith.index_cast %swap3A_1370 : i32 to index
      %swap3A_1372 = arith.constant 0 : index
      %swap3A_1373 = tpu.vector_load %arg13[%swap3A_1371, %swap3A_1372] {strides = array<i32>} : memref<16x128xf32, #tpu.memory_space<vmem>>, vector<16xf32>,
      tpu.vector_store %arg13[%swap3A_1371, %swap3A_1372], %broadcast_in_dim3A_1369 {strides = array<i32>} : memref<16x128xf32, #tpu.memory_space<vmem>>, vector<16xf32>,
      %broadcast_in_dim3A_1374 = arith.constant 0.000000e+00 : f32
      %broadcast_in_dim3A_1375 = vector.broadcast %broadcast_in_dim3A_1374 : f32 to vector<16xf32>
      %swap3A_1376 = arith.constant 9 : i32
      %swap3A_1377 = arith.index_cast %swap3A_1376 : i32 to index
      %swap3A_1378 = arith.constant 16 : index
      %swap3A_1379 = tpu.vector_load %arg13[%swap3A_1377, %swap3A_1378] {strides = array<i32>} : memref<16x128xf32, #tpu.memory_space<vmem>>, vector<16xf32>,
      tpu.vector_store %arg13[%swap3A_1377, %swap3A_1378], %broadcast_in_dim3A_1375 {strides = array<i32>} : memref<16x128xf32, #tpu.memory_space<vmem>>, vector<16xf32>,
      %broadcast_in_dim3A_1380 = arith.constant 0.000000e+00 : f32
      %broadcast_in_dim3A_1381 = vector.broadcast %broadcast_in_dim3A_1380 : f32 to vector<16xf32>
      %swap3A_1382 = arith.constant 9 : i32
      %swap3A_1383 = arith.index_cast %swap3A_1382 : i32 to index
      %swap3A_1384 = arith.constant 32 : index
      %swap3A_1385 = tpu.vector_load %arg13[%swap3A_1383, %swap3A_1384] {strides = array<i32>} : memref<16x128xf32, #tpu.memory_space<vmem>>, vector<16xf32>,
      tpu.vector_store %arg13[%swap3A_1383, %swap3A_1384], %broadcast_in_dim3A_1381 {strides = array<i32>} : memref<16x128xf32, #tpu.memory_space<vmem>>, vector<16xf32>,
      %broadcast_in_dim3A_1386 = arith.constant 0.000000e+00 : f32
      %broadcast_in_dim3A_1387 = vector.broadcast %broadcast_in_dim3A_1386 : f32 to vector<16xf32>
      %swap3A_1388 = arith.constant 9 : i32
      %swap3A_1389 = arith.index_cast %swap3A_1388 : i32 to index
      %swap3A_1390 = arith.constant 48 : index
      %swap3A_1391 = tpu.vector_load %arg13[%swap3A_1389, %swap3A_1390] {strides = array<i32>} : memref<16x128xf32, #tpu.memory_space<vmem>>, vector<16xf32>,
      tpu.vector_store %arg13[%swap3A_1389, %swap3A_1390], %broadcast_in_dim3A_1387 {strides = array<i32>} : memref<16x128xf32, #tpu.memory_space<vmem>>, vector<16xf32>,
      %broadcast_in_dim3A_1392 = arith.constant 0.000000e+00 : f32
      %broadcast_in_dim3A_1393 = vector.broadcast %broadcast_in_dim3A_1392 : f32 to vector<16xf32>
      %swap3A_1394 = arith.constant 9 : i32
      %swap3A_1395 = arith.index_cast %swap3A_1394 : i32 to index
      %swap3A_1396 = arith.constant 64 : index
      %swap3A_1397 = tpu.vector_load %arg13[%swap3A_1395, %swap3A_1396] {strides = array<i32>} : memref<16x128xf32, #tpu.memory_space<vmem>>, vector<16xf32>,
      tpu.vector_store %arg13[%swap3A_1395, %swap3A_1396], %broadcast_in_dim3A_1393 {strides = array<i32>} : memref<16x128xf32, #tpu.memory_space<vmem>>, vector<16xf32>,
      %broadcast_in_dim3A_1398 = arith.constant 0.000000e+00 : f32
      %broadcast_in_dim3A_1399 = vector.broadcast %broadcast_in_dim3A_1398 : f32 to vector<16xf32>
      %swap3A_1400 = arith.constant 9 : i32
      %swap3A_1401 = arith.index_cast %swap3A_1400 : i32 to index
      %swap3A_1402 = arith.constant 80 : index
      %swap3A_1403 = tpu.vector_load %arg13[%swap3A_1401, %swap3A_1402] {strides = array<i32>} : memref<16x128xf32, #tpu.memory_space<vmem>>, vector<16xf32>,
      tpu.vector_store %arg13[%swap3A_1401, %swap3A_1402], %broadcast_in_dim3A_1399 {strides = array<i32>} : memref<16x128xf32, #tpu.memory_space<vmem>>, vector<16xf32>,
      %broadcast_in_dim3A_1404 = arith.constant 0.000000e+00 : f32
      %broadcast_in_dim3A_1405 = vector.broadcast %broadcast_in_dim3A_1404 : f32 to vector<16xf32>
      %swap3A_1406 = arith.constant 9 : i32
      %swap3A_1407 = arith.index_cast %swap3A_1406 : i32 to index
      %swap3A_1408 = arith.constant 96 : index
      %swap3A_1409 = tpu.vector_load %arg13[%swap3A_1407, %swap3A_1408] {strides = array<i32>} : memref<16x128xf32, #tpu.memory_space<vmem>>, vector<16xf32>,
      tpu.vector_store %arg13[%swap3A_1407, %swap3A_1408], %broadcast_in_dim3A_1405 {strides = array<i32>} : memref<16x128xf32, #tpu.memory_space<vmem>>, vector<16xf32>,
      %broadcast_in_dim3A_1410 = arith.constant 0.000000e+00 : f32
      %broadcast_in_dim3A_1411 = vector.broadcast %broadcast_in_dim3A_1410 : f32 to vector<16xf32>
      %swap3A_1412 = arith.constant 9 : i32
      %swap3A_1413 = arith.index_cast %swap3A_1412 : i32 to index
      %swap3A_1414 = arith.constant 112 : index
      %swap3A_1415 = tpu.vector_load %arg13[%swap3A_1413, %swap3A_1414] {strides = array<i32>} : memref<16x128xf32, #tpu.memory_space<vmem>>, vector<16xf32>,
      tpu.vector_store %arg13[%swap3A_1413, %swap3A_1414], %broadcast_in_dim3A_1411 {strides = array<i32>} : memref<16x128xf32, #tpu.memory_space<vmem>>, vector<16xf32>,
      %broadcast_in_dim3A_1416 = arith.constant 0.000000e+00 : f32
      %broadcast_in_dim3A_1417 = vector.broadcast %broadcast_in_dim3A_1416 : f32 to vector<16xf32>
      %swap3A_1418 = arith.constant 10 : i32
      %swap3A_1419 = arith.index_cast %swap3A_1418 : i32 to index
      %swap3A_1420 = arith.constant 0 : index
      %swap3A_1421 = tpu.vector_load %arg13[%swap3A_1419, %swap3A_1420] {strides = array<i32>} : memref<16x128xf32, #tpu.memory_space<vmem>>, vector<16xf32>,
      tpu.vector_store %arg13[%swap3A_1419, %swap3A_1420], %broadcast_in_dim3A_1417 {strides = array<i32>} : memref<16x128xf32, #tpu.memory_space<vmem>>, vector<16xf32>,
      %broadcast_in_dim3A_1422 = arith.constant 0.000000e+00 : f32
      %broadcast_in_dim3A_1423 = vector.broadcast %broadcast_in_dim3A_1422 : f32 to vector<16xf32>
      %swap3A_1424 = arith.constant 10 : i32
      %swap3A_1425 = arith.index_cast %swap3A_1424 : i32 to index
      %swap3A_1426 = arith.constant 16 : index
      %swap3A_1427 = tpu.vector_load %arg13[%swap3A_1425, %swap3A_1426] {strides = array<i32>} : memref<16x128xf32, #tpu.memory_space<vmem>>, vector<16xf32>,
      tpu.vector_store %arg13[%swap3A_1425, %swap3A_1426], %broadcast_in_dim3A_1423 {strides = array<i32>} : memref<16x128xf32, #tpu.memory_space<vmem>>, vector<16xf32>,
      %broadcast_in_dim3A_1428 = arith.constant 0.000000e+00 : f32
      %broadcast_in_dim3A_1429 = vector.broadcast %broadcast_in_dim3A_1428 : f32 to vector<16xf32>
      %swap3A_1430 = arith.constant 10 : i32
      %swap3A_1431 = arith.index_cast %swap3A_1430 : i32 to index
      %swap3A_1432 = arith.constant 32 : index
      %swap3A_1433 = tpu.vector_load %arg13[%swap3A_1431, %swap3A_1432] {strides = array<i32>} : memref<16x128xf32, #tpu.memory_space<vmem>>, vector<16xf32>,
      tpu.vector_store %arg13[%swap3A_1431, %swap3A_1432], %broadcast_in_dim3A_1429 {strides = array<i32>} : memref<16x128xf32, #tpu.memory_space<vmem>>, vector<16xf32>,
      %broadcast_in_dim3A_1434 = arith.constant 0.000000e+00 : f32
      %broadcast_in_dim3A_1435 = vector.broadcast %broadcast_in_dim3A_1434 : f32 to vector<16xf32>
      %swap3A_1436 = arith.constant 10 : i32
      %swap3A_1437 = arith.index_cast %swap3A_1436 : i32 to index
      %swap3A_1438 = arith.constant 48 : index
      %swap3A_1439 = tpu.vector_load %arg13[%swap3A_1437, %swap3A_1438] {strides = array<i32>} : memref<16x128xf32, #tpu.memory_space<vmem>>, vector<16xf32>,
      tpu.vector_store %arg13[%swap3A_1437, %swap3A_1438], %broadcast_in_dim3A_1435 {strides = array<i32>} : memref<16x128xf32, #tpu.memory_space<vmem>>, vector<16xf32>,
      %broadcast_in_dim3A_1440 = arith.constant 0.000000e+00 : f32
      %broadcast_in_dim3A_1441 = vector.broadcast %broadcast_in_dim3A_1440 : f32 to vector<16xf32>
      %swap3A_1442 = arith.constant 10 : i32
      %swap3A_1443 = arith.index_cast %swap3A_1442 : i32 to index
      %swap3A_1444 = arith.constant 64 : index
      %swap3A_1445 = tpu.vector_load %arg13[%swap3A_1443, %swap3A_1444] {strides = array<i32>} : memref<16x128xf32, #tpu.memory_space<vmem>>, vector<16xf32>,
      tpu.vector_store %arg13[%swap3A_1443, %swap3A_1444], %broadcast_in_dim3A_1441 {strides = array<i32>} : memref<16x128xf32, #tpu.memory_space<vmem>>, vector<16xf32>,
      %broadcast_in_dim3A_1446 = arith.constant 0.000000e+00 : f32
      %broadcast_in_dim3A_1447 = vector.broadcast %broadcast_in_dim3A_1446 : f32 to vector<16xf32>
      %swap3A_1448 = arith.constant 10 : i32
      %swap3A_1449 = arith.index_cast %swap3A_1448 : i32 to index
      %swap3A_1450 = arith.constant 80 : index
      %swap3A_1451 = tpu.vector_load %arg13[%swap3A_1449, %swap3A_1450] {strides = array<i32>} : memref<16x128xf32, #tpu.memory_space<vmem>>, vector<16xf32>,
      tpu.vector_store %arg13[%swap3A_1449, %swap3A_1450], %broadcast_in_dim3A_1447 {strides = array<i32>} : memref<16x128xf32, #tpu.memory_space<vmem>>, vector<16xf32>,
      %broadcast_in_dim3A_1452 = arith.constant 0.000000e+00 : f32
      %broadcast_in_dim3A_1453 = vector.broadcast %broadcast_in_dim3A_1452 : f32 to vector<16xf32>
      %swap3A_1454 = arith.constant 10 : i32
      %swap3A_1455 = arith.index_cast %swap3A_1454 : i32 to index
      %swap3A_1456 = arith.constant 96 : index
      %swap3A_1457 = tpu.vector_load %arg13[%swap3A_1455, %swap3A_1456] {strides = array<i32>} : memref<16x128xf32, #tpu.memory_space<vmem>>, vector<16xf32>,
      tpu.vector_store %arg13[%swap3A_1455, %swap3A_1456], %broadcast_in_dim3A_1453 {strides = array<i32>} : memref<16x128xf32, #tpu.memory_space<vmem>>, vector<16xf32>,
      %broadcast_in_dim3A_1458 = arith.constant 0.000000e+00 : f32
      %broadcast_in_dim3A_1459 = vector.broadcast %broadcast_in_dim3A_1458 : f32 to vector<16xf32>
      %swap3A_1460 = arith.constant 10 : i32
      %swap3A_1461 = arith.index_cast %swap3A_1460 : i32 to index
      %swap3A_1462 = arith.constant 112 : index
      %swap3A_1463 = tpu.vector_load %arg13[%swap3A_1461, %swap3A_1462] {strides = array<i32>} : memref<16x128xf32, #tpu.memory_space<vmem>>, vector<16xf32>,
      tpu.vector_store %arg13[%swap3A_1461, %swap3A_1462], %broadcast_in_dim3A_1459 {strides = array<i32>} : memref<16x128xf32, #tpu.memory_space<vmem>>, vector<16xf32>,
      %broadcast_in_dim3A_1464 = arith.constant 0.000000e+00 : f32
      %broadcast_in_dim3A_1465 = vector.broadcast %broadcast_in_dim3A_1464 : f32 to vector<16xf32>
      %swap3A_1466 = arith.constant 11 : i32
      %swap3A_1467 = arith.index_cast %swap3A_1466 : i32 to index
      %swap3A_1468 = arith.constant 0 : index
      %swap3A_1469 = tpu.vector_load %arg13[%swap3A_1467, %swap3A_1468] {strides = array<i32>} : memref<16x128xf32, #tpu.memory_space<vmem>>, vector<16xf32>,
      tpu.vector_store %arg13[%swap3A_1467, %swap3A_1468], %broadcast_in_dim3A_1465 {strides = array<i32>} : memref<16x128xf32, #tpu.memory_space<vmem>>, vector<16xf32>,
      %broadcast_in_dim3A_1470 = arith.constant 0.000000e+00 : f32
      %broadcast_in_dim3A_1471 = vector.broadcast %broadcast_in_dim3A_1470 : f32 to vector<16xf32>
      %swap3A_1472 = arith.constant 11 : i32
      %swap3A_1473 = arith.index_cast %swap3A_1472 : i32 to index
      %swap3A_1474 = arith.constant 16 : index
      %swap3A_1475 = tpu.vector_load %arg13[%swap3A_1473, %swap3A_1474] {strides = array<i32>} : memref<16x128xf32, #tpu.memory_space<vmem>>, vector<16xf32>,
      tpu.vector_store %arg13[%swap3A_1473, %swap3A_1474], %broadcast_in_dim3A_1471 {strides = array<i32>} : memref<16x128xf32, #tpu.memory_space<vmem>>, vector<16xf32>,
      %broadcast_in_dim3A_1476 = arith.constant 0.000000e+00 : f32
      %broadcast_in_dim3A_1477 = vector.broadcast %broadcast_in_dim3A_1476 : f32 to vector<16xf32>
      %swap3A_1478 = arith.constant 11 : i32
      %swap3A_1479 = arith.index_cast %swap3A_1478 : i32 to index
      %swap3A_1480 = arith.constant 32 : index
      %swap3A_1481 = tpu.vector_load %arg13[%swap3A_1479, %swap3A_1480] {strides = array<i32>} : memref<16x128xf32, #tpu.memory_space<vmem>>, vector<16xf32>,
      tpu.vector_store %arg13[%swap3A_1479, %swap3A_1480], %broadcast_in_dim3A_1477 {strides = array<i32>} : memref<16x128xf32, #tpu.memory_space<vmem>>, vector<16xf32>,
      %broadcast_in_dim3A_1482 = arith.constant 0.000000e+00 : f32
      %broadcast_in_dim3A_1483 = vector.broadcast %broadcast_in_dim3A_1482 : f32 to vector<16xf32>
      %swap3A_1484 = arith.constant 11 : i32
      %swap3A_1485 = arith.index_cast %swap3A_1484 : i32 to index
      %swap3A_1486 = arith.constant 48 : index
      %swap3A_1487 = tpu.vector_load %arg13[%swap3A_1485, %swap3A_1486] {strides = array<i32>} : memref<16x128xf32, #tpu.memory_space<vmem>>, vector<16xf32>,
      tpu.vector_store %arg13[%swap3A_1485, %swap3A_1486], %broadcast_in_dim3A_1483 {strides = array<i32>} : memref<16x128xf32, #tpu.memory_space<vmem>>, vector<16xf32>,
      %broadcast_in_dim3A_1488 = arith.constant 0.000000e+00 : f32
      %broadcast_in_dim3A_1489 = vector.broadcast %broadcast_in_dim3A_1488 : f32 to vector<16xf32>
      %swap3A_1490 = arith.constant 11 : i32
      %swap3A_1491 = arith.index_cast %swap3A_1490 : i32 to index
      %swap3A_1492 = arith.constant 64 : index
      %swap3A_1493 = tpu.vector_load %arg13[%swap3A_1491, %swap3A_1492] {strides = array<i32>} : memref<16x128xf32, #tpu.memory_space<vmem>>, vector<16xf32>,
      tpu.vector_store %arg13[%swap3A_1491, %swap3A_1492], %broadcast_in_dim3A_1489 {strides = array<i32>} : memref<16x128xf32, #tpu.memory_space<vmem>>, vector<16xf32>,
      %broadcast_in_dim3A_1494 = arith.constant 0.000000e+00 : f32
      %broadcast_in_dim3A_1495 = vector.broadcast %broadcast_in_dim3A_1494 : f32 to vector<16xf32>
      %swap3A_1496 = arith.constant 11 : i32
      %swap3A_1497 = arith.index_cast %swap3A_1496 : i32 to index
      %swap3A_1498 = arith.constant 80 : index
      %swap3A_1499 = tpu.vector_load %arg13[%swap3A_1497, %swap3A_1498] {strides = array<i32>} : memref<16x128xf32, #tpu.memory_space<vmem>>, vector<16xf32>,
      tpu.vector_store %arg13[%swap3A_1497, %swap3A_1498], %broadcast_in_dim3A_1495 {strides = array<i32>} : memref<16x128xf32, #tpu.memory_space<vmem>>, vector<16xf32>,
      %broadcast_in_dim3A_1500 = arith.constant 0.000000e+00 : f32
      %broadcast_in_dim3A_1501 = vector.broadcast %broadcast_in_dim3A_1500 : f32 to vector<16xf32>
      %swap3A_1502 = arith.constant 11 : i32
      %swap3A_1503 = arith.index_cast %swap3A_1502 : i32 to index
      %swap3A_1504 = arith.constant 96 : index
      %swap3A_1505 = tpu.vector_load %arg13[%swap3A_1503, %swap3A_1504] {strides = array<i32>} : memref<16x128xf32, #tpu.memory_space<vmem>>, vector<16xf32>,
      tpu.vector_store %arg13[%swap3A_1503, %swap3A_1504], %broadcast_in_dim3A_1501 {strides = array<i32>} : memref<16x128xf32, #tpu.memory_space<vmem>>, vector<16xf32>,
      %broadcast_in_dim3A_1506 = arith.constant 0.000000e+00 : f32
      %broadcast_in_dim3A_1507 = vector.broadcast %broadcast_in_dim3A_1506 : f32 to vector<16xf32>
      %swap3A_1508 = arith.constant 11 : i32
      %swap3A_1509 = arith.index_cast %swap3A_1508 : i32 to index
      %swap3A_1510 = arith.constant 112 : index
      %swap3A_1511 = tpu.vector_load %arg13[%swap3A_1509, %swap3A_1510] {strides = array<i32>} : memref<16x128xf32, #tpu.memory_space<vmem>>, vector<16xf32>,
      tpu.vector_store %arg13[%swap3A_1509, %swap3A_1510], %broadcast_in_dim3A_1507 {strides = array<i32>} : memref<16x128xf32, #tpu.memory_space<vmem>>, vector<16xf32>,
      %broadcast_in_dim3A_1512 = arith.constant 0.000000e+00 : f32
      %broadcast_in_dim3A_1513 = vector.broadcast %broadcast_in_dim3A_1512 : f32 to vector<16xf32>
      %swap3A_1514 = arith.constant 12 : i32
      %swap3A_1515 = arith.index_cast %swap3A_1514 : i32 to index
      %swap3A_1516 = arith.constant 0 : index
      %swap3A_1517 = tpu.vector_load %arg13[%swap3A_1515, %swap3A_1516] {strides = array<i32>} : memref<16x128xf32, #tpu.memory_space<vmem>>, vector<16xf32>,
      tpu.vector_store %arg13[%swap3A_1515, %swap3A_1516], %broadcast_in_dim3A_1513 {strides = array<i32>} : memref<16x128xf32, #tpu.memory_space<vmem>>, vector<16xf32>,
      %broadcast_in_dim3A_1518 = arith.constant 0.000000e+00 : f32
      %broadcast_in_dim3A_1519 = vector.broadcast %broadcast_in_dim3A_1518 : f32 to vector<16xf32>
      %swap3A_1520 = arith.constant 12 : i32
      %swap3A_1521 = arith.index_cast %swap3A_1520 : i32 to index
      %swap3A_1522 = arith.constant 16 : index
      %swap3A_1523 = tpu.vector_load %arg13[%swap3A_1521, %swap3A_1522] {strides = array<i32>} : memref<16x128xf32, #tpu.memory_space<vmem>>, vector<16xf32>,
      tpu.vector_store %arg13[%swap3A_1521, %swap3A_1522], %broadcast_in_dim3A_1519 {strides = array<i32>} : memref<16x128xf32, #tpu.memory_space<vmem>>, vector<16xf32>,
      %broadcast_in_dim3A_1524 = arith.constant 0.000000e+00 : f32
      %broadcast_in_dim3A_1525 = vector.broadcast %broadcast_in_dim3A_1524 : f32 to vector<16xf32>
      %swap3A_1526 = arith.constant 12 : i32
      %swap3A_1527 = arith.index_cast %swap3A_1526 : i32 to index
      %swap3A_1528 = arith.constant 32 : index
      %swap3A_1529 = tpu.vector_load %arg13[%swap3A_1527, %swap3A_1528] {strides = array<i32>} : memref<16x128xf32, #tpu.memory_space<vmem>>, vector<16xf32>,
      tpu.vector_store %arg13[%swap3A_1527, %swap3A_1528], %broadcast_in_dim3A_1525 {strides = array<i32>} : memref<16x128xf32, #tpu.memory_space<vmem>>, vector<16xf32>,
      %broadcast_in_dim3A_1530 = arith.constant 0.000000e+00 : f32
      %broadcast_in_dim3A_1531 = vector.broadcast %broadcast_in_dim3A_1530 : f32 to vector<16xf32>
      %swap3A_1532 = arith.constant 12 : i32
      %swap3A_1533 = arith.index_cast %swap3A_1532 : i32 to index
      %swap3A_1534 = arith.constant 48 : index
      %swap3A_1535 = tpu.vector_load %arg13[%swap3A_1533, %swap3A_1534] {strides = array<i32>} : memref<16x128xf32, #tpu.memory_space<vmem>>, vector<16xf32>,
      tpu.vector_store %arg13[%swap3A_1533, %swap3A_1534], %broadcast_in_dim3A_1531 {strides = array<i32>} : memref<16x128xf32, #tpu.memory_space<vmem>>, vector<16xf32>,
      %broadcast_in_dim3A_1536 = arith.constant 0.000000e+00 : f32
      %broadcast_in_dim3A_1537 = vector.broadcast %broadcast_in_dim3A_1536 : f32 to vector<16xf32>
      %swap3A_1538 = arith.constant 12 : i32
      %swap3A_1539 = arith.index_cast %swap3A_1538 : i32 to index
      %swap3A_1540 = arith.constant 64 : index
      %swap3A_1541 = tpu.vector_load %arg13[%swap3A_1539, %swap3A_1540] {strides = array<i32>} : memref<16x128xf32, #tpu.memory_space<vmem>>, vector<16xf32>,
      tpu.vector_store %arg13[%swap3A_1539, %swap3A_1540], %broadcast_in_dim3A_1537 {strides = array<i32>} : memref<16x128xf32, #tpu.memory_space<vmem>>, vector<16xf32>,
      %broadcast_in_dim3A_1542 = arith.constant 0.000000e+00 : f32
      %broadcast_in_dim3A_1543 = vector.broadcast %broadcast_in_dim3A_1542 : f32 to vector<16xf32>
      %swap3A_1544 = arith.constant 12 : i32
      %swap3A_1545 = arith.index_cast %swap3A_1544 : i32 to index
      %swap3A_1546 = arith.constant 80 : index
      %swap3A_1547 = tpu.vector_load %arg13[%swap3A_1545, %swap3A_1546] {strides = array<i32>} : memref<16x128xf32, #tpu.memory_space<vmem>>, vector<16xf32>,
      tpu.vector_store %arg13[%swap3A_1545, %swap3A_1546], %broadcast_in_dim3A_1543 {strides = array<i32>} : memref<16x128xf32, #tpu.memory_space<vmem>>, vector<16xf32>,
      %broadcast_in_dim3A_1548 = arith.constant 0.000000e+00 : f32
      %broadcast_in_dim3A_1549 = vector.broadcast %broadcast_in_dim3A_1548 : f32 to vector<16xf32>
      %swap3A_1550 = arith.constant 12 : i32
      %swap3A_1551 = arith.index_cast %swap3A_1550 : i32 to index
      %swap3A_1552 = arith.constant 96 : index
      %swap3A_1553 = tpu.vector_load %arg13[%swap3A_1551, %swap3A_1552] {strides = array<i32>} : memref<16x128xf32, #tpu.memory_space<vmem>>, vector<16xf32>,
      tpu.vector_store %arg13[%swap3A_1551, %swap3A_1552], %broadcast_in_dim3A_1549 {strides = array<i32>} : memref<16x128xf32, #tpu.memory_space<vmem>>, vector<16xf32>,
      %broadcast_in_dim3A_1554 = arith.constant 0.000000e+00 : f32
      %broadcast_in_dim3A_1555 = vector.broadcast %broadcast_in_dim3A_1554 : f32 to vector<16xf32>
      %swap3A_1556 = arith.constant 12 : i32
      %swap3A_1557 = arith.index_cast %swap3A_1556 : i32 to index
      %swap3A_1558 = arith.constant 112 : index
      %swap3A_1559 = tpu.vector_load %arg13[%swap3A_1557, %swap3A_1558] {strides = array<i32>} : memref<16x128xf32, #tpu.memory_space<vmem>>, vector<16xf32>,
      tpu.vector_store %arg13[%swap3A_1557, %swap3A_1558], %broadcast_in_dim3A_1555 {strides = array<i32>} : memref<16x128xf32, #tpu.memory_space<vmem>>, vector<16xf32>,
      %broadcast_in_dim3A_1560 = arith.constant 0.000000e+00 : f32
      %broadcast_in_dim3A_1561 = vector.broadcast %broadcast_in_dim3A_1560 : f32 to vector<16xf32>
      %swap3A_1562 = arith.constant 13 : i32
      %swap3A_1563 = arith.index_cast %swap3A_1562 : i32 to index
      %swap3A_1564 = arith.constant 0 : index
      %swap3A_1565 = tpu.vector_load %arg13[%swap3A_1563, %swap3A_1564] {strides = array<i32>} : memref<16x128xf32, #tpu.memory_space<vmem>>, vector<16xf32>,
      tpu.vector_store %arg13[%swap3A_1563, %swap3A_1564], %broadcast_in_dim3A_1561 {strides = array<i32>} : memref<16x128xf32, #tpu.memory_space<vmem>>, vector<16xf32>,
      %broadcast_in_dim3A_1566 = arith.constant 0.000000e+00 : f32
      %broadcast_in_dim3A_1567 = vector.broadcast %broadcast_in_dim3A_1566 : f32 to vector<16xf32>
      %swap3A_1568 = arith.constant 13 : i32
      %swap3A_1569 = arith.index_cast %swap3A_1568 : i32 to index
      %swap3A_1570 = arith.constant 16 : index
      %swap3A_1571 = tpu.vector_load %arg13[%swap3A_1569, %swap3A_1570] {strides = array<i32>} : memref<16x128xf32, #tpu.memory_space<vmem>>, vector<16xf32>,
      tpu.vector_store %arg13[%swap3A_1569, %swap3A_1570], %broadcast_in_dim3A_1567 {strides = array<i32>} : memref<16x128xf32, #tpu.memory_space<vmem>>, vector<16xf32>,
      %broadcast_in_dim3A_1572 = arith.constant 0.000000e+00 : f32
      %broadcast_in_dim3A_1573 = vector.broadcast %broadcast_in_dim3A_1572 : f32 to vector<16xf32>
      %swap3A_1574 = arith.constant 13 : i32
      %swap3A_1575 = arith.index_cast %swap3A_1574 : i32 to index
      %swap3A_1576 = arith.constant 32 : index
      %swap3A_1577 = tpu.vector_load %arg13[%swap3A_1575, %swap3A_1576] {strides = array<i32>} : memref<16x128xf32, #tpu.memory_space<vmem>>, vector<16xf32>,
      tpu.vector_store %arg13[%swap3A_1575, %swap3A_1576], %broadcast_in_dim3A_1573 {strides = array<i32>} : memref<16x128xf32, #tpu.memory_space<vmem>>, vector<16xf32>,
      %broadcast_in_dim3A_1578 = arith.constant 0.000000e+00 : f32
      %broadcast_in_dim3A_1579 = vector.broadcast %broadcast_in_dim3A_1578 : f32 to vector<16xf32>
      %swap3A_1580 = arith.constant 13 : i32
      %swap3A_1581 = arith.index_cast %swap3A_1580 : i32 to index
      %swap3A_1582 = arith.constant 48 : index
      %swap3A_1583 = tpu.vector_load %arg13[%swap3A_1581, %swap3A_1582] {strides = array<i32>} : memref<16x128xf32, #tpu.memory_space<vmem>>, vector<16xf32>,
      tpu.vector_store %arg13[%swap3A_1581, %swap3A_1582], %broadcast_in_dim3A_1579 {strides = array<i32>} : memref<16x128xf32, #tpu.memory_space<vmem>>, vector<16xf32>,
      %broadcast_in_dim3A_1584 = arith.constant 0.000000e+00 : f32
      %broadcast_in_dim3A_1585 = vector.broadcast %broadcast_in_dim3A_1584 : f32 to vector<16xf32>
      %swap3A_1586 = arith.constant 13 : i32
      %swap3A_1587 = arith.index_cast %swap3A_1586 : i32 to index
      %swap3A_1588 = arith.constant 64 : index
      %swap3A_1589 = tpu.vector_load %arg13[%swap3A_1587, %swap3A_1588] {strides = array<i32>} : memref<16x128xf32, #tpu.memory_space<vmem>>, vector<16xf32>,
      tpu.vector_store %arg13[%swap3A_1587, %swap3A_1588], %broadcast_in_dim3A_1585 {strides = array<i32>} : memref<16x128xf32, #tpu.memory_space<vmem>>, vector<16xf32>,
      %broadcast_in_dim3A_1590 = arith.constant 0.000000e+00 : f32
      %broadcast_in_dim3A_1591 = vector.broadcast %broadcast_in_dim3A_1590 : f32 to vector<16xf32>
      %swap3A_1592 = arith.constant 13 : i32
      %swap3A_1593 = arith.index_cast %swap3A_1592 : i32 to index
      %swap3A_1594 = arith.constant 80 : index
      %swap3A_1595 = tpu.vector_load %arg13[%swap3A_1593, %swap3A_1594] {strides = array<i32>} : memref<16x128xf32, #tpu.memory_space<vmem>>, vector<16xf32>,
      tpu.vector_store %arg13[%swap3A_1593, %swap3A_1594], %broadcast_in_dim3A_1591 {strides = array<i32>} : memref<16x128xf32, #tpu.memory_space<vmem>>, vector<16xf32>,
      %broadcast_in_dim3A_1596 = arith.constant 0.000000e+00 : f32
      %broadcast_in_dim3A_1597 = vector.broadcast %broadcast_in_dim3A_1596 : f32 to vector<16xf32>
      %swap3A_1598 = arith.constant 13 : i32
      %swap3A_1599 = arith.index_cast %swap3A_1598 : i32 to index
      %swap3A_1600 = arith.constant 96 : index
      %swap3A_1601 = tpu.vector_load %arg13[%swap3A_1599, %swap3A_1600] {strides = array<i32>} : memref<16x128xf32, #tpu.memory_space<vmem>>, vector<16xf32>,
      tpu.vector_store %arg13[%swap3A_1599, %swap3A_1600], %broadcast_in_dim3A_1597 {strides = array<i32>} : memref<16x128xf32, #tpu.memory_space<vmem>>, vector<16xf32>,
      %broadcast_in_dim3A_1602 = arith.constant 0.000000e+00 : f32
      %broadcast_in_dim3A_1603 = vector.broadcast %broadcast_in_dim3A_1602 : f32 to vector<16xf32>
      %swap3A_1604 = arith.constant 13 : i32
      %swap3A_1605 = arith.index_cast %swap3A_1604 : i32 to index
      %swap3A_1606 = arith.constant 112 : index
      %swap3A_1607 = tpu.vector_load %arg13[%swap3A_1605, %swap3A_1606] {strides = array<i32>} : memref<16x128xf32, #tpu.memory_space<vmem>>, vector<16xf32>,
      tpu.vector_store %arg13[%swap3A_1605, %swap3A_1606], %broadcast_in_dim3A_1603 {strides = array<i32>} : memref<16x128xf32, #tpu.memory_space<vmem>>, vector<16xf32>,
      %broadcast_in_dim3A_1608 = arith.constant 0.000000e+00 : f32
      %broadcast_in_dim3A_1609 = vector.broadcast %broadcast_in_dim3A_1608 : f32 to vector<16xf32>
      %swap3A_1610 = arith.constant 14 : i32
      %swap3A_1611 = arith.index_cast %swap3A_1610 : i32 to index
      %swap3A_1612 = arith.constant 0 : index
      %swap3A_1613 = tpu.vector_load %arg13[%swap3A_1611, %swap3A_1612] {strides = array<i32>} : memref<16x128xf32, #tpu.memory_space<vmem>>, vector<16xf32>,
      tpu.vector_store %arg13[%swap3A_1611, %swap3A_1612], %broadcast_in_dim3A_1609 {strides = array<i32>} : memref<16x128xf32, #tpu.memory_space<vmem>>, vector<16xf32>,
      %broadcast_in_dim3A_1614 = arith.constant 0.000000e+00 : f32
      %broadcast_in_dim3A_1615 = vector.broadcast %broadcast_in_dim3A_1614 : f32 to vector<16xf32>
      %swap3A_1616 = arith.constant 14 : i32
      %swap3A_1617 = arith.index_cast %swap3A_1616 : i32 to index
      %swap3A_1618 = arith.constant 16 : index
      %swap3A_1619 = tpu.vector_load %arg13[%swap3A_1617, %swap3A_1618] {strides = array<i32>} : memref<16x128xf32, #tpu.memory_space<vmem>>, vector<16xf32>,
      tpu.vector_store %arg13[%swap3A_1617, %swap3A_1618], %broadcast_in_dim3A_1615 {strides = array<i32>} : memref<16x128xf32, #tpu.memory_space<vmem>>, vector<16xf32>,
      %broadcast_in_dim3A_1620 = arith.constant 0.000000e+00 : f32
      %broadcast_in_dim3A_1621 = vector.broadcast %broadcast_in_dim3A_1620 : f32 to vector<16xf32>
      %swap3A_1622 = arith.constant 14 : i32
      %swap3A_1623 = arith.index_cast %swap3A_1622 : i32 to index
      %swap3A_1624 = arith.constant 32 : index
      %swap3A_1625 = tpu.vector_load %arg13[%swap3A_1623, %swap3A_1624] {strides = array<i32>} : memref<16x128xf32, #tpu.memory_space<vmem>>, vector<16xf32>,
      tpu.vector_store %arg13[%swap3A_1623, %swap3A_1624], %broadcast_in_dim3A_1621 {strides = array<i32>} : memref<16x128xf32, #tpu.memory_space<vmem>>, vector<16xf32>,
      %broadcast_in_dim3A_1626 = arith.constant 0.000000e+00 : f32
      %broadcast_in_dim3A_1627 = vector.broadcast %broadcast_in_dim3A_1626 : f32 to vector<16xf32>
      %swap3A_1628 = arith.constant 14 : i32
      %swap3A_1629 = arith.index_cast %swap3A_1628 : i32 to index
      %swap3A_1630 = arith.constant 48 : index
      %swap3A_1631 = tpu.vector_load %arg13[%swap3A_1629, %swap3A_1630] {strides = array<i32>} : memref<16x128xf32, #tpu.memory_space<vmem>>, vector<16xf32>,
      tpu.vector_store %arg13[%swap3A_1629, %swap3A_1630], %broadcast_in_dim3A_1627 {strides = array<i32>} : memref<16x128xf32, #tpu.memory_space<vmem>>, vector<16xf32>,
      %broadcast_in_dim3A_1632 = arith.constant 0.000000e+00 : f32
      %broadcast_in_dim3A_1633 = vector.broadcast %broadcast_in_dim3A_1632 : f32 to vector<16xf32>
      %swap3A_1634 = arith.constant 14 : i32
      %swap3A_1635 = arith.index_cast %swap3A_1634 : i32 to index
      %swap3A_1636 = arith.constant 64 : index
      %swap3A_1637 = tpu.vector_load %arg13[%swap3A_1635, %swap3A_1636] {strides = array<i32>} : memref<16x128xf32, #tpu.memory_space<vmem>>, vector<16xf32>,
      tpu.vector_store %arg13[%swap3A_1635, %swap3A_1636], %broadcast_in_dim3A_1633 {strides = array<i32>} : memref<16x128xf32, #tpu.memory_space<vmem>>, vector<16xf32>,
      %broadcast_in_dim3A_1638 = arith.constant 0.000000e+00 : f32
      %broadcast_in_dim3A_1639 = vector.broadcast %broadcast_in_dim3A_1638 : f32 to vector<16xf32>
      %swap3A_1640 = arith.constant 14 : i32
      %swap3A_1641 = arith.index_cast %swap3A_1640 : i32 to index
      %swap3A_1642 = arith.constant 80 : index
      %swap3A_1643 = tpu.vector_load %arg13[%swap3A_1641, %swap3A_1642] {strides = array<i32>} : memref<16x128xf32, #tpu.memory_space<vmem>>, vector<16xf32>,
      tpu.vector_store %arg13[%swap3A_1641, %swap3A_1642], %broadcast_in_dim3A_1639 {strides = array<i32>} : memref<16x128xf32, #tpu.memory_space<vmem>>, vector<16xf32>,
      %broadcast_in_dim3A_1644 = arith.constant 0.000000e+00 : f32
      %broadcast_in_dim3A_1645 = vector.broadcast %broadcast_in_dim3A_1644 : f32 to vector<16xf32>
      %swap3A_1646 = arith.constant 14 : i32
      %swap3A_1647 = arith.index_cast %swap3A_1646 : i32 to index
      %swap3A_1648 = arith.constant 96 : index
      %swap3A_1649 = tpu.vector_load %arg13[%swap3A_1647, %swap3A_1648] {strides = array<i32>} : memref<16x128xf32, #tpu.memory_space<vmem>>, vector<16xf32>,
      tpu.vector_store %arg13[%swap3A_1647, %swap3A_1648], %broadcast_in_dim3A_1645 {strides = array<i32>} : memref<16x128xf32, #tpu.memory_space<vmem>>, vector<16xf32>,
      %broadcast_in_dim3A_1650 = arith.constant 0.000000e+00 : f32
      %broadcast_in_dim3A_1651 = vector.broadcast %broadcast_in_dim3A_1650 : f32 to vector<16xf32>
      %swap3A_1652 = arith.constant 14 : i32
      %swap3A_1653 = arith.index_cast %swap3A_1652 : i32 to index
      %swap3A_1654 = arith.constant 112 : index
      %swap3A_1655 = tpu.vector_load %arg13[%swap3A_1653, %swap3A_1654] {strides = array<i32>} : memref<16x128xf32, #tpu.memory_space<vmem>>, vector<16xf32>,
      tpu.vector_store %arg13[%swap3A_1653, %swap3A_1654], %broadcast_in_dim3A_1651 {strides = array<i32>} : memref<16x128xf32, #tpu.memory_space<vmem>>, vector<16xf32>,
      %broadcast_in_dim3A_1656 = arith.constant 0.000000e+00 : f32
      %broadcast_in_dim3A_1657 = vector.broadcast %broadcast_in_dim3A_1656 : f32 to vector<16xf32>
      %swap3A_1658 = arith.constant 15 : i32
      %swap3A_1659 = arith.index_cast %swap3A_1658 : i32 to index
      %swap3A_1660 = arith.constant 0 : index
      %swap3A_1661 = tpu.vector_load %arg13[%swap3A_1659, %swap3A_1660] {strides = array<i32>} : memref<16x128xf32, #tpu.memory_space<vmem>>, vector<16xf32>,
      tpu.vector_store %arg13[%swap3A_1659, %swap3A_1660], %broadcast_in_dim3A_1657 {strides = array<i32>} : memref<16x128xf32, #tpu.memory_space<vmem>>, vector<16xf32>,
      %broadcast_in_dim3A_1662 = arith.constant 0.000000e+00 : f32
      %broadcast_in_dim3A_1663 = vector.broadcast %broadcast_in_dim3A_1662 : f32 to vector<16xf32>
      %swap3A_1664 = arith.constant 15 : i32
      %swap3A_1665 = arith.index_cast %swap3A_1664 : i32 to index
      %swap3A_1666 = arith.constant 16 : index
      %swap3A_1667 = tpu.vector_load %arg13[%swap3A_1665, %swap3A_1666] {strides = array<i32>} : memref<16x128xf32, #tpu.memory_space<vmem>>, vector<16xf32>,
      tpu.vector_store %arg13[%swap3A_1665, %swap3A_1666], %broadcast_in_dim3A_1663 {strides = array<i32>} : memref<16x128xf32, #tpu.memory_space<vmem>>, vector<16xf32>,
      %broadcast_in_dim3A_1668 = arith.constant 0.000000e+00 : f32
      %broadcast_in_dim3A_1669 = vector.broadcast %broadcast_in_dim3A_1668 : f32 to vector<16xf32>
      %swap3A_1670 = arith.constant 15 : i32
      %swap3A_1671 = arith.index_cast %swap3A_1670 : i32 to index
      %swap3A_1672 = arith.constant 32 : index
      %swap3A_1673 = tpu.vector_load %arg13[%swap3A_1671, %swap3A_1672] {strides = array<i32>} : memref<16x128xf32, #tpu.memory_space<vmem>>, vector<16xf32>,
      tpu.vector_store %arg13[%swap3A_1671, %swap3A_1672], %broadcast_in_dim3A_1669 {strides = array<i32>} : memref<16x128xf32, #tpu.memory_space<vmem>>, vector<16xf32>,
      %broadcast_in_dim3A_1674 = arith.constant 0.000000e+00 : f32
      %broadcast_in_dim3A_1675 = vector.broadcast %broadcast_in_dim3A_1674 : f32 to vector<16xf32>
      %swap3A_1676 = arith.constant 15 : i32
      %swap3A_1677 = arith.index_cast %swap3A_1676 : i32 to index
      %swap3A_1678 = arith.constant 48 : index
      %swap3A_1679 = tpu.vector_load %arg13[%swap3A_1677, %swap3A_1678] {strides = array<i32>} : memref<16x128xf32, #tpu.memory_space<vmem>>, vector<16xf32>,
      tpu.vector_store %arg13[%swap3A_1677, %swap3A_1678], %broadcast_in_dim3A_1675 {strides = array<i32>} : memref<16x128xf32, #tpu.memory_space<vmem>>, vector<16xf32>,
      %broadcast_in_dim3A_1680 = arith.constant 0.000000e+00 : f32
      %broadcast_in_dim3A_1681 = vector.broadcast %broadcast_in_dim3A_1680 : f32 to vector<16xf32>
      %swap3A_1682 = arith.constant 15 : i32
      %swap3A_1683 = arith.index_cast %swap3A_1682 : i32 to index
      %swap3A_1684 = arith.constant 64 : index
      %swap3A_1685 = tpu.vector_load %arg13[%swap3A_1683, %swap3A_1684] {strides = array<i32>} : memref<16x128xf32, #tpu.memory_space<vmem>>, vector<16xf32>,
      tpu.vector_store %arg13[%swap3A_1683, %swap3A_1684], %broadcast_in_dim3A_1681 {strides = array<i32>} : memref<16x128xf32, #tpu.memory_space<vmem>>, vector<16xf32>,
      %broadcast_in_dim3A_1686 = arith.constant 0.000000e+00 : f32
      %broadcast_in_dim3A_1687 = vector.broadcast %broadcast_in_dim3A_1686 : f32 to vector<16xf32>
      %swap3A_1688 = arith.constant 15 : i32
      %swap3A_1689 = arith.index_cast %swap3A_1688 : i32 to index
      %swap3A_1690 = arith.constant 80 : index
      %swap3A_1691 = tpu.vector_load %arg13[%swap3A_1689, %swap3A_1690] {strides = array<i32>} : memref<16x128xf32, #tpu.memory_space<vmem>>, vector<16xf32>,
      tpu.vector_store %arg13[%swap3A_1689, %swap3A_1690], %broadcast_in_dim3A_1687 {strides = array<i32>} : memref<16x128xf32, #tpu.memory_space<vmem>>, vector<16xf32>,
      %broadcast_in_dim3A_1692 = arith.constant 0.000000e+00 : f32
      %broadcast_in_dim3A_1693 = vector.broadcast %broadcast_in_dim3A_1692 : f32 to vector<16xf32>
      %swap3A_1694 = arith.constant 15 : i32
      %swap3A_1695 = arith.index_cast %swap3A_1694 : i32 to index
      %swap3A_1696 = arith.constant 96 : index
      %swap3A_1697 = tpu.vector_load %arg13[%swap3A_1695, %swap3A_1696] {strides = array<i32>} : memref<16x128xf32, #tpu.memory_space<vmem>>, vector<16xf32>,
      tpu.vector_store %arg13[%swap3A_1695, %swap3A_1696], %broadcast_in_dim3A_1693 {strides = array<i32>} : memref<16x128xf32, #tpu.memory_space<vmem>>, vector<16xf32>,
      %broadcast_in_dim3A_1698 = arith.constant 0.000000e+00 : f32
      %broadcast_in_dim3A_1699 = vector.broadcast %broadcast_in_dim3A_1698 : f32 to vector<16xf32>
      %swap3A_1700 = arith.constant 15 : i32
      %swap3A_1701 = arith.index_cast %swap3A_1700 : i32 to index
      %swap3A_1702 = arith.constant 112 : index
      %swap3A_1703 = tpu.vector_load %arg13[%swap3A_1701, %swap3A_1702] {strides = array<i32>} : memref<16x128xf32, #tpu.memory_space<vmem>>, vector<16xf32>,
      tpu.vector_store %arg13[%swap3A_1701, %swap3A_1702], %broadcast_in_dim3A_1699 {strides = array<i32>} : memref<16x128xf32, #tpu.memory_space<vmem>>, vector<16xf32>,
      "tpu.region"() ({
        %run_scoped3A_1704 = tpu.sem_alloc : memref<!tpu.dma_semaphore, #tpu.memory_space<semaphore_mem>>
        %dma_start3A_1705 = arith.constant 0 : i32
        %dma_start3A_1706 = arith.constant 0 : i32
        %dma_start3A_1707 = tpu.memref_slice %arg14[%dma_start3A_1705, %dma_start3A_1706] : memref<64x128xf32, #tpu.memory_space<vmem_shared>> -> memref<16x128xf32, #tpu.memory_space<vmem_shared>>
        %dma_start3A_1708 = arith.constant 0 : i32
        %dma_start3A_1709 = arith.constant 0 : i32
        %dma_start3A_1710 = tpu.memref_slice %arg14[%dma_start3A_1708, %dma_start3A_1709] : memref<64x128xf32, #tpu.memory_space<vmem_shared>> -> memref<16x128xf32, #tpu.memory_space<vmem_shared>>
        tpu.enqueue_dma source(%arg13 : memref<16x128xf32, #tpu.memory_space<vmem>>) target(%dma_start3A_1710 : memref<16x128xf32, #tpu.memory_space<vmem_shared>>) target_semaphore(%run_scoped3A_1704 : memref<!tpu.dma_semaphore, #tpu.memory_space<semaphore_mem>>)
        %dma_wait3A_1711 = arith.constant 0 : i32
        %dma_wait3A_1712 = arith.constant 0 : i32
        %dma_wait3A_1713 = tpu.memref_slice %arg14[%dma_wait3A_1711, %dma_wait3A_1712] : memref<64x128xf32, #tpu.memory_space<vmem_shared>> -> memref<16x128xf32, #tpu.memory_space<vmem_shared>>
        %dma_wait3A_1714 = arith.constant 0 : i32
        %dma_wait3A_1715 = arith.constant 0 : i32
        %dma_wait3A_1716 = tpu.memref_slice %arg14[%dma_wait3A_1714, %dma_wait3A_1715] : memref<64x128xf32, #tpu.memory_space<vmem_shared>> -> memref<16x128xf32, #tpu.memory_space<vmem_shared>>
        tpu.wait_dma2 semaphore(%run_scoped3A_1704 : memref<!tpu.dma_semaphore, #tpu.memory_space<semaphore_mem>>) src(%arg13 : memref<16x128xf32, #tpu.memory_space<vmem>>) dst(%dma_wait3A_1716 : memref<16x128xf32, #tpu.memory_space<vmem_shared>>)
        tpu.yield
      }) : () -> ()
      "tpu.region"() ({
        %run_scoped3A_1704 = tpu.sem_alloc : memref<!tpu.dma_semaphore, #tpu.memory_space<semaphore_mem>>
        %dma_start3A_1705 = arith.constant 16 : i32
        %dma_start3A_1706 = arith.constant 0 : i32
        %dma_start3A_1707 = tpu.memref_slice %arg14[%dma_start3A_1705, %dma_start3A_1706] : memref<64x128xf32, #tpu.memory_space<vmem_shared>> -> memref<16x128xf32, #tpu.memory_space<vmem_shared>>
        %dma_start3A_1708 = arith.constant 16 : i32
        %dma_start3A_1709 = arith.constant 0 : i32
        %dma_start3A_1710 = tpu.memref_slice %arg14[%dma_start3A_1708, %dma_start3A_1709] : memref<64x128xf32, #tpu.memory_space<vmem_shared>> -> memref<16x128xf32, #tpu.memory_space<vmem_shared>>
        tpu.enqueue_dma source(%arg13 : memref<16x128xf32, #tpu.memory_space<vmem>>) target(%dma_start3A_1710 : memref<16x128xf32, #tpu.memory_space<vmem_shared>>) target_semaphore(%run_scoped3A_1704 : memref<!tpu.dma_semaphore, #tpu.memory_space<semaphore_mem>>)
        %dma_wait3A_1711 = arith.constant 16 : i32
        %dma_wait3A_1712 = arith.constant 0 : i32
        %dma_wait3A_1713 = tpu.memref_slice %arg14[%dma_wait3A_1711, %dma_wait3A_1712] : memref<64x128xf32, #tpu.memory_space<vmem_shared>> -> memref<16x128xf32, #tpu.memory_space<vmem_shared>>
        %dma_wait3A_1714 = arith.constant 16 : i32
        %dma_wait3A_1715 = arith.constant 0 : i32
        %dma_wait3A_1716 = tpu.memref_slice %arg14[%dma_wait3A_1714, %dma_wait3A_1715] : memref<64x128xf32, #tpu.memory_space<vmem_shared>> -> memref<16x128xf32, #tpu.memory_space<vmem_shared>>
        tpu.wait_dma2 semaphore(%run_scoped3A_1704 : memref<!tpu.dma_semaphore, #tpu.memory_space<semaphore_mem>>) src(%arg13 : memref<16x128xf32, #tpu.memory_space<vmem>>) dst(%dma_wait3A_1716 : memref<16x128xf32, #tpu.memory_space<vmem_shared>>)
        tpu.yield
      }) : () -> ()
      "tpu.region"() ({
        %run_scoped3A_1704 = tpu.sem_alloc : memref<!tpu.dma_semaphore, #tpu.memory_space<semaphore_mem>>
        %dma_start3A_1705 = arith.constant 32 : i32
        %dma_start3A_1706 = arith.constant 0 : i32
        %dma_start3A_1707 = tpu.memref_slice %arg14[%dma_start3A_1705, %dma_start3A_1706] : memref<64x128xf32, #tpu.memory_space<vmem_shared>> -> memref<16x128xf32, #tpu.memory_space<vmem_shared>>
        %dma_start3A_1708 = arith.constant 32 : i32
        %dma_start3A_1709 = arith.constant 0 : i32
        %dma_start3A_1710 = tpu.memref_slice %arg14[%dma_start3A_1708, %dma_start3A_1709] : memref<64x128xf32, #tpu.memory_space<vmem_shared>> -> memref<16x128xf32, #tpu.memory_space<vmem_shared>>
        tpu.enqueue_dma source(%arg13 : memref<16x128xf32, #tpu.memory_space<vmem>>) target(%dma_start3A_1710 : memref<16x128xf32, #tpu.memory_space<vmem_shared>>) target_semaphore(%run_scoped3A_1704 : memref<!tpu.dma_semaphore, #tpu.memory_space<semaphore_mem>>)
        %dma_wait3A_1711 = arith.constant 32 : i32
        %dma_wait3A_1712 = arith.constant 0 : i32
        %dma_wait3A_1713 = tpu.memref_slice %arg14[%dma_wait3A_1711, %dma_wait3A_1712] : memref<64x128xf32, #tpu.memory_space<vmem_shared>> -> memref<16x128xf32, #tpu.memory_space<vmem_shared>>
        %dma_wait3A_1714 = arith.constant 32 : i32
        %dma_wait3A_1715 = arith.constant 0 : i32
        %dma_wait3A_1716 = tpu.memref_slice %arg14[%dma_wait3A_1714, %dma_wait3A_1715] : memref<64x128xf32, #tpu.memory_space<vmem_shared>> -> memref<16x128xf32, #tpu.memory_space<vmem_shared>>
        tpu.wait_dma2 semaphore(%run_scoped3A_1704 : memref<!tpu.dma_semaphore, #tpu.memory_space<semaphore_mem>>) src(%arg13 : memref<16x128xf32, #tpu.memory_space<vmem>>) dst(%dma_wait3A_1716 : memref<16x128xf32, #tpu.memory_space<vmem_shared>>)
        tpu.yield
      }) : () -> ()
      "tpu.region"() ({
        %run_scoped3A_1704 = tpu.sem_alloc : memref<!tpu.dma_semaphore, #tpu.memory_space<semaphore_mem>>
        %dma_start3A_1705 = arith.constant 48 : i32
        %dma_start3A_1706 = arith.constant 0 : i32
        %dma_start3A_1707 = tpu.memref_slice %arg14[%dma_start3A_1705, %dma_start3A_1706] : memref<64x128xf32, #tpu.memory_space<vmem_shared>> -> memref<16x128xf32, #tpu.memory_space<vmem_shared>>
        %dma_start3A_1708 = arith.constant 48 : i32
        %dma_start3A_1709 = arith.constant 0 : i32
        %dma_start3A_1710 = tpu.memref_slice %arg14[%dma_start3A_1708, %dma_start3A_1709] : memref<64x128xf32, #tpu.memory_space<vmem_shared>> -> memref<16x128xf32, #tpu.memory_space<vmem_shared>>
        tpu.enqueue_dma source(%arg13 : memref<16x128xf32, #tpu.memory_space<vmem>>) target(%dma_start3A_1710 : memref<16x128xf32, #tpu.memory_space<vmem_shared>>) target_semaphore(%run_scoped3A_1704 : memref<!tpu.dma_semaphore, #tpu.memory_space<semaphore_mem>>)
        %dma_wait3A_1711 = arith.constant 48 : i32
        %dma_wait3A_1712 = arith.constant 0 : i32
        %dma_wait3A_1713 = tpu.memref_slice %arg14[%dma_wait3A_1711, %dma_wait3A_1712] : memref<64x128xf32, #tpu.memory_space<vmem_shared>> -> memref<16x128xf32, #tpu.memory_space<vmem_shared>>
        %dma_wait3A_1714 = arith.constant 48 : i32
        %dma_wait3A_1715 = arith.constant 0 : i32
        %dma_wait3A_1716 = tpu.memref_slice %arg14[%dma_wait3A_1714, %dma_wait3A_1715] : memref<64x128xf32, #tpu.memory_space<vmem_shared>> -> memref<16x128xf32, #tpu.memory_space<vmem_shared>>
        tpu.wait_dma2 semaphore(%run_scoped3A_1704 : memref<!tpu.dma_semaphore, #tpu.memory_space<semaphore_mem>>) src(%arg13 : memref<16x128xf32, #tpu.memory_space<vmem>>) dst(%dma_wait3A_1716 : memref<16x128xf32, #tpu.memory_space<vmem_shared>>)
        tpu.yield
      }) : () -> ()
    } else {
    }
    %broadcast_in_dim3A = arith.constant 0.000000e+00 : f32
    %broadcast_in_dim3A_44 = vector.broadcast %broadcast_in_dim3A : f32 to vector<16xf32>
    %swap3A = arith.constant 0 : i32
    %swap3A_45 = arith.index_cast %swap3A : i32 to index
    %swap3A_46 = arith.constant 0 : index
    %swap3A_47 = tpu.vector_load %arg12[%swap3A_45, %swap3A_46] {strides = array<i32>} : memref<16x64xf32, #tpu.memory_space<vmem>>, vector<16xf32>,
    tpu.vector_store %arg12[%swap3A_45, %swap3A_46], %broadcast_in_dim3A_44 {strides = array<i32>} : memref<16x64xf32, #tpu.memory_space<vmem>>, vector<16xf32>,
    %broadcast_in_dim3A_48 = arith.constant 0.000000e+00 : f32
    %broadcast_in_dim3A_49 = vector.broadcast %broadcast_in_dim3A_48 : f32 to vector<16xf32>
    %swap3A_50 = arith.constant 0 : i32
    %swap3A_51 = arith.index_cast %swap3A_50 : i32 to index
    %swap3A_52 = arith.constant 16 : index
    %swap3A_53 = tpu.vector_load %arg12[%swap3A_51, %swap3A_52] {strides = array<i32>} : memref<16x64xf32, #tpu.memory_space<vmem>>, vector<16xf32>,
    tpu.vector_store %arg12[%swap3A_51, %swap3A_52], %broadcast_in_dim3A_49 {strides = array<i32>} : memref<16x64xf32, #tpu.memory_space<vmem>>, vector<16xf32>,
    %broadcast_in_dim3A_54 = arith.constant 0.000000e+00 : f32
    %broadcast_in_dim3A_55 = vector.broadcast %broadcast_in_dim3A_54 : f32 to vector<16xf32>
    %swap3A_56 = arith.constant 0 : i32
    %swap3A_57 = arith.index_cast %swap3A_56 : i32 to index
    %swap3A_58 = arith.constant 32 : index
    %swap3A_59 = tpu.vector_load %arg12[%swap3A_57, %swap3A_58] {strides = array<i32>} : memref<16x64xf32, #tpu.memory_space<vmem>>, vector<16xf32>,
    tpu.vector_store %arg12[%swap3A_57, %swap3A_58], %broadcast_in_dim3A_55 {strides = array<i32>} : memref<16x64xf32, #tpu.memory_space<vmem>>, vector<16xf32>,
    %broadcast_in_dim3A_60 = arith.constant 0.000000e+00 : f32
    %broadcast_in_dim3A_61 = vector.broadcast %broadcast_in_dim3A_60 : f32 to vector<16xf32>
    %swap3A_62 = arith.constant 0 : i32
    %swap3A_63 = arith.index_cast %swap3A_62 : i32 to index
    %swap3A_64 = arith.constant 48 : index
    %swap3A_65 = tpu.vector_load %arg12[%swap3A_63, %swap3A_64] {strides = array<i32>} : memref<16x64xf32, #tpu.memory_space<vmem>>, vector<16xf32>,
    tpu.vector_store %arg12[%swap3A_63, %swap3A_64], %broadcast_in_dim3A_61 {strides = array<i32>} : memref<16x64xf32, #tpu.memory_space<vmem>>, vector<16xf32>,
    %broadcast_in_dim3A_66 = arith.constant 0.000000e+00 : f32
    %broadcast_in_dim3A_67 = vector.broadcast %broadcast_in_dim3A_66 : f32 to vector<16xf32>
    %swap3A_68 = arith.constant 1 : i32
    %swap3A_69 = arith.index_cast %swap3A_68 : i32 to index
    %swap3A_70 = arith.constant 0 : index
    %swap3A_71 = tpu.vector_load %arg12[%swap3A_69, %swap3A_70] {strides = array<i32>} : memref<16x64xf32, #tpu.memory_space<vmem>>, vector<16xf32>,
    tpu.vector_store %arg12[%swap3A_69, %swap3A_70], %broadcast_in_dim3A_67 {strides = array<i32>} : memref<16x64xf32, #tpu.memory_space<vmem>>, vector<16xf32>,
    %broadcast_in_dim3A_72 = arith.constant 0.000000e+00 : f32
    %broadcast_in_dim3A_73 = vector.broadcast %broadcast_in_dim3A_72 : f32 to vector<16xf32>
    %swap3A_74 = arith.constant 1 : i32
    %swap3A_75 = arith.index_cast %swap3A_74 : i32 to index
    %swap3A_76 = arith.constant 16 : index
    %swap3A_77 = tpu.vector_load %arg12[%swap3A_75, %swap3A_76] {strides = array<i32>} : memref<16x64xf32, #tpu.memory_space<vmem>>, vector<16xf32>,
    tpu.vector_store %arg12[%swap3A_75, %swap3A_76], %broadcast_in_dim3A_73 {strides = array<i32>} : memref<16x64xf32, #tpu.memory_space<vmem>>, vector<16xf32>,
    %broadcast_in_dim3A_78 = arith.constant 0.000000e+00 : f32
    %broadcast_in_dim3A_79 = vector.broadcast %broadcast_in_dim3A_78 : f32 to vector<16xf32>
    %swap3A_80 = arith.constant 1 : i32
    %swap3A_81 = arith.index_cast %swap3A_80 : i32 to index
    %swap3A_82 = arith.constant 32 : index
    %swap3A_83 = tpu.vector_load %arg12[%swap3A_81, %swap3A_82] {strides = array<i32>} : memref<16x64xf32, #tpu.memory_space<vmem>>, vector<16xf32>,
    tpu.vector_store %arg12[%swap3A_81, %swap3A_82], %broadcast_in_dim3A_79 {strides = array<i32>} : memref<16x64xf32, #tpu.memory_space<vmem>>, vector<16xf32>,
    %broadcast_in_dim3A_84 = arith.constant 0.000000e+00 : f32
    %broadcast_in_dim3A_85 = vector.broadcast %broadcast_in_dim3A_84 : f32 to vector<16xf32>
    %swap3A_86 = arith.constant 1 : i32
    %swap3A_87 = arith.index_cast %swap3A_86 : i32 to index
    %swap3A_88 = arith.constant 48 : index
    %swap3A_89 = tpu.vector_load %arg12[%swap3A_87, %swap3A_88] {strides = array<i32>} : memref<16x64xf32, #tpu.memory_space<vmem>>, vector<16xf32>,
    tpu.vector_store %arg12[%swap3A_87, %swap3A_88], %broadcast_in_dim3A_85 {strides = array<i32>} : memref<16x64xf32, #tpu.memory_space<vmem>>, vector<16xf32>,
    %broadcast_in_dim3A_90 = arith.constant 0.000000e+00 : f32
    %broadcast_in_dim3A_91 = vector.broadcast %broadcast_in_dim3A_90 : f32 to vector<16xf32>
    %swap3A_92 = arith.constant 2 : i32
    %swap3A_93 = arith.index_cast %swap3A_92 : i32 to index
    %swap3A_94 = arith.constant 0 : index
    %swap3A_95 = tpu.vector_load %arg12[%swap3A_93, %swap3A_94] {strides = array<i32>} : memref<16x64xf32, #tpu.memory_space<vmem>>, vector<16xf32>,
    tpu.vector_store %arg12[%swap3A_93, %swap3A_94], %broadcast_in_dim3A_91 {strides = array<i32>} : memref<16x64xf32, #tpu.memory_space<vmem>>, vector<16xf32>,
    %broadcast_in_dim3A_96 = arith.constant 0.000000e+00 : f32
    %broadcast_in_dim3A_97 = vector.broadcast %broadcast_in_dim3A_96 : f32 to vector<16xf32>
    %swap3A_98 = arith.constant 2 : i32
    %swap3A_99 = arith.index_cast %swap3A_98 : i32 to index
    %swap3A_100 = arith.constant 16 : index
    %swap3A_101 = tpu.vector_load %arg12[%swap3A_99, %swap3A_100] {strides = array<i32>} : memref<16x64xf32, #tpu.memory_space<vmem>>, vector<16xf32>,
    tpu.vector_store %arg12[%swap3A_99, %swap3A_100], %broadcast_in_dim3A_97 {strides = array<i32>} : memref<16x64xf32, #tpu.memory_space<vmem>>, vector<16xf32>,
    %broadcast_in_dim3A_102 = arith.constant 0.000000e+00 : f32
    %broadcast_in_dim3A_103 = vector.broadcast %broadcast_in_dim3A_102 : f32 to vector<16xf32>
    %swap3A_104 = arith.constant 2 : i32
    %swap3A_105 = arith.index_cast %swap3A_104 : i32 to index
    %swap3A_106 = arith.constant 32 : index
    %swap3A_107 = tpu.vector_load %arg12[%swap3A_105, %swap3A_106] {strides = array<i32>} : memref<16x64xf32, #tpu.memory_space<vmem>>, vector<16xf32>,
    tpu.vector_store %arg12[%swap3A_105, %swap3A_106], %broadcast_in_dim3A_103 {strides = array<i32>} : memref<16x64xf32, #tpu.memory_space<vmem>>, vector<16xf32>,
    %broadcast_in_dim3A_108 = arith.constant 0.000000e+00 : f32
    %broadcast_in_dim3A_109 = vector.broadcast %broadcast_in_dim3A_108 : f32 to vector<16xf32>
    %swap3A_110 = arith.constant 2 : i32
    %swap3A_111 = arith.index_cast %swap3A_110 : i32 to index
    %swap3A_112 = arith.constant 48 : index
    %swap3A_113 = tpu.vector_load %arg12[%swap3A_111, %swap3A_112] {strides = array<i32>} : memref<16x64xf32, #tpu.memory_space<vmem>>, vector<16xf32>,
    tpu.vector_store %arg12[%swap3A_111, %swap3A_112], %broadcast_in_dim3A_109 {strides = array<i32>} : memref<16x64xf32, #tpu.memory_space<vmem>>, vector<16xf32>,
    %broadcast_in_dim3A_114 = arith.constant 0.000000e+00 : f32
    %broadcast_in_dim3A_115 = vector.broadcast %broadcast_in_dim3A_114 : f32 to vector<16xf32>
    %swap3A_116 = arith.constant 3 : i32
    %swap3A_117 = arith.index_cast %swap3A_116 : i32 to index
    %swap3A_118 = arith.constant 0 : index
    %swap3A_119 = tpu.vector_load %arg12[%swap3A_117, %swap3A_118] {strides = array<i32>} : memref<16x64xf32, #tpu.memory_space<vmem>>, vector<16xf32>,
    tpu.vector_store %arg12[%swap3A_117, %swap3A_118], %broadcast_in_dim3A_115 {strides = array<i32>} : memref<16x64xf32, #tpu.memory_space<vmem>>, vector<16xf32>,
    %broadcast_in_dim3A_120 = arith.constant 0.000000e+00 : f32
    %broadcast_in_dim3A_121 = vector.broadcast %broadcast_in_dim3A_120 : f32 to vector<16xf32>
    %swap3A_122 = arith.constant 3 : i32
    %swap3A_123 = arith.index_cast %swap3A_122 : i32 to index
    %swap3A_124 = arith.constant 16 : index
    %swap3A_125 = tpu.vector_load %arg12[%swap3A_123, %swap3A_124] {strides = array<i32>} : memref<16x64xf32, #tpu.memory_space<vmem>>, vector<16xf32>,
    tpu.vector_store %arg12[%swap3A_123, %swap3A_124], %broadcast_in_dim3A_121 {strides = array<i32>} : memref<16x64xf32, #tpu.memory_space<vmem>>, vector<16xf32>,
    %broadcast_in_dim3A_126 = arith.constant 0.000000e+00 : f32
    %broadcast_in_dim3A_127 = vector.broadcast %broadcast_in_dim3A_126 : f32 to vector<16xf32>
    %swap3A_128 = arith.constant 3 : i32
    %swap3A_129 = arith.index_cast %swap3A_128 : i32 to index
    %swap3A_130 = arith.constant 32 : index
    %swap3A_131 = tpu.vector_load %arg12[%swap3A_129, %swap3A_130] {strides = array<i32>} : memref<16x64xf32, #tpu.memory_space<vmem>>, vector<16xf32>,
    tpu.vector_store %arg12[%swap3A_129, %swap3A_130], %broadcast_in_dim3A_127 {strides = array<i32>} : memref<16x64xf32, #tpu.memory_space<vmem>>, vector<16xf32>,
    %broadcast_in_dim3A_132 = arith.constant 0.000000e+00 : f32
    %broadcast_in_dim3A_133 = vector.broadcast %broadcast_in_dim3A_132 : f32 to vector<16xf32>
    %swap3A_134 = arith.constant 3 : i32
    %swap3A_135 = arith.index_cast %swap3A_134 : i32 to index
    %swap3A_136 = arith.constant 48 : index
    %swap3A_137 = tpu.vector_load %arg12[%swap3A_135, %swap3A_136] {strides = array<i32>} : memref<16x64xf32, #tpu.memory_space<vmem>>, vector<16xf32>,
    tpu.vector_store %arg12[%swap3A_135, %swap3A_136], %broadcast_in_dim3A_133 {strides = array<i32>} : memref<16x64xf32, #tpu.memory_space<vmem>>, vector<16xf32>,
    %broadcast_in_dim3A_138 = arith.constant 0.000000e+00 : f32
    %broadcast_in_dim3A_139 = vector.broadcast %broadcast_in_dim3A_138 : f32 to vector<16xf32>
    %swap3A_140 = arith.constant 4 : i32
    %swap3A_141 = arith.index_cast %swap3A_140 : i32 to index
    %swap3A_142 = arith.constant 0 : index
    %swap3A_143 = tpu.vector_load %arg12[%swap3A_141, %swap3A_142] {strides = array<i32>} : memref<16x64xf32, #tpu.memory_space<vmem>>, vector<16xf32>,
    tpu.vector_store %arg12[%swap3A_141, %swap3A_142], %broadcast_in_dim3A_139 {strides = array<i32>} : memref<16x64xf32, #tpu.memory_space<vmem>>, vector<16xf32>,
    %broadcast_in_dim3A_144 = arith.constant 0.000000e+00 : f32
    %broadcast_in_dim3A_145 = vector.broadcast %broadcast_in_dim3A_144 : f32 to vector<16xf32>
    %swap3A_146 = arith.constant 4 : i32
    %swap3A_147 = arith.index_cast %swap3A_146 : i32 to index
    %swap3A_148 = arith.constant 16 : index
    %swap3A_149 = tpu.vector_load %arg12[%swap3A_147, %swap3A_148] {strides = array<i32>} : memref<16x64xf32, #tpu.memory_space<vmem>>, vector<16xf32>,
    tpu.vector_store %arg12[%swap3A_147, %swap3A_148], %broadcast_in_dim3A_145 {strides = array<i32>} : memref<16x64xf32, #tpu.memory_space<vmem>>, vector<16xf32>,
    %broadcast_in_dim3A_150 = arith.constant 0.000000e+00 : f32
    %broadcast_in_dim3A_151 = vector.broadcast %broadcast_in_dim3A_150 : f32 to vector<16xf32>
    %swap3A_152 = arith.constant 4 : i32
    %swap3A_153 = arith.index_cast %swap3A_152 : i32 to index
    %swap3A_154 = arith.constant 32 : index
    %swap3A_155 = tpu.vector_load %arg12[%swap3A_153, %swap3A_154] {strides = array<i32>} : memref<16x64xf32, #tpu.memory_space<vmem>>, vector<16xf32>,
    tpu.vector_store %arg12[%swap3A_153, %swap3A_154], %broadcast_in_dim3A_151 {strides = array<i32>} : memref<16x64xf32, #tpu.memory_space<vmem>>, vector<16xf32>,
    %broadcast_in_dim3A_156 = arith.constant 0.000000e+00 : f32
    %broadcast_in_dim3A_157 = vector.broadcast %broadcast_in_dim3A_156 : f32 to vector<16xf32>
    %swap3A_158 = arith.constant 4 : i32
    %swap3A_159 = arith.index_cast %swap3A_158 : i32 to index
    %swap3A_160 = arith.constant 48 : index
    %swap3A_161 = tpu.vector_load %arg12[%swap3A_159, %swap3A_160] {strides = array<i32>} : memref<16x64xf32, #tpu.memory_space<vmem>>, vector<16xf32>,
    tpu.vector_store %arg12[%swap3A_159, %swap3A_160], %broadcast_in_dim3A_157 {strides = array<i32>} : memref<16x64xf32, #tpu.memory_space<vmem>>, vector<16xf32>,
    %broadcast_in_dim3A_162 = arith.constant 0.000000e+00 : f32
    %broadcast_in_dim3A_163 = vector.broadcast %broadcast_in_dim3A_162 : f32 to vector<16xf32>
    %swap3A_164 = arith.constant 5 : i32
    %swap3A_165 = arith.index_cast %swap3A_164 : i32 to index
    %swap3A_166 = arith.constant 0 : index
    %swap3A_167 = tpu.vector_load %arg12[%swap3A_165, %swap3A_166] {strides = array<i32>} : memref<16x64xf32, #tpu.memory_space<vmem>>, vector<16xf32>,
    tpu.vector_store %arg12[%swap3A_165, %swap3A_166], %broadcast_in_dim3A_163 {strides = array<i32>} : memref<16x64xf32, #tpu.memory_space<vmem>>, vector<16xf32>,
    %broadcast_in_dim3A_168 = arith.constant 0.000000e+00 : f32
    %broadcast_in_dim3A_169 = vector.broadcast %broadcast_in_dim3A_168 : f32 to vector<16xf32>
    %swap3A_170 = arith.constant 5 : i32
    %swap3A_171 = arith.index_cast %swap3A_170 : i32 to index
    %swap3A_172 = arith.constant 16 : index
    %swap3A_173 = tpu.vector_load %arg12[%swap3A_171, %swap3A_172] {strides = array<i32>} : memref<16x64xf32, #tpu.memory_space<vmem>>, vector<16xf32>,
    tpu.vector_store %arg12[%swap3A_171, %swap3A_172], %broadcast_in_dim3A_169 {strides = array<i32>} : memref<16x64xf32, #tpu.memory_space<vmem>>, vector<16xf32>,
    %broadcast_in_dim3A_174 = arith.constant 0.000000e+00 : f32
    %broadcast_in_dim3A_175 = vector.broadcast %broadcast_in_dim3A_174 : f32 to vector<16xf32>
    %swap3A_176 = arith.constant 5 : i32
    %swap3A_177 = arith.index_cast %swap3A_176 : i32 to index
    %swap3A_178 = arith.constant 32 : index
    %swap3A_179 = tpu.vector_load %arg12[%swap3A_177, %swap3A_178] {strides = array<i32>} : memref<16x64xf32, #tpu.memory_space<vmem>>, vector<16xf32>,
    tpu.vector_store %arg12[%swap3A_177, %swap3A_178], %broadcast_in_dim3A_175 {strides = array<i32>} : memref<16x64xf32, #tpu.memory_space<vmem>>, vector<16xf32>,
    %broadcast_in_dim3A_180 = arith.constant 0.000000e+00 : f32
    %broadcast_in_dim3A_181 = vector.broadcast %broadcast_in_dim3A_180 : f32 to vector<16xf32>
    %swap3A_182 = arith.constant 5 : i32
    %swap3A_183 = arith.index_cast %swap3A_182 : i32 to index
    %swap3A_184 = arith.constant 48 : index
    %swap3A_185 = tpu.vector_load %arg12[%swap3A_183, %swap3A_184] {strides = array<i32>} : memref<16x64xf32, #tpu.memory_space<vmem>>, vector<16xf32>,
    tpu.vector_store %arg12[%swap3A_183, %swap3A_184], %broadcast_in_dim3A_181 {strides = array<i32>} : memref<16x64xf32, #tpu.memory_space<vmem>>, vector<16xf32>,
    %broadcast_in_dim3A_186 = arith.constant 0.000000e+00 : f32
    %broadcast_in_dim3A_187 = vector.broadcast %broadcast_in_dim3A_186 : f32 to vector<16xf32>
    %swap3A_188 = arith.constant 6 : i32
    %swap3A_189 = arith.index_cast %swap3A_188 : i32 to index
    %swap3A_190 = arith.constant 0 : index
    %swap3A_191 = tpu.vector_load %arg12[%swap3A_189, %swap3A_190] {strides = array<i32>} : memref<16x64xf32, #tpu.memory_space<vmem>>, vector<16xf32>,
    tpu.vector_store %arg12[%swap3A_189, %swap3A_190], %broadcast_in_dim3A_187 {strides = array<i32>} : memref<16x64xf32, #tpu.memory_space<vmem>>, vector<16xf32>,
    %broadcast_in_dim3A_192 = arith.constant 0.000000e+00 : f32
    %broadcast_in_dim3A_193 = vector.broadcast %broadcast_in_dim3A_192 : f32 to vector<16xf32>
    %swap3A_194 = arith.constant 6 : i32
    %swap3A_195 = arith.index_cast %swap3A_194 : i32 to index
    %swap3A_196 = arith.constant 16 : index
    %swap3A_197 = tpu.vector_load %arg12[%swap3A_195, %swap3A_196] {strides = array<i32>} : memref<16x64xf32, #tpu.memory_space<vmem>>, vector<16xf32>,
    tpu.vector_store %arg12[%swap3A_195, %swap3A_196], %broadcast_in_dim3A_193 {strides = array<i32>} : memref<16x64xf32, #tpu.memory_space<vmem>>, vector<16xf32>,
    %broadcast_in_dim3A_198 = arith.constant 0.000000e+00 : f32
    %broadcast_in_dim3A_199 = vector.broadcast %broadcast_in_dim3A_198 : f32 to vector<16xf32>
    %swap3A_200 = arith.constant 6 : i32
    %swap3A_201 = arith.index_cast %swap3A_200 : i32 to index
    %swap3A_202 = arith.constant 32 : index
    %swap3A_203 = tpu.vector_load %arg12[%swap3A_201, %swap3A_202] {strides = array<i32>} : memref<16x64xf32, #tpu.memory_space<vmem>>, vector<16xf32>,
    tpu.vector_store %arg12[%swap3A_201, %swap3A_202], %broadcast_in_dim3A_199 {strides = array<i32>} : memref<16x64xf32, #tpu.memory_space<vmem>>, vector<16xf32>,
    %broadcast_in_dim3A_204 = arith.constant 0.000000e+00 : f32
    %broadcast_in_dim3A_205 = vector.broadcast %broadcast_in_dim3A_204 : f32 to vector<16xf32>
    %swap3A_206 = arith.constant 6 : i32
    %swap3A_207 = arith.index_cast %swap3A_206 : i32 to index
    %swap3A_208 = arith.constant 48 : index
    %swap3A_209 = tpu.vector_load %arg12[%swap3A_207, %swap3A_208] {strides = array<i32>} : memref<16x64xf32, #tpu.memory_space<vmem>>, vector<16xf32>,
    tpu.vector_store %arg12[%swap3A_207, %swap3A_208], %broadcast_in_dim3A_205 {strides = array<i32>} : memref<16x64xf32, #tpu.memory_space<vmem>>, vector<16xf32>,
    %broadcast_in_dim3A_210 = arith.constant 0.000000e+00 : f32
    %broadcast_in_dim3A_211 = vector.broadcast %broadcast_in_dim3A_210 : f32 to vector<16xf32>
    %swap3A_212 = arith.constant 7 : i32
    %swap3A_213 = arith.index_cast %swap3A_212 : i32 to index
    %swap3A_214 = arith.constant 0 : index
    %swap3A_215 = tpu.vector_load %arg12[%swap3A_213, %swap3A_214] {strides = array<i32>} : memref<16x64xf32, #tpu.memory_space<vmem>>, vector<16xf32>,
    tpu.vector_store %arg12[%swap3A_213, %swap3A_214], %broadcast_in_dim3A_211 {strides = array<i32>} : memref<16x64xf32, #tpu.memory_space<vmem>>, vector<16xf32>,
    %broadcast_in_dim3A_216 = arith.constant 0.000000e+00 : f32
    %broadcast_in_dim3A_217 = vector.broadcast %broadcast_in_dim3A_216 : f32 to vector<16xf32>
    %swap3A_218 = arith.constant 7 : i32
    %swap3A_219 = arith.index_cast %swap3A_218 : i32 to index
    %swap3A_220 = arith.constant 16 : index
    %swap3A_221 = tpu.vector_load %arg12[%swap3A_219, %swap3A_220] {strides = array<i32>} : memref<16x64xf32, #tpu.memory_space<vmem>>, vector<16xf32>,
    tpu.vector_store %arg12[%swap3A_219, %swap3A_220], %broadcast_in_dim3A_217 {strides = array<i32>} : memref<16x64xf32, #tpu.memory_space<vmem>>, vector<16xf32>,
    %broadcast_in_dim3A_222 = arith.constant 0.000000e+00 : f32
    %broadcast_in_dim3A_223 = vector.broadcast %broadcast_in_dim3A_222 : f32 to vector<16xf32>
    %swap3A_224 = arith.constant 7 : i32
    %swap3A_225 = arith.index_cast %swap3A_224 : i32 to index
    %swap3A_226 = arith.constant 32 : index
    %swap3A_227 = tpu.vector_load %arg12[%swap3A_225, %swap3A_226] {strides = array<i32>} : memref<16x64xf32, #tpu.memory_space<vmem>>, vector<16xf32>,
    tpu.vector_store %arg12[%swap3A_225, %swap3A_226], %broadcast_in_dim3A_223 {strides = array<i32>} : memref<16x64xf32, #tpu.memory_space<vmem>>, vector<16xf32>,
    %broadcast_in_dim3A_228 = arith.constant 0.000000e+00 : f32
    %broadcast_in_dim3A_229 = vector.broadcast %broadcast_in_dim3A_228 : f32 to vector<16xf32>
    %swap3A_230 = arith.constant 7 : i32
    %swap3A_231 = arith.index_cast %swap3A_230 : i32 to index
    %swap3A_232 = arith.constant 48 : index
    %swap3A_233 = tpu.vector_load %arg12[%swap3A_231, %swap3A_232] {strides = array<i32>} : memref<16x64xf32, #tpu.memory_space<vmem>>, vector<16xf32>,
    tpu.vector_store %arg12[%swap3A_231, %swap3A_232], %broadcast_in_dim3A_229 {strides = array<i32>} : memref<16x64xf32, #tpu.memory_space<vmem>>, vector<16xf32>,
    %broadcast_in_dim3A_234 = arith.constant 0.000000e+00 : f32
    %broadcast_in_dim3A_235 = vector.broadcast %broadcast_in_dim3A_234 : f32 to vector<16xf32>
    %swap3A_236 = arith.constant 8 : i32
    %swap3A_237 = arith.index_cast %swap3A_236 : i32 to index
    %swap3A_238 = arith.constant 0 : index
    %swap3A_239 = tpu.vector_load %arg12[%swap3A_237, %swap3A_238] {strides = array<i32>} : memref<16x64xf32, #tpu.memory_space<vmem>>, vector<16xf32>,
    tpu.vector_store %arg12[%swap3A_237, %swap3A_238], %broadcast_in_dim3A_235 {strides = array<i32>} : memref<16x64xf32, #tpu.memory_space<vmem>>, vector<16xf32>,
    %broadcast_in_dim3A_240 = arith.constant 0.000000e+00 : f32
    %broadcast_in_dim3A_241 = vector.broadcast %broadcast_in_dim3A_240 : f32 to vector<16xf32>
    %swap3A_242 = arith.constant 8 : i32
    %swap3A_243 = arith.index_cast %swap3A_242 : i32 to index
    %swap3A_244 = arith.constant 16 : index
    %swap3A_245 = tpu.vector_load %arg12[%swap3A_243, %swap3A_244] {strides = array<i32>} : memref<16x64xf32, #tpu.memory_space<vmem>>, vector<16xf32>,
    tpu.vector_store %arg12[%swap3A_243, %swap3A_244], %broadcast_in_dim3A_241 {strides = array<i32>} : memref<16x64xf32, #tpu.memory_space<vmem>>, vector<16xf32>,
    %broadcast_in_dim3A_246 = arith.constant 0.000000e+00 : f32
    %broadcast_in_dim3A_247 = vector.broadcast %broadcast_in_dim3A_246 : f32 to vector<16xf32>
    %swap3A_248 = arith.constant 8 : i32
    %swap3A_249 = arith.index_cast %swap3A_248 : i32 to index
    %swap3A_250 = arith.constant 32 : index
    %swap3A_251 = tpu.vector_load %arg12[%swap3A_249, %swap3A_250] {strides = array<i32>} : memref<16x64xf32, #tpu.memory_space<vmem>>, vector<16xf32>,
    tpu.vector_store %arg12[%swap3A_249, %swap3A_250], %broadcast_in_dim3A_247 {strides = array<i32>} : memref<16x64xf32, #tpu.memory_space<vmem>>, vector<16xf32>,
    %broadcast_in_dim3A_252 = arith.constant 0.000000e+00 : f32
    %broadcast_in_dim3A_253 = vector.broadcast %broadcast_in_dim3A_252 : f32 to vector<16xf32>
    %swap3A_254 = arith.constant 8 : i32
    %swap3A_255 = arith.index_cast %swap3A_254 : i32 to index
    %swap3A_256 = arith.constant 48 : index
    %swap3A_257 = tpu.vector_load %arg12[%swap3A_255, %swap3A_256] {strides = array<i32>} : memref<16x64xf32, #tpu.memory_space<vmem>>, vector<16xf32>,
    tpu.vector_store %arg12[%swap3A_255, %swap3A_256], %broadcast_in_dim3A_253 {strides = array<i32>} : memref<16x64xf32, #tpu.memory_space<vmem>>, vector<16xf32>,
    %broadcast_in_dim3A_258 = arith.constant 0.000000e+00 : f32
    %broadcast_in_dim3A_259 = vector.broadcast %broadcast_in_dim3A_258 : f32 to vector<16xf32>
    %swap3A_260 = arith.constant 9 : i32
    %swap3A_261 = arith.index_cast %swap3A_260 : i32 to index
    %swap3A_262 = arith.constant 0 : index
    %swap3A_263 = tpu.vector_load %arg12[%swap3A_261, %swap3A_262] {strides = array<i32>} : memref<16x64xf32, #tpu.memory_space<vmem>>, vector<16xf32>,
    tpu.vector_store %arg12[%swap3A_261, %swap3A_262], %broadcast_in_dim3A_259 {strides = array<i32>} : memref<16x64xf32, #tpu.memory_space<vmem>>, vector<16xf32>,
    %broadcast_in_dim3A_264 = arith.constant 0.000000e+00 : f32
    %broadcast_in_dim3A_265 = vector.broadcast %broadcast_in_dim3A_264 : f32 to vector<16xf32>
    %swap3A_266 = arith.constant 9 : i32
    %swap3A_267 = arith.index_cast %swap3A_266 : i32 to index
    %swap3A_268 = arith.constant 16 : index
    %swap3A_269 = tpu.vector_load %arg12[%swap3A_267, %swap3A_268] {strides = array<i32>} : memref<16x64xf32, #tpu.memory_space<vmem>>, vector<16xf32>,
    tpu.vector_store %arg12[%swap3A_267, %swap3A_268], %broadcast_in_dim3A_265 {strides = array<i32>} : memref<16x64xf32, #tpu.memory_space<vmem>>, vector<16xf32>,
    %broadcast_in_dim3A_270 = arith.constant 0.000000e+00 : f32
    %broadcast_in_dim3A_271 = vector.broadcast %broadcast_in_dim3A_270 : f32 to vector<16xf32>
    %swap3A_272 = arith.constant 9 : i32
    %swap3A_273 = arith.index_cast %swap3A_272 : i32 to index
    %swap3A_274 = arith.constant 32 : index
    %swap3A_275 = tpu.vector_load %arg12[%swap3A_273, %swap3A_274] {strides = array<i32>} : memref<16x64xf32, #tpu.memory_space<vmem>>, vector<16xf32>,
    tpu.vector_store %arg12[%swap3A_273, %swap3A_274], %broadcast_in_dim3A_271 {strides = array<i32>} : memref<16x64xf32, #tpu.memory_space<vmem>>, vector<16xf32>,
    %broadcast_in_dim3A_276 = arith.constant 0.000000e+00 : f32
    %broadcast_in_dim3A_277 = vector.broadcast %broadcast_in_dim3A_276 : f32 to vector<16xf32>
    %swap3A_278 = arith.constant 9 : i32
    %swap3A_279 = arith.index_cast %swap3A_278 : i32 to index
    %swap3A_280 = arith.constant 48 : index
    %swap3A_281 = tpu.vector_load %arg12[%swap3A_279, %swap3A_280] {strides = array<i32>} : memref<16x64xf32, #tpu.memory_space<vmem>>, vector<16xf32>,
    tpu.vector_store %arg12[%swap3A_279, %swap3A_280], %broadcast_in_dim3A_277 {strides = array<i32>} : memref<16x64xf32, #tpu.memory_space<vmem>>, vector<16xf32>,
    %broadcast_in_dim3A_282 = arith.constant 0.000000e+00 : f32
    %broadcast_in_dim3A_283 = vector.broadcast %broadcast_in_dim3A_282 : f32 to vector<16xf32>
    %swap3A_284 = arith.constant 10 : i32
    %swap3A_285 = arith.index_cast %swap3A_284 : i32 to index
    %swap3A_286 = arith.constant 0 : index
    %swap3A_287 = tpu.vector_load %arg12[%swap3A_285, %swap3A_286] {strides = array<i32>} : memref<16x64xf32, #tpu.memory_space<vmem>>, vector<16xf32>,
    tpu.vector_store %arg12[%swap3A_285, %swap3A_286], %broadcast_in_dim3A_283 {strides = array<i32>} : memref<16x64xf32, #tpu.memory_space<vmem>>, vector<16xf32>,
    %broadcast_in_dim3A_288 = arith.constant 0.000000e+00 : f32
    %broadcast_in_dim3A_289 = vector.broadcast %broadcast_in_dim3A_288 : f32 to vector<16xf32>
    %swap3A_290 = arith.constant 10 : i32
    %swap3A_291 = arith.index_cast %swap3A_290 : i32 to index
    %swap3A_292 = arith.constant 16 : index
    %swap3A_293 = tpu.vector_load %arg12[%swap3A_291, %swap3A_292] {strides = array<i32>} : memref<16x64xf32, #tpu.memory_space<vmem>>, vector<16xf32>,
    tpu.vector_store %arg12[%swap3A_291, %swap3A_292], %broadcast_in_dim3A_289 {strides = array<i32>} : memref<16x64xf32, #tpu.memory_space<vmem>>, vector<16xf32>,
    %broadcast_in_dim3A_294 = arith.constant 0.000000e+00 : f32
    %broadcast_in_dim3A_295 = vector.broadcast %broadcast_in_dim3A_294 : f32 to vector<16xf32>
    %swap3A_296 = arith.constant 10 : i32
    %swap3A_297 = arith.index_cast %swap3A_296 : i32 to index
    %swap3A_298 = arith.constant 32 : index
    %swap3A_299 = tpu.vector_load %arg12[%swap3A_297, %swap3A_298] {strides = array<i32>} : memref<16x64xf32, #tpu.memory_space<vmem>>, vector<16xf32>,
    tpu.vector_store %arg12[%swap3A_297, %swap3A_298], %broadcast_in_dim3A_295 {strides = array<i32>} : memref<16x64xf32, #tpu.memory_space<vmem>>, vector<16xf32>,
    %broadcast_in_dim3A_300 = arith.constant 0.000000e+00 : f32
    %broadcast_in_dim3A_301 = vector.broadcast %broadcast_in_dim3A_300 : f32 to vector<16xf32>
    %swap3A_302 = arith.constant 10 : i32
    %swap3A_303 = arith.index_cast %swap3A_302 : i32 to index
    %swap3A_304 = arith.constant 48 : index
    %swap3A_305 = tpu.vector_load %arg12[%swap3A_303, %swap3A_304] {strides = array<i32>} : memref<16x64xf32, #tpu.memory_space<vmem>>, vector<16xf32>,
    tpu.vector_store %arg12[%swap3A_303, %swap3A_304], %broadcast_in_dim3A_301 {strides = array<i32>} : memref<16x64xf32, #tpu.memory_space<vmem>>, vector<16xf32>,
    %broadcast_in_dim3A_306 = arith.constant 0.000000e+00 : f32
    %broadcast_in_dim3A_307 = vector.broadcast %broadcast_in_dim3A_306 : f32 to vector<16xf32>
    %swap3A_308 = arith.constant 11 : i32
    %swap3A_309 = arith.index_cast %swap3A_308 : i32 to index
    %swap3A_310 = arith.constant 0 : index
    %swap3A_311 = tpu.vector_load %arg12[%swap3A_309, %swap3A_310] {strides = array<i32>} : memref<16x64xf32, #tpu.memory_space<vmem>>, vector<16xf32>,
    tpu.vector_store %arg12[%swap3A_309, %swap3A_310], %broadcast_in_dim3A_307 {strides = array<i32>} : memref<16x64xf32, #tpu.memory_space<vmem>>, vector<16xf32>,
    %broadcast_in_dim3A_312 = arith.constant 0.000000e+00 : f32
    %broadcast_in_dim3A_313 = vector.broadcast %broadcast_in_dim3A_312 : f32 to vector<16xf32>
    %swap3A_314 = arith.constant 11 : i32
    %swap3A_315 = arith.index_cast %swap3A_314 : i32 to index
    %swap3A_316 = arith.constant 16 : index
    %swap3A_317 = tpu.vector_load %arg12[%swap3A_315, %swap3A_316] {strides = array<i32>} : memref<16x64xf32, #tpu.memory_space<vmem>>, vector<16xf32>,
    tpu.vector_store %arg12[%swap3A_315, %swap3A_316], %broadcast_in_dim3A_313 {strides = array<i32>} : memref<16x64xf32, #tpu.memory_space<vmem>>, vector<16xf32>,
    %broadcast_in_dim3A_318 = arith.constant 0.000000e+00 : f32
    %broadcast_in_dim3A_319 = vector.broadcast %broadcast_in_dim3A_318 : f32 to vector<16xf32>
    %swap3A_320 = arith.constant 11 : i32
    %swap3A_321 = arith.index_cast %swap3A_320 : i32 to index
    %swap3A_322 = arith.constant 32 : index
    %swap3A_323 = tpu.vector_load %arg12[%swap3A_321, %swap3A_322] {strides = array<i32>} : memref<16x64xf32, #tpu.memory_space<vmem>>, vector<16xf32>,
    tpu.vector_store %arg12[%swap3A_321, %swap3A_322], %broadcast_in_dim3A_319 {strides = array<i32>} : memref<16x64xf32, #tpu.memory_space<vmem>>, vector<16xf32>,
    %broadcast_in_dim3A_324 = arith.constant 0.000000e+00 : f32
    %broadcast_in_dim3A_325 = vector.broadcast %broadcast_in_dim3A_324 : f32 to vector<16xf32>
    %swap3A_326 = arith.constant 11 : i32
    %swap3A_327 = arith.index_cast %swap3A_326 : i32 to index
    %swap3A_328 = arith.constant 48 : index
    %swap3A_329 = tpu.vector_load %arg12[%swap3A_327, %swap3A_328] {strides = array<i32>} : memref<16x64xf32, #tpu.memory_space<vmem>>, vector<16xf32>,
    tpu.vector_store %arg12[%swap3A_327, %swap3A_328], %broadcast_in_dim3A_325 {strides = array<i32>} : memref<16x64xf32, #tpu.memory_space<vmem>>, vector<16xf32>,
    %broadcast_in_dim3A_330 = arith.constant 0.000000e+00 : f32
    %broadcast_in_dim3A_331 = vector.broadcast %broadcast_in_dim3A_330 : f32 to vector<16xf32>
    %swap3A_332 = arith.constant 12 : i32
    %swap3A_333 = arith.index_cast %swap3A_332 : i32 to index
    %swap3A_334 = arith.constant 0 : index
    %swap3A_335 = tpu.vector_load %arg12[%swap3A_333, %swap3A_334] {strides = array<i32>} : memref<16x64xf32, #tpu.memory_space<vmem>>, vector<16xf32>,
    tpu.vector_store %arg12[%swap3A_333, %swap3A_334], %broadcast_in_dim3A_331 {strides = array<i32>} : memref<16x64xf32, #tpu.memory_space<vmem>>, vector<16xf32>,
    %broadcast_in_dim3A_336 = arith.constant 0.000000e+00 : f32
    %broadcast_in_dim3A_337 = vector.broadcast %broadcast_in_dim3A_336 : f32 to vector<16xf32>
    %swap3A_338 = arith.constant 12 : i32
    %swap3A_339 = arith.index_cast %swap3A_338 : i32 to index
    %swap3A_340 = arith.constant 16 : index
    %swap3A_341 = tpu.vector_load %arg12[%swap3A_339, %swap3A_340] {strides = array<i32>} : memref<16x64xf32, #tpu.memory_space<vmem>>, vector<16xf32>,
    tpu.vector_store %arg12[%swap3A_339, %swap3A_340], %broadcast_in_dim3A_337 {strides = array<i32>} : memref<16x64xf32, #tpu.memory_space<vmem>>, vector<16xf32>,
    %broadcast_in_dim3A_342 = arith.constant 0.000000e+00 : f32
    %broadcast_in_dim3A_343 = vector.broadcast %broadcast_in_dim3A_342 : f32 to vector<16xf32>
    %swap3A_344 = arith.constant 12 : i32
    %swap3A_345 = arith.index_cast %swap3A_344 : i32 to index
    %swap3A_346 = arith.constant 32 : index
    %swap3A_347 = tpu.vector_load %arg12[%swap3A_345, %swap3A_346] {strides = array<i32>} : memref<16x64xf32, #tpu.memory_space<vmem>>, vector<16xf32>,
    tpu.vector_store %arg12[%swap3A_345, %swap3A_346], %broadcast_in_dim3A_343 {strides = array<i32>} : memref<16x64xf32, #tpu.memory_space<vmem>>, vector<16xf32>,
    %broadcast_in_dim3A_348 = arith.constant 0.000000e+00 : f32
    %broadcast_in_dim3A_349 = vector.broadcast %broadcast_in_dim3A_348 : f32 to vector<16xf32>
    %swap3A_350 = arith.constant 12 : i32
    %swap3A_351 = arith.index_cast %swap3A_350 : i32 to index
    %swap3A_352 = arith.constant 48 : index
    %swap3A_353 = tpu.vector_load %arg12[%swap3A_351, %swap3A_352] {strides = array<i32>} : memref<16x64xf32, #tpu.memory_space<vmem>>, vector<16xf32>,
    tpu.vector_store %arg12[%swap3A_351, %swap3A_352], %broadcast_in_dim3A_349 {strides = array<i32>} : memref<16x64xf32, #tpu.memory_space<vmem>>, vector<16xf32>,
    %broadcast_in_dim3A_354 = arith.constant 0.000000e+00 : f32
    %broadcast_in_dim3A_355 = vector.broadcast %broadcast_in_dim3A_354 : f32 to vector<16xf32>
    %swap3A_356 = arith.constant 13 : i32
    %swap3A_357 = arith.index_cast %swap3A_356 : i32 to index
    %swap3A_358 = arith.constant 0 : index
    %swap3A_359 = tpu.vector_load %arg12[%swap3A_357, %swap3A_358] {strides = array<i32>} : memref<16x64xf32, #tpu.memory_space<vmem>>, vector<16xf32>,
    tpu.vector_store %arg12[%swap3A_357, %swap3A_358], %broadcast_in_dim3A_355 {strides = array<i32>} : memref<16x64xf32, #tpu.memory_space<vmem>>, vector<16xf32>,
    %broadcast_in_dim3A_360 = arith.constant 0.000000e+00 : f32
    %broadcast_in_dim3A_361 = vector.broadcast %broadcast_in_dim3A_360 : f32 to vector<16xf32>
    %swap3A_362 = arith.constant 13 : i32
    %swap3A_363 = arith.index_cast %swap3A_362 : i32 to index
    %swap3A_364 = arith.constant 16 : index
    %swap3A_365 = tpu.vector_load %arg12[%swap3A_363, %swap3A_364] {strides = array<i32>} : memref<16x64xf32, #tpu.memory_space<vmem>>, vector<16xf32>,
    tpu.vector_store %arg12[%swap3A_363, %swap3A_364], %broadcast_in_dim3A_361 {strides = array<i32>} : memref<16x64xf32, #tpu.memory_space<vmem>>, vector<16xf32>,
    %broadcast_in_dim3A_366 = arith.constant 0.000000e+00 : f32
    %broadcast_in_dim3A_367 = vector.broadcast %broadcast_in_dim3A_366 : f32 to vector<16xf32>
    %swap3A_368 = arith.constant 13 : i32
    %swap3A_369 = arith.index_cast %swap3A_368 : i32 to index
    %swap3A_370 = arith.constant 32 : index
    %swap3A_371 = tpu.vector_load %arg12[%swap3A_369, %swap3A_370] {strides = array<i32>} : memref<16x64xf32, #tpu.memory_space<vmem>>, vector<16xf32>,
    tpu.vector_store %arg12[%swap3A_369, %swap3A_370], %broadcast_in_dim3A_367 {strides = array<i32>} : memref<16x64xf32, #tpu.memory_space<vmem>>, vector<16xf32>,
    %broadcast_in_dim3A_372 = arith.constant 0.000000e+00 : f32
    %broadcast_in_dim3A_373 = vector.broadcast %broadcast_in_dim3A_372 : f32 to vector<16xf32>
    %swap3A_374 = arith.constant 13 : i32
    %swap3A_375 = arith.index_cast %swap3A_374 : i32 to index
    %swap3A_376 = arith.constant 48 : index
    %swap3A_377 = tpu.vector_load %arg12[%swap3A_375, %swap3A_376] {strides = array<i32>} : memref<16x64xf32, #tpu.memory_space<vmem>>, vector<16xf32>,
    tpu.vector_store %arg12[%swap3A_375, %swap3A_376], %broadcast_in_dim3A_373 {strides = array<i32>} : memref<16x64xf32, #tpu.memory_space<vmem>>, vector<16xf32>,
    %broadcast_in_dim3A_378 = arith.constant 0.000000e+00 : f32
    %broadcast_in_dim3A_379 = vector.broadcast %broadcast_in_dim3A_378 : f32 to vector<16xf32>
    %swap3A_380 = arith.constant 14 : i32
    %swap3A_381 = arith.index_cast %swap3A_380 : i32 to index
    %swap3A_382 = arith.constant 0 : index
    %swap3A_383 = tpu.vector_load %arg12[%swap3A_381, %swap3A_382] {strides = array<i32>} : memref<16x64xf32, #tpu.memory_space<vmem>>, vector<16xf32>,
    tpu.vector_store %arg12[%swap3A_381, %swap3A_382], %broadcast_in_dim3A_379 {strides = array<i32>} : memref<16x64xf32, #tpu.memory_space<vmem>>, vector<16xf32>,
    %broadcast_in_dim3A_384 = arith.constant 0.000000e+00 : f32
    %broadcast_in_dim3A_385 = vector.broadcast %broadcast_in_dim3A_384 : f32 to vector<16xf32>
    %swap3A_386 = arith.constant 14 : i32
    %swap3A_387 = arith.index_cast %swap3A_386 : i32 to index
    %swap3A_388 = arith.constant 16 : index
    %swap3A_389 = tpu.vector_load %arg12[%swap3A_387, %swap3A_388] {strides = array<i32>} : memref<16x64xf32, #tpu.memory_space<vmem>>, vector<16xf32>,
    tpu.vector_store %arg12[%swap3A_387, %swap3A_388], %broadcast_in_dim3A_385 {strides = array<i32>} : memref<16x64xf32, #tpu.memory_space<vmem>>, vector<16xf32>,
    %broadcast_in_dim3A_390 = arith.constant 0.000000e+00 : f32
    %broadcast_in_dim3A_391 = vector.broadcast %broadcast_in_dim3A_390 : f32 to vector<16xf32>
    %swap3A_392 = arith.constant 14 : i32
    %swap3A_393 = arith.index_cast %swap3A_392 : i32 to index
    %swap3A_394 = arith.constant 32 : index
    %swap3A_395 = tpu.vector_load %arg12[%swap3A_393, %swap3A_394] {strides = array<i32>} : memref<16x64xf32, #tpu.memory_space<vmem>>, vector<16xf32>,
    tpu.vector_store %arg12[%swap3A_393, %swap3A_394], %broadcast_in_dim3A_391 {strides = array<i32>} : memref<16x64xf32, #tpu.memory_space<vmem>>, vector<16xf32>,
    %broadcast_in_dim3A_396 = arith.constant 0.000000e+00 : f32
    %broadcast_in_dim3A_397 = vector.broadcast %broadcast_in_dim3A_396 : f32 to vector<16xf32>
    %swap3A_398 = arith.constant 14 : i32
    %swap3A_399 = arith.index_cast %swap3A_398 : i32 to index
    %swap3A_400 = arith.constant 48 : index
    %swap3A_401 = tpu.vector_load %arg12[%swap3A_399, %swap3A_400] {strides = array<i32>} : memref<16x64xf32, #tpu.memory_space<vmem>>, vector<16xf32>,
    tpu.vector_store %arg12[%swap3A_399, %swap3A_400], %broadcast_in_dim3A_397 {strides = array<i32>} : memref<16x64xf32, #tpu.memory_space<vmem>>, vector<16xf32>,
    %broadcast_in_dim3A_402 = arith.constant 0.000000e+00 : f32
    %broadcast_in_dim3A_403 = vector.broadcast %broadcast_in_dim3A_402 : f32 to vector<16xf32>
    %swap3A_404 = arith.constant 15 : i32
    %swap3A_405 = arith.index_cast %swap3A_404 : i32 to index
    %swap3A_406 = arith.constant 0 : index
    %swap3A_407 = tpu.vector_load %arg12[%swap3A_405, %swap3A_406] {strides = array<i32>} : memref<16x64xf32, #tpu.memory_space<vmem>>, vector<16xf32>,
    tpu.vector_store %arg12[%swap3A_405, %swap3A_406], %broadcast_in_dim3A_403 {strides = array<i32>} : memref<16x64xf32, #tpu.memory_space<vmem>>, vector<16xf32>,
    %broadcast_in_dim3A_408 = arith.constant 0.000000e+00 : f32
    %broadcast_in_dim3A_409 = vector.broadcast %broadcast_in_dim3A_408 : f32 to vector<16xf32>
    %swap3A_410 = arith.constant 15 : i32
    %swap3A_411 = arith.index_cast %swap3A_410 : i32 to index
    %swap3A_412 = arith.constant 16 : index
    %swap3A_413 = tpu.vector_load %arg12[%swap3A_411, %swap3A_412] {strides = array<i32>} : memref<16x64xf32, #tpu.memory_space<vmem>>, vector<16xf32>,
    tpu.vector_store %arg12[%swap3A_411, %swap3A_412], %broadcast_in_dim3A_409 {strides = array<i32>} : memref<16x64xf32, #tpu.memory_space<vmem>>, vector<16xf32>,
    %broadcast_in_dim3A_414 = arith.constant 0.000000e+00 : f32
    %broadcast_in_dim3A_415 = vector.broadcast %broadcast_in_dim3A_414 : f32 to vector<16xf32>
    %swap3A_416 = arith.constant 15 : i32
    %swap3A_417 = arith.index_cast %swap3A_416 : i32 to index
    %swap3A_418 = arith.constant 32 : index
    %swap3A_419 = tpu.vector_load %arg12[%swap3A_417, %swap3A_418] {strides = array<i32>} : memref<16x64xf32, #tpu.memory_space<vmem>>, vector<16xf32>,
    tpu.vector_store %arg12[%swap3A_417, %swap3A_418], %broadcast_in_dim3A_415 {strides = array<i32>} : memref<16x64xf32, #tpu.memory_space<vmem>>, vector<16xf32>,
    %broadcast_in_dim3A_420 = arith.constant 0.000000e+00 : f32
    %broadcast_in_dim3A_421 = vector.broadcast %broadcast_in_dim3A_420 : f32 to vector<16xf32>
    %swap3A_422 = arith.constant 15 : i32
    %swap3A_423 = arith.index_cast %swap3A_422 : i32 to index
    %swap3A_424 = arith.constant 48 : index
    %swap3A_425 = tpu.vector_load %arg12[%swap3A_423, %swap3A_424] {strides = array<i32>} : memref<16x64xf32, #tpu.memory_space<vmem>>, vector<16xf32>,
    tpu.vector_store %arg12[%swap3A_423, %swap3A_424], %broadcast_in_dim3A_421 {strides = array<i32>} : memref<16x64xf32, #tpu.memory_space<vmem>>, vector<16xf32>,
    %iota3A = tpu.iota {dimensions = array<i32: 0>} : vector<16xi32>
    %broadcast_in_dim3A_426 = arith.constant 1.000000e+00 : f32
    %broadcast_in_dim3A_427 = vector.broadcast %broadcast_in_dim3A_426 : f32 to vector<16xf32>
    %ge3A = arith.constant 3 : i32
    %ge3A_428 = vector.broadcast %ge3A : i32 to vector<16xi32>
    %ge3A_429 = arith.cmpi sge, %iota3A, %ge3A_428 : vector<16xi32>
    %scan3A = arith.constant 0 : i32
    %scan3A_430 = arith.constant 0 : i32
    %scan3A_431 = arith.constant 10 : i32
    %scan3A_432 = arith.addi %scan3A_430, %scan3A_431 : i32
    %scan3A_433 = arith.constant 1 : i32
    scf.for %scan3A_936 = %scan3A_430 to %scan3A_432 step %scan3A_433  : i32 {
      %get3A_937 = arith.index_cast %scan3A_936 : i32 to index
      %get3A_938 = arith.constant 0 : index
      %get3A_939 = tpu.vector_load %arg6[%get3A_937, %get3A_938] {strides = array<i32>} : memref<10x125xi32, #tpu.memory_space<vmem>>, vector<16xi32>,
      tpu.vector_store_idx %arg12[%iota3A, %get3A_939], %broadcast_in_dim3A_427 {add = true} : memref<16x64xf32, #tpu.memory_space<vmem>>[vector<16xi32>, vector<16xi32>], vector<16xf32>,
      %get3A_940 = arith.index_cast %scan3A_936 : i32 to index
      %get3A_941 = arith.constant 16 : index
      %get3A_942 = tpu.vector_load %arg6[%get3A_940, %get3A_941] {strides = array<i32>} : memref<10x125xi32, #tpu.memory_space<vmem>>, vector<16xi32>,
      tpu.vector_store_idx %arg12[%iota3A, %get3A_942], %broadcast_in_dim3A_427 {add = true} : memref<16x64xf32, #tpu.memory_space<vmem>>[vector<16xi32>, vector<16xi32>], vector<16xf32>,
      %get3A_943 = arith.index_cast %scan3A_936 : i32 to index
      %get3A_944 = arith.constant 32 : index
      %get3A_945 = tpu.vector_load %arg6[%get3A_943, %get3A_944] {strides = array<i32>} : memref<10x125xi32, #tpu.memory_space<vmem>>, vector<16xi32>,
      tpu.vector_store_idx %arg12[%iota3A, %get3A_945], %broadcast_in_dim3A_427 {add = true} : memref<16x64xf32, #tpu.memory_space<vmem>>[vector<16xi32>, vector<16xi32>], vector<16xf32>,
      %get3A_946 = arith.index_cast %scan3A_936 : i32 to index
      %get3A_947 = arith.constant 48 : index
      %get3A_948 = tpu.vector_load %arg6[%get3A_946, %get3A_947] {strides = array<i32>} : memref<10x125xi32, #tpu.memory_space<vmem>>, vector<16xi32>,
      tpu.vector_store_idx %arg12[%iota3A, %get3A_948], %broadcast_in_dim3A_427 {add = true} : memref<16x64xf32, #tpu.memory_space<vmem>>[vector<16xi32>, vector<16xi32>], vector<16xf32>,
      %get3A_949 = arith.index_cast %scan3A_936 : i32 to index
      %get3A_950 = arith.constant 64 : index
      %get3A_951 = tpu.vector_load %arg6[%get3A_949, %get3A_950] {strides = array<i32>} : memref<10x125xi32, #tpu.memory_space<vmem>>, vector<16xi32>,
      tpu.vector_store_idx %arg12[%iota3A, %get3A_951], %broadcast_in_dim3A_427 {add = true} : memref<16x64xf32, #tpu.memory_space<vmem>>[vector<16xi32>, vector<16xi32>], vector<16xf32>,
      %get3A_952 = arith.index_cast %scan3A_936 : i32 to index
      %get3A_953 = arith.constant 80 : index
      %get3A_954 = tpu.vector_load %arg6[%get3A_952, %get3A_953] {strides = array<i32>} : memref<10x125xi32, #tpu.memory_space<vmem>>, vector<16xi32>,
      tpu.vector_store_idx %arg12[%iota3A, %get3A_954], %broadcast_in_dim3A_427 {add = true} : memref<16x64xf32, #tpu.memory_space<vmem>>[vector<16xi32>, vector<16xi32>], vector<16xf32>,
      %get3A_955 = arith.index_cast %scan3A_936 : i32 to index
      %get3A_956 = arith.constant 96 : index
      %get3A_957 = tpu.vector_load %arg6[%get3A_955, %get3A_956] {strides = array<i32>} : memref<10x125xi32, #tpu.memory_space<vmem>>, vector<16xi32>,
      tpu.vector_store_idx %arg12[%iota3A, %get3A_957], %broadcast_in_dim3A_427 {add = true} : memref<16x64xf32, #tpu.memory_space<vmem>>[vector<16xi32>, vector<16xi32>], vector<16xf32>,
      %get3A_958 = arith.index_cast %scan3A_936 : i32 to index
      %get3A_959 = arith.constant 109 : index
      %get3A_960 = tpu.vector_load %arg6[%get3A_958, %get3A_959] {strides = array<i32>} : memref<10x125xi32, #tpu.memory_space<vmem>>, vector<16xi32>,
      tpu.vector_store_idx %arg12[%iota3A, %get3A_960], %broadcast_in_dim3A_427 masked %ge3A_429 {add = true} : memref<16x64xf32, #tpu.memory_space<vmem>>[vector<16xi32>, vector<16xi32>], vector<16xf32>, vector<16xi1>
    }
    %scan3A_434 = arith.constant 10 : i32
    %broadcast_in_dim3A_435 = arith.constant 0.000000e+00 : f32
    %broadcast_in_dim3A_436 = vector.broadcast %broadcast_in_dim3A_435 : f32 to vector<16xf32>
    %get3A = arith.constant 0 : i32
    %get3A_437 = arith.index_cast %get3A : i32 to index
    %get3A_438 = arith.constant 0 : index
    %get3A_439 = tpu.vector_load %arg12[%get3A_437, %get3A_438] {strides = array<i32>} : memref<16x64xf32, #tpu.memory_space<vmem>>, vector<16xf32>,
    %add3A_440 = arith.addf %broadcast_in_dim3A_436, %get3A_439 : vector<16xf32>
    %get3A_441 = arith.constant 1 : i32
    %get3A_442 = arith.index_cast %get3A_441 : i32 to index
    %get3A_443 = arith.constant 0 : index
    %get3A_444 = tpu.vector_load %arg12[%get3A_442, %get3A_443] {strides = array<i32>} : memref<16x64xf32, #tpu.memory_space<vmem>>, vector<16xf32>,
    %add3A_445 = arith.addf %add3A_440, %get3A_444 : vector<16xf32>
    %get3A_446 = arith.constant 2 : i32
    %get3A_447 = arith.index_cast %get3A_446 : i32 to index
    %get3A_448 = arith.constant 0 : index
    %get3A_449 = tpu.vector_load %arg12[%get3A_447, %get3A_448] {strides = array<i32>} : memref<16x64xf32, #tpu.memory_space<vmem>>, vector<16xf32>,
    %add3A_450 = arith.addf %add3A_445, %get3A_449 : vector<16xf32>
    %get3A_451 = arith.constant 3 : i32
    %get3A_452 = arith.index_cast %get3A_451 : i32 to index
    %get3A_453 = arith.constant 0 : index
    %get3A_454 = tpu.vector_load %arg12[%get3A_452, %get3A_453] {strides = array<i32>} : memref<16x64xf32, #tpu.memory_space<vmem>>, vector<16xf32>,
    %add3A_455 = arith.addf %add3A_450, %get3A_454 : vector<16xf32>
    %get3A_456 = arith.constant 4 : i32
    %get3A_457 = arith.index_cast %get3A_456 : i32 to index
    %get3A_458 = arith.constant 0 : index
    %get3A_459 = tpu.vector_load %arg12[%get3A_457, %get3A_458] {strides = array<i32>} : memref<16x64xf32, #tpu.memory_space<vmem>>, vector<16xf32>,
    %add3A_460 = arith.addf %add3A_455, %get3A_459 : vector<16xf32>
    %get3A_461 = arith.constant 5 : i32
    %get3A_462 = arith.index_cast %get3A_461 : i32 to index
    %get3A_463 = arith.constant 0 : index
    %get3A_464 = tpu.vector_load %arg12[%get3A_462, %get3A_463] {strides = array<i32>} : memref<16x64xf32, #tpu.memory_space<vmem>>, vector<16xf32>,
    %add3A_465 = arith.addf %add3A_460, %get3A_464 : vector<16xf32>
    %get3A_466 = arith.constant 6 : i32
    %get3A_467 = arith.index_cast %get3A_466 : i32 to index
    %get3A_468 = arith.constant 0 : index
    %get3A_469 = tpu.vector_load %arg12[%get3A_467, %get3A_468] {strides = array<i32>} : memref<16x64xf32, #tpu.memory_space<vmem>>, vector<16xf32>,
    %add3A_470 = arith.addf %add3A_465, %get3A_469 : vector<16xf32>
    %get3A_471 = arith.constant 7 : i32
    %get3A_472 = arith.index_cast %get3A_471 : i32 to index
    %get3A_473 = arith.constant 0 : index
    %get3A_474 = tpu.vector_load %arg12[%get3A_472, %get3A_473] {strides = array<i32>} : memref<16x64xf32, #tpu.memory_space<vmem>>, vector<16xf32>,
    %add3A_475 = arith.addf %add3A_470, %get3A_474 : vector<16xf32>
    %get3A_476 = arith.constant 8 : i32
    %get3A_477 = arith.index_cast %get3A_476 : i32 to index
    %get3A_478 = arith.constant 0 : index
    %get3A_479 = tpu.vector_load %arg12[%get3A_477, %get3A_478] {strides = array<i32>} : memref<16x64xf32, #tpu.memory_space<vmem>>, vector<16xf32>,
    %add3A_480 = arith.addf %add3A_475, %get3A_479 : vector<16xf32>
    %get3A_481 = arith.constant 9 : i32
    %get3A_482 = arith.index_cast %get3A_481 : i32 to index
    %get3A_483 = arith.constant 0 : index
    %get3A_484 = tpu.vector_load %arg12[%get3A_482, %get3A_483] {strides = array<i32>} : memref<16x64xf32, #tpu.memory_space<vmem>>, vector<16xf32>,
    %add3A_485 = arith.addf %add3A_480, %get3A_484 : vector<16xf32>
    %get3A_486 = arith.constant 10 : i32
    %get3A_487 = arith.index_cast %get3A_486 : i32 to index
    %get3A_488 = arith.constant 0 : index
    %get3A_489 = tpu.vector_load %arg12[%get3A_487, %get3A_488] {strides = array<i32>} : memref<16x64xf32, #tpu.memory_space<vmem>>, vector<16xf32>,
    %add3A_490 = arith.addf %add3A_485, %get3A_489 : vector<16xf32>
    %get3A_491 = arith.constant 11 : i32
    %get3A_492 = arith.index_cast %get3A_491 : i32 to index
    %get3A_493 = arith.constant 0 : index
    %get3A_494 = tpu.vector_load %arg12[%get3A_492, %get3A_493] {strides = array<i32>} : memref<16x64xf32, #tpu.memory_space<vmem>>, vector<16xf32>,
    %add3A_495 = arith.addf %add3A_490, %get3A_494 : vector<16xf32>
    %get3A_496 = arith.constant 12 : i32
    %get3A_497 = arith.index_cast %get3A_496 : i32 to index
    %get3A_498 = arith.constant 0 : index
    %get3A_499 = tpu.vector_load %arg12[%get3A_497, %get3A_498] {strides = array<i32>} : memref<16x64xf32, #tpu.memory_space<vmem>>, vector<16xf32>,
    %add3A_500 = arith.addf %add3A_495, %get3A_499 : vector<16xf32>
    %get3A_501 = arith.constant 13 : i32
    %get3A_502 = arith.index_cast %get3A_501 : i32 to index
    %get3A_503 = arith.constant 0 : index
    %get3A_504 = tpu.vector_load %arg12[%get3A_502, %get3A_503] {strides = array<i32>} : memref<16x64xf32, #tpu.memory_space<vmem>>, vector<16xf32>,
    %add3A_505 = arith.addf %add3A_500, %get3A_504 : vector<16xf32>
    %get3A_506 = arith.constant 14 : i32
    %get3A_507 = arith.index_cast %get3A_506 : i32 to index
    %get3A_508 = arith.constant 0 : index
    %get3A_509 = tpu.vector_load %arg12[%get3A_507, %get3A_508] {strides = array<i32>} : memref<16x64xf32, #tpu.memory_space<vmem>>, vector<16xf32>,
    %add3A_510 = arith.addf %add3A_505, %get3A_509 : vector<16xf32>
    %get3A_511 = arith.constant 15 : i32
    %get3A_512 = arith.index_cast %get3A_511 : i32 to index
    %get3A_513 = arith.constant 0 : index
    %get3A_514 = tpu.vector_load %arg12[%get3A_512, %get3A_513] {strides = array<i32>} : memref<16x64xf32, #tpu.memory_space<vmem>>, vector<16xf32>,
    %add3A_515 = arith.addf %add3A_510, %get3A_514 : vector<16xf32>
    %swap3A_516 = arith.constant 0 : index
    %swap3A_517 = tpu.vector_load %arg11[%swap3A_516] {strides = array<i32>} : memref<64xf32, #tpu.memory_space<vmem>>, vector<16xf32>,
    tpu.vector_store %arg11[%swap3A_516], %add3A_515 {strides = array<i32>} : memref<64xf32, #tpu.memory_space<vmem>>, vector<16xf32>,
    %broadcast_in_dim3A_518 = arith.constant 0.000000e+00 : f32
    %broadcast_in_dim3A_519 = vector.broadcast %broadcast_in_dim3A_518 : f32 to vector<16xf32>
    %get3A_520 = arith.constant 0 : i32
    %get3A_521 = arith.index_cast %get3A_520 : i32 to index
    %get3A_522 = arith.constant 16 : index
    %get3A_523 = tpu.vector_load %arg12[%get3A_521, %get3A_522] {strides = array<i32>} : memref<16x64xf32, #tpu.memory_space<vmem>>, vector<16xf32>,
    %add3A_524 = arith.addf %broadcast_in_dim3A_519, %get3A_523 : vector<16xf32>
    %get3A_525 = arith.constant 1 : i32
    %get3A_526 = arith.index_cast %get3A_525 : i32 to index
    %get3A_527 = arith.constant 16 : index
    %get3A_528 = tpu.vector_load %arg12[%get3A_526, %get3A_527] {strides = array<i32>} : memref<16x64xf32, #tpu.memory_space<vmem>>, vector<16xf32>,
    %add3A_529 = arith.addf %add3A_524, %get3A_528 : vector<16xf32>
    %get3A_530 = arith.constant 2 : i32
    %get3A_531 = arith.index_cast %get3A_530 : i32 to index
    %get3A_532 = arith.constant 16 : index
    %get3A_533 = tpu.vector_load %arg12[%get3A_531, %get3A_532] {strides = array<i32>} : memref<16x64xf32, #tpu.memory_space<vmem>>, vector<16xf32>,
    %add3A_534 = arith.addf %add3A_529, %get3A_533 : vector<16xf32>
    %get3A_535 = arith.constant 3 : i32
    %get3A_536 = arith.index_cast %get3A_535 : i32 to index
    %get3A_537 = arith.constant 16 : index
    %get3A_538 = tpu.vector_load %arg12[%get3A_536, %get3A_537] {strides = array<i32>} : memref<16x64xf32, #tpu.memory_space<vmem>>, vector<16xf32>,
    %add3A_539 = arith.addf %add3A_534, %get3A_538 : vector<16xf32>
    %get3A_540 = arith.constant 4 : i32
    %get3A_541 = arith.index_cast %get3A_540 : i32 to index
    %get3A_542 = arith.constant 16 : index
    %get3A_543 = tpu.vector_load %arg12[%get3A_541, %get3A_542] {strides = array<i32>} : memref<16x64xf32, #tpu.memory_space<vmem>>, vector<16xf32>,
    %add3A_544 = arith.addf %add3A_539, %get3A_543 : vector<16xf32>
    %get3A_545 = arith.constant 5 : i32
    %get3A_546 = arith.index_cast %get3A_545 : i32 to index
    %get3A_547 = arith.constant 16 : index
    %get3A_548 = tpu.vector_load %arg12[%get3A_546, %get3A_547] {strides = array<i32>} : memref<16x64xf32, #tpu.memory_space<vmem>>, vector<16xf32>,
    %add3A_549 = arith.addf %add3A_544, %get3A_548 : vector<16xf32>
    %get3A_550 = arith.constant 6 : i32
    %get3A_551 = arith.index_cast %get3A_550 : i32 to index
    %get3A_552 = arith.constant 16 : index
    %get3A_553 = tpu.vector_load %arg12[%get3A_551, %get3A_552] {strides = array<i32>} : memref<16x64xf32, #tpu.memory_space<vmem>>, vector<16xf32>,
    %add3A_554 = arith.addf %add3A_549, %get3A_553 : vector<16xf32>
    %get3A_555 = arith.constant 7 : i32
    %get3A_556 = arith.index_cast %get3A_555 : i32 to index
    %get3A_557 = arith.constant 16 : index
    %get3A_558 = tpu.vector_load %arg12[%get3A_556, %get3A_557] {strides = array<i32>} : memref<16x64xf32, #tpu.memory_space<vmem>>, vector<16xf32>,
    %add3A_559 = arith.addf %add3A_554, %get3A_558 : vector<16xf32>
    %get3A_560 = arith.constant 8 : i32
    %get3A_561 = arith.index_cast %get3A_560 : i32 to index
    %get3A_562 = arith.constant 16 : index
    %get3A_563 = tpu.vector_load %arg12[%get3A_561, %get3A_562] {strides = array<i32>} : memref<16x64xf32, #tpu.memory_space<vmem>>, vector<16xf32>,
    %add3A_564 = arith.addf %add3A_559, %get3A_563 : vector<16xf32>
    %get3A_565 = arith.constant 9 : i32
    %get3A_566 = arith.index_cast %get3A_565 : i32 to index
    %get3A_567 = arith.constant 16 : index
    %get3A_568 = tpu.vector_load %arg12[%get3A_566, %get3A_567] {strides = array<i32>} : memref<16x64xf32, #tpu.memory_space<vmem>>, vector<16xf32>,
    %add3A_569 = arith.addf %add3A_564, %get3A_568 : vector<16xf32>
    %get3A_570 = arith.constant 10 : i32
    %get3A_571 = arith.index_cast %get3A_570 : i32 to index
    %get3A_572 = arith.constant 16 : index
    %get3A_573 = tpu.vector_load %arg12[%get3A_571, %get3A_572] {strides = array<i32>} : memref<16x64xf32, #tpu.memory_space<vmem>>, vector<16xf32>,
    %add3A_574 = arith.addf %add3A_569, %get3A_573 : vector<16xf32>
    %get3A_575 = arith.constant 11 : i32
    %get3A_576 = arith.index_cast %get3A_575 : i32 to index
    %get3A_577 = arith.constant 16 : index
    %get3A_578 = tpu.vector_load %arg12[%get3A_576, %get3A_577] {strides = array<i32>} : memref<16x64xf32, #tpu.memory_space<vmem>>, vector<16xf32>,
    %add3A_579 = arith.addf %add3A_574, %get3A_578 : vector<16xf32>
    %get3A_580 = arith.constant 12 : i32
    %get3A_581 = arith.index_cast %get3A_580 : i32 to index
    %get3A_582 = arith.constant 16 : index
    %get3A_583 = tpu.vector_load %arg12[%get3A_581, %get3A_582] {strides = array<i32>} : memref<16x64xf32, #tpu.memory_space<vmem>>, vector<16xf32>,
    %add3A_584 = arith.addf %add3A_579, %get3A_583 : vector<16xf32>
    %get3A_585 = arith.constant 13 : i32
    %get3A_586 = arith.index_cast %get3A_585 : i32 to index
    %get3A_587 = arith.constant 16 : index
    %get3A_588 = tpu.vector_load %arg12[%get3A_586, %get3A_587] {strides = array<i32>} : memref<16x64xf32, #tpu.memory_space<vmem>>, vector<16xf32>,
    %add3A_589 = arith.addf %add3A_584, %get3A_588 : vector<16xf32>
    %get3A_590 = arith.constant 14 : i32
    %get3A_591 = arith.index_cast %get3A_590 : i32 to index
    %get3A_592 = arith.constant 16 : index
    %get3A_593 = tpu.vector_load %arg12[%get3A_591, %get3A_592] {strides = array<i32>} : memref<16x64xf32, #tpu.memory_space<vmem>>, vector<16xf32>,
    %add3A_594 = arith.addf %add3A_589, %get3A_593 : vector<16xf32>
    %get3A_595 = arith.constant 15 : i32
    %get3A_596 = arith.index_cast %get3A_595 : i32 to index
    %get3A_597 = arith.constant 16 : index
    %get3A_598 = tpu.vector_load %arg12[%get3A_596, %get3A_597] {strides = array<i32>} : memref<16x64xf32, #tpu.memory_space<vmem>>, vector<16xf32>,
    %add3A_599 = arith.addf %add3A_594, %get3A_598 : vector<16xf32>
    %swap3A_600 = arith.constant 16 : index
    %swap3A_601 = tpu.vector_load %arg11[%swap3A_600] {strides = array<i32>} : memref<64xf32, #tpu.memory_space<vmem>>, vector<16xf32>,
    tpu.vector_store %arg11[%swap3A_600], %add3A_599 {strides = array<i32>} : memref<64xf32, #tpu.memory_space<vmem>>, vector<16xf32>,
    %broadcast_in_dim3A_602 = arith.constant 0.000000e+00 : f32
    %broadcast_in_dim3A_603 = vector.broadcast %broadcast_in_dim3A_602 : f32 to vector<16xf32>
    %get3A_604 = arith.constant 0 : i32
    %get3A_605 = arith.index_cast %get3A_604 : i32 to index
    %get3A_606 = arith.constant 32 : index
    %get3A_607 = tpu.vector_load %arg12[%get3A_605, %get3A_606] {strides = array<i32>} : memref<16x64xf32, #tpu.memory_space<vmem>>, vector<16xf32>,
    %add3A_608 = arith.addf %broadcast_in_dim3A_603, %get3A_607 : vector<16xf32>
    %get3A_609 = arith.constant 1 : i32
    %get3A_610 = arith.index_cast %get3A_609 : i32 to index
    %get3A_611 = arith.constant 32 : index
    %get3A_612 = tpu.vector_load %arg12[%get3A_610, %get3A_611] {strides = array<i32>} : memref<16x64xf32, #tpu.memory_space<vmem>>, vector<16xf32>,
    %add3A_613 = arith.addf %add3A_608, %get3A_612 : vector<16xf32>
    %get3A_614 = arith.constant 2 : i32
    %get3A_615 = arith.index_cast %get3A_614 : i32 to index
    %get3A_616 = arith.constant 32 : index
    %get3A_617 = tpu.vector_load %arg12[%get3A_615, %get3A_616] {strides = array<i32>} : memref<16x64xf32, #tpu.memory_space<vmem>>, vector<16xf32>,
    %add3A_618 = arith.addf %add3A_613, %get3A_617 : vector<16xf32>
    %get3A_619 = arith.constant 3 : i32
    %get3A_620 = arith.index_cast %get3A_619 : i32 to index
    %get3A_621 = arith.constant 32 : index
    %get3A_622 = tpu.vector_load %arg12[%get3A_620, %get3A_621] {strides = array<i32>} : memref<16x64xf32, #tpu.memory_space<vmem>>, vector<16xf32>,
    %add3A_623 = arith.addf %add3A_618, %get3A_622 : vector<16xf32>
    %get3A_624 = arith.constant 4 : i32
    %get3A_625 = arith.index_cast %get3A_624 : i32 to index
    %get3A_626 = arith.constant 32 : index
    %get3A_627 = tpu.vector_load %arg12[%get3A_625, %get3A_626] {strides = array<i32>} : memref<16x64xf32, #tpu.memory_space<vmem>>, vector<16xf32>,
    %add3A_628 = arith.addf %add3A_623, %get3A_627 : vector<16xf32>
    %get3A_629 = arith.constant 5 : i32
    %get3A_630 = arith.index_cast %get3A_629 : i32 to index
    %get3A_631 = arith.constant 32 : index
    %get3A_632 = tpu.vector_load %arg12[%get3A_630, %get3A_631] {strides = array<i32>} : memref<16x64xf32, #tpu.memory_space<vmem>>, vector<16xf32>,
    %add3A_633 = arith.addf %add3A_628, %get3A_632 : vector<16xf32>
    %get3A_634 = arith.constant 6 : i32
    %get3A_635 = arith.index_cast %get3A_634 : i32 to index
    %get3A_636 = arith.constant 32 : index
    %get3A_637 = tpu.vector_load %arg12[%get3A_635, %get3A_636] {strides = array<i32>} : memref<16x64xf32, #tpu.memory_space<vmem>>, vector<16xf32>,
    %add3A_638 = arith.addf %add3A_633, %get3A_637 : vector<16xf32>
    %get3A_639 = arith.constant 7 : i32
    %get3A_640 = arith.index_cast %get3A_639 : i32 to index
    %get3A_641 = arith.constant 32 : index
    %get3A_642 = tpu.vector_load %arg12[%get3A_640, %get3A_641] {strides = array<i32>} : memref<16x64xf32, #tpu.memory_space<vmem>>, vector<16xf32>,
    %add3A_643 = arith.addf %add3A_638, %get3A_642 : vector<16xf32>
    %get3A_644 = arith.constant 8 : i32
    %get3A_645 = arith.index_cast %get3A_644 : i32 to index
    %get3A_646 = arith.constant 32 : index
    %get3A_647 = tpu.vector_load %arg12[%get3A_645, %get3A_646] {strides = array<i32>} : memref<16x64xf32, #tpu.memory_space<vmem>>, vector<16xf32>,
    %add3A_648 = arith.addf %add3A_643, %get3A_647 : vector<16xf32>
    %get3A_649 = arith.constant 9 : i32
    %get3A_650 = arith.index_cast %get3A_649 : i32 to index
    %get3A_651 = arith.constant 32 : index
    %get3A_652 = tpu.vector_load %arg12[%get3A_650, %get3A_651] {strides = array<i32>} : memref<16x64xf32, #tpu.memory_space<vmem>>, vector<16xf32>,
    %add3A_653 = arith.addf %add3A_648, %get3A_652 : vector<16xf32>
    %get3A_654 = arith.constant 10 : i32
    %get3A_655 = arith.index_cast %get3A_654 : i32 to index
    %get3A_656 = arith.constant 32 : index
    %get3A_657 = tpu.vector_load %arg12[%get3A_655, %get3A_656] {strides = array<i32>} : memref<16x64xf32, #tpu.memory_space<vmem>>, vector<16xf32>,
    %add3A_658 = arith.addf %add3A_653, %get3A_657 : vector<16xf32>
    %get3A_659 = arith.constant 11 : i32
    %get3A_660 = arith.index_cast %get3A_659 : i32 to index
    %get3A_661 = arith.constant 32 : index
    %get3A_662 = tpu.vector_load %arg12[%get3A_660, %get3A_661] {strides = array<i32>} : memref<16x64xf32, #tpu.memory_space<vmem>>, vector<16xf32>,
    %add3A_663 = arith.addf %add3A_658, %get3A_662 : vector<16xf32>
    %get3A_664 = arith.constant 12 : i32
    %get3A_665 = arith.index_cast %get3A_664 : i32 to index
    %get3A_666 = arith.constant 32 : index
    %get3A_667 = tpu.vector_load %arg12[%get3A_665, %get3A_666] {strides = array<i32>} : memref<16x64xf32, #tpu.memory_space<vmem>>, vector<16xf32>,
    %add3A_668 = arith.addf %add3A_663, %get3A_667 : vector<16xf32>
    %get3A_669 = arith.constant 13 : i32
    %get3A_670 = arith.index_cast %get3A_669 : i32 to index
    %get3A_671 = arith.constant 32 : index
    %get3A_672 = tpu.vector_load %arg12[%get3A_670, %get3A_671] {strides = array<i32>} : memref<16x64xf32, #tpu.memory_space<vmem>>, vector<16xf32>,
    %add3A_673 = arith.addf %add3A_668, %get3A_672 : vector<16xf32>
    %get3A_674 = arith.constant 14 : i32
    %get3A_675 = arith.index_cast %get3A_674 : i32 to index
    %get3A_676 = arith.constant 32 : index
    %get3A_677 = tpu.vector_load %arg12[%get3A_675, %get3A_676] {strides = array<i32>} : memref<16x64xf32, #tpu.memory_space<vmem>>, vector<16xf32>,
    %add3A_678 = arith.addf %add3A_673, %get3A_677 : vector<16xf32>
    %get3A_679 = arith.constant 15 : i32
    %get3A_680 = arith.index_cast %get3A_679 : i32 to index
    %get3A_681 = arith.constant 32 : index
    %get3A_682 = tpu.vector_load %arg12[%get3A_680, %get3A_681] {strides = array<i32>} : memref<16x64xf32, #tpu.memory_space<vmem>>, vector<16xf32>,
    %add3A_683 = arith.addf %add3A_678, %get3A_682 : vector<16xf32>
    %swap3A_684 = arith.constant 32 : index
    %swap3A_685 = tpu.vector_load %arg11[%swap3A_684] {strides = array<i32>} : memref<64xf32, #tpu.memory_space<vmem>>, vector<16xf32>,
    tpu.vector_store %arg11[%swap3A_684], %add3A_683 {strides = array<i32>} : memref<64xf32, #tpu.memory_space<vmem>>, vector<16xf32>,
    %broadcast_in_dim3A_686 = arith.constant 0.000000e+00 : f32
    %broadcast_in_dim3A_687 = vector.broadcast %broadcast_in_dim3A_686 : f32 to vector<16xf32>
    %get3A_688 = arith.constant 0 : i32
    %get3A_689 = arith.index_cast %get3A_688 : i32 to index
    %get3A_690 = arith.constant 48 : index
    %get3A_691 = tpu.vector_load %arg12[%get3A_689, %get3A_690] {strides = array<i32>} : memref<16x64xf32, #tpu.memory_space<vmem>>, vector<16xf32>,
    %add3A_692 = arith.addf %broadcast_in_dim3A_687, %get3A_691 : vector<16xf32>
    %get3A_693 = arith.constant 1 : i32
    %get3A_694 = arith.index_cast %get3A_693 : i32 to index
    %get3A_695 = arith.constant 48 : index
    %get3A_696 = tpu.vector_load %arg12[%get3A_694, %get3A_695] {strides = array<i32>} : memref<16x64xf32, #tpu.memory_space<vmem>>, vector<16xf32>,
    %add3A_697 = arith.addf %add3A_692, %get3A_696 : vector<16xf32>
    %get3A_698 = arith.constant 2 : i32
    %get3A_699 = arith.index_cast %get3A_698 : i32 to index
    %get3A_700 = arith.constant 48 : index
    %get3A_701 = tpu.vector_load %arg12[%get3A_699, %get3A_700] {strides = array<i32>} : memref<16x64xf32, #tpu.memory_space<vmem>>, vector<16xf32>,
    %add3A_702 = arith.addf %add3A_697, %get3A_701 : vector<16xf32>
    %get3A_703 = arith.constant 3 : i32
    %get3A_704 = arith.index_cast %get3A_703 : i32 to index
    %get3A_705 = arith.constant 48 : index
    %get3A_706 = tpu.vector_load %arg12[%get3A_704, %get3A_705] {strides = array<i32>} : memref<16x64xf32, #tpu.memory_space<vmem>>, vector<16xf32>,
    %add3A_707 = arith.addf %add3A_702, %get3A_706 : vector<16xf32>
    %get3A_708 = arith.constant 4 : i32
    %get3A_709 = arith.index_cast %get3A_708 : i32 to index
    %get3A_710 = arith.constant 48 : index
    %get3A_711 = tpu.vector_load %arg12[%get3A_709, %get3A_710] {strides = array<i32>} : memref<16x64xf32, #tpu.memory_space<vmem>>, vector<16xf32>,
    %add3A_712 = arith.addf %add3A_707, %get3A_711 : vector<16xf32>
    %get3A_713 = arith.constant 5 : i32
    %get3A_714 = arith.index_cast %get3A_713 : i32 to index
    %get3A_715 = arith.constant 48 : index
    %get3A_716 = tpu.vector_load %arg12[%get3A_714, %get3A_715] {strides = array<i32>} : memref<16x64xf32, #tpu.memory_space<vmem>>, vector<16xf32>,
    %add3A_717 = arith.addf %add3A_712, %get3A_716 : vector<16xf32>
    %get3A_718 = arith.constant 6 : i32
    %get3A_719 = arith.index_cast %get3A_718 : i32 to index
    %get3A_720 = arith.constant 48 : index
    %get3A_721 = tpu.vector_load %arg12[%get3A_719, %get3A_720] {strides = array<i32>} : memref<16x64xf32, #tpu.memory_space<vmem>>, vector<16xf32>,
    %add3A_722 = arith.addf %add3A_717, %get3A_721 : vector<16xf32>
    %get3A_723 = arith.constant 7 : i32
    %get3A_724 = arith.index_cast %get3A_723 : i32 to index
    %get3A_725 = arith.constant 48 : index
    %get3A_726 = tpu.vector_load %arg12[%get3A_724, %get3A_725] {strides = array<i32>} : memref<16x64xf32, #tpu.memory_space<vmem>>, vector<16xf32>,
    %add3A_727 = arith.addf %add3A_722, %get3A_726 : vector<16xf32>
    %get3A_728 = arith.constant 8 : i32
    %get3A_729 = arith.index_cast %get3A_728 : i32 to index
    %get3A_730 = arith.constant 48 : index
    %get3A_731 = tpu.vector_load %arg12[%get3A_729, %get3A_730] {strides = array<i32>} : memref<16x64xf32, #tpu.memory_space<vmem>>, vector<16xf32>,
    %add3A_732 = arith.addf %add3A_727, %get3A_731 : vector<16xf32>
    %get3A_733 = arith.constant 9 : i32
    %get3A_734 = arith.index_cast %get3A_733 : i32 to index
    %get3A_735 = arith.constant 48 : index
    %get3A_736 = tpu.vector_load %arg12[%get3A_734, %get3A_735] {strides = array<i32>} : memref<16x64xf32, #tpu.memory_space<vmem>>, vector<16xf32>,
    %add3A_737 = arith.addf %add3A_732, %get3A_736 : vector<16xf32>
    %get3A_738 = arith.constant 10 : i32
    %get3A_739 = arith.index_cast %get3A_738 : i32 to index
    %get3A_740 = arith.constant 48 : index
    %get3A_741 = tpu.vector_load %arg12[%get3A_739, %get3A_740] {strides = array<i32>} : memref<16x64xf32, #tpu.memory_space<vmem>>, vector<16xf32>,
    %add3A_742 = arith.addf %add3A_737, %get3A_741 : vector<16xf32>
    %get3A_743 = arith.constant 11 : i32
    %get3A_744 = arith.index_cast %get3A_743 : i32 to index
    %get3A_745 = arith.constant 48 : index
    %get3A_746 = tpu.vector_load %arg12[%get3A_744, %get3A_745] {strides = array<i32>} : memref<16x64xf32, #tpu.memory_space<vmem>>, vector<16xf32>,
    %add3A_747 = arith.addf %add3A_742, %get3A_746 : vector<16xf32>
    %get3A_748 = arith.constant 12 : i32
    %get3A_749 = arith.index_cast %get3A_748 : i32 to index
    %get3A_750 = arith.constant 48 : index
    %get3A_751 = tpu.vector_load %arg12[%get3A_749, %get3A_750] {strides = array<i32>} : memref<16x64xf32, #tpu.memory_space<vmem>>, vector<16xf32>,
    %add3A_752 = arith.addf %add3A_747, %get3A_751 : vector<16xf32>
    %get3A_753 = arith.constant 13 : i32
    %get3A_754 = arith.index_cast %get3A_753 : i32 to index
    %get3A_755 = arith.constant 48 : index
    %get3A_756 = tpu.vector_load %arg12[%get3A_754, %get3A_755] {strides = array<i32>} : memref<16x64xf32, #tpu.memory_space<vmem>>, vector<16xf32>,
    %add3A_757 = arith.addf %add3A_752, %get3A_756 : vector<16xf32>
    %get3A_758 = arith.constant 14 : i32
    %get3A_759 = arith.index_cast %get3A_758 : i32 to index
    %get3A_760 = arith.constant 48 : index
    %get3A_761 = tpu.vector_load %arg12[%get3A_759, %get3A_760] {strides = array<i32>} : memref<16x64xf32, #tpu.memory_space<vmem>>, vector<16xf32>,
    %add3A_762 = arith.addf %add3A_757, %get3A_761 : vector<16xf32>
    %get3A_763 = arith.constant 15 : i32
    %get3A_764 = arith.index_cast %get3A_763 : i32 to index
    %get3A_765 = arith.constant 48 : index
    %get3A_766 = tpu.vector_load %arg12[%get3A_764, %get3A_765] {strides = array<i32>} : memref<16x64xf32, #tpu.memory_space<vmem>>, vector<16xf32>,
    %add3A_767 = arith.addf %add3A_762, %get3A_766 : vector<16xf32>
    %swap3A_768 = arith.constant 48 : index
    %swap3A_769 = tpu.vector_load %arg11[%swap3A_768] {strides = array<i32>} : memref<64xf32, #tpu.memory_space<vmem>>, vector<16xf32>,
    tpu.vector_store %arg11[%swap3A_768], %add3A_767 {strides = array<i32>} : memref<64xf32, #tpu.memory_space<vmem>>, vector<16xf32>,
    "tpu.region"() ({
      %run_scoped3A_936 = tpu.sem_alloc : memref<!tpu.dma_semaphore, #tpu.memory_space<semaphore_mem>>
      %dma_start3A_937 = arith.constant 0 : i32
      %dma_start3A_938 = tpu.memref_slice %arg5[%add3A, %dma_start3A_937] : memref<32x64xf32, #tpu.memory_space<hbm>> -> memref<1x64xf32, #tpu.memory_space<hbm>>
      %dma_start3A_939 = tpu.memref_squeeze %dma_start3A_938 : memref<1x64xf32, #tpu.memory_space<hbm>> -> memref<64xf32, #tpu.memory_space<hbm>>
      %dma_start3A_940 = arith.constant 0 : i32
      %dma_start3A_941 = tpu.memref_slice %arg5[%add3A, %dma_start3A_940] : memref<32x64xf32, #tpu.memory_space<hbm>> -> memref<1x64xf32, #tpu.memory_space<hbm>>
      %dma_start3A_942 = tpu.memref_squeeze %dma_start3A_941 : memref<1x64xf32, #tpu.memory_space<hbm>> -> memref<64xf32, #tpu.memory_space<hbm>>
      tpu.enqueue_dma source(%arg11 : memref<64xf32, #tpu.memory_space<vmem>>) target(%dma_start3A_942 : memref<64xf32, #tpu.memory_space<hbm>>) target_semaphore(%run_scoped3A_936 : memref<!tpu.dma_semaphore, #tpu.memory_space<semaphore_mem>>)
      %dma_wait3A_943 = arith.constant 0 : i32
      %dma_wait3A_944 = tpu.memref_slice %arg5[%add3A, %dma_wait3A_943] : memref<32x64xf32, #tpu.memory_space<hbm>> -> memref<1x64xf32, #tpu.memory_space<hbm>>
      %dma_wait3A_945 = tpu.memref_squeeze %dma_wait3A_944 : memref<1x64xf32, #tpu.memory_space<hbm>> -> memref<64xf32, #tpu.memory_space<hbm>>
      %dma_wait3A_946 = arith.constant 0 : i32
      %dma_wait3A_947 = tpu.memref_slice %arg5[%add3A, %dma_wait3A_946] : memref<32x64xf32, #tpu.memory_space<hbm>> -> memref<1x64xf32, #tpu.memory_space<hbm>>
      %dma_wait3A_948 = tpu.memref_squeeze %dma_wait3A_947 : memref<1x64xf32, #tpu.memory_space<hbm>> -> memref<64xf32, #tpu.memory_space<hbm>>
      tpu.wait_dma2 semaphore(%run_scoped3A_936 : memref<!tpu.dma_semaphore, #tpu.memory_space<semaphore_mem>>) src(%arg11 : memref<64xf32, #tpu.memory_space<vmem>>) dst(%dma_wait3A_948 : memref<64xf32, #tpu.memory_space<hbm>>)
      tpu.yield
    }) : () -> ()
    %barrier3A = arith.constant 0 : index
    tpu.barrier barrier_id(%barrier3A)
    %dma_wait3A = arith.constant 0 : i32
    %dma_wait3A_770 = arith.constant 0 : i32
    %dma_wait3A_771 = tpu.memref_slice %arg2[%add3A_4, %dma_wait3A, %dma_wait3A_770] : memref<800x125x128xf32, #tpu.memory_space<hbm>> -> memref<1x125x128xf32, #tpu.memory_space<hbm>>
    %dma_wait3A_772 = tpu.memref_squeeze %dma_wait3A_771 : memref<1x125x128xf32, #tpu.memory_space<hbm>> -> memref<125x128xf32, #tpu.memory_space<hbm>>
    %dma_wait3A_773 = arith.constant 0 : i32
    %dma_wait3A_774 = arith.constant 0 : i32
    %dma_wait3A_775 = tpu.memref_slice %arg2[%add3A_4, %dma_wait3A_773, %dma_wait3A_774] : memref<800x125x128xf32, #tpu.memory_space<hbm>> -> memref<1x125x128xf32, #tpu.memory_space<hbm>>
    %dma_wait3A_776 = tpu.memref_squeeze %dma_wait3A_775 : memref<1x125x128xf32, #tpu.memory_space<hbm>> -> memref<125x128xf32, #tpu.memory_space<hbm>>
    tpu.wait_dma2 semaphore(%arg15 : memref<!tpu.dma_semaphore, #tpu.memory_space<semaphore_mem>>) src(%dma_wait3A_776 : memref<125x128xf32, #tpu.memory_space<hbm>>) dst(%arg7 : memref<125x128xf32, #tpu.memory_space<vmem>>)
    %run_scoped3A = arith.constant 0 : i32
    "tpu.region"() ({
      %run_scoped3A_936 = tpu.sem_alloc : memref<!tpu.dma_semaphore, #tpu.memory_space<semaphore_mem>>
      %dma_start3A_937 = arith.constant 0 : i32
      %dma_start3A_938 = tpu.memref_slice %arg6[%run_scoped3A, %dma_start3A_937] : memref<10x125xi32, #tpu.memory_space<vmem>> -> memref<1x125xi32, #tpu.memory_space<vmem>>
      %dma_start3A_939 = tpu.memref_squeeze %dma_start3A_938 : memref<1x125xi32, #tpu.memory_space<vmem>> -> memref<125xi32, #tpu.memory_space<vmem>>
      %dma_start3A_940 = arith.constant 0 : i32
      %dma_start3A_941 = arith.constant 0 : i32
      %dma_start3A_942 = tpu.memref_slice %arg14[%dma_start3A_940, %dma_start3A_941] : memref<64x128xf32, #tpu.memory_space<vmem_shared>> -> memref<64x128xf32, #tpu.memory_space<vmem_shared>>
      tpu.enqueue_indirect_dma source(%arg7 : memref<125x128xf32, #tpu.memory_space<vmem>>) target(%dma_start3A_942 : memref<64x128xf32, #tpu.memory_space<vmem_shared>>) offsets(%dma_start3A_939 : memref<125xi32, #tpu.memory_space<vmem>>) semaphore(%run_scoped3A_936 : memref<!tpu.dma_semaphore, #tpu.memory_space<semaphore_mem>>) {add = true}
      %dma_wait3A_943 = arith.constant 0 : i32
      %dma_wait3A_944 = tpu.memref_slice %arg6[%run_scoped3A, %dma_wait3A_943] : memref<10x125xi32, #tpu.memory_space<vmem>> -> memref<1x125xi32, #tpu.memory_space<vmem>>
      %dma_wait3A_945 = tpu.memref_squeeze %dma_wait3A_944 : memref<1x125xi32, #tpu.memory_space<vmem>> -> memref<125xi32, #tpu.memory_space<vmem>>
      %dma_wait3A_946 = arith.constant 0 : i32
      %dma_wait3A_947 = arith.constant 0 : i32
      %dma_wait3A_948 = tpu.memref_slice %arg14[%dma_wait3A_946, %dma_wait3A_947] : memref<64x128xf32, #tpu.memory_space<vmem_shared>> -> memref<64x128xf32, #tpu.memory_space<vmem_shared>>
      tpu.wait_indirect_dma semaphore(%run_scoped3A_936 : memref<!tpu.dma_semaphore, #tpu.memory_space<semaphore_mem>>) src(%arg7 : memref<125x128xf32, #tpu.memory_space<vmem>>) dst(%dma_wait3A_948 : memref<64x128xf32, #tpu.memory_space<vmem_shared>>)
      tpu.yield
    }) : () -> ()
    %add3A_777 = arith.constant 0 : i32
    %add3A_778 = arith.addi %mul3A_2, %add3A_777 : i32
    %add3A_779 = arith.constant 4 : i32
    %add3A_780 = arith.addi %add3A_778, %add3A_779 : i32
    %dma_start3A_781 = arith.constant 0 : i32
    %dma_start3A_782 = arith.constant 0 : i32
    %dma_start3A_783 = tpu.memref_slice %arg2[%add3A_780, %dma_start3A_781, %dma_start3A_782] : memref<800x125x128xf32, #tpu.memory_space<hbm>> -> memref<1x125x128xf32, #tpu.memory_space<hbm>>
    %dma_start3A_784 = tpu.memref_squeeze %dma_start3A_783 : memref<1x125x128xf32, #tpu.memory_space<hbm>> -> memref<125x128xf32, #tpu.memory_space<hbm>>
    %dma_start3A_785 = arith.constant 0 : i32
    %dma_start3A_786 = arith.constant 0 : i32
    %dma_start3A_787 = tpu.memref_slice %arg2[%add3A_780, %dma_start3A_785, %dma_start3A_786] : memref<800x125x128xf32, #tpu.memory_space<hbm>> -> memref<1x125x128xf32, #tpu.memory_space<hbm>>
    %dma_start3A_788 = tpu.memref_squeeze %dma_start3A_787 : memref<1x125x128xf32, #tpu.memory_space<hbm>> -> memref<125x128xf32, #tpu.memory_space<hbm>>
    tpu.enqueue_dma source(%dma_start3A_788 : memref<125x128xf32, #tpu.memory_space<hbm>>) target(%arg7 : memref<125x128xf32, #tpu.memory_space<vmem>>) target_semaphore(%arg15 : memref<!tpu.dma_semaphore, #tpu.memory_space<semaphore_mem>>)
    %dma_wait3A_789 = arith.constant 0 : i32
    %dma_wait3A_790 = arith.constant 0 : i32
    %dma_wait3A_791 = tpu.memref_slice %arg2[%add3A_13, %dma_wait3A_789, %dma_wait3A_790] : memref<800x125x128xf32, #tpu.memory_space<hbm>> -> memref<1x125x128xf32, #tpu.memory_space<hbm>>
    %dma_wait3A_792 = tpu.memref_squeeze %dma_wait3A_791 : memref<1x125x128xf32, #tpu.memory_space<hbm>> -> memref<125x128xf32, #tpu.memory_space<hbm>>
    %dma_wait3A_793 = arith.constant 0 : i32
    %dma_wait3A_794 = arith.constant 0 : i32
    %dma_wait3A_795 = tpu.memref_slice %arg2[%add3A_13, %dma_wait3A_793, %dma_wait3A_794] : memref<800x125x128xf32, #tpu.memory_space<hbm>> -> memref<1x125x128xf32, #tpu.memory_space<hbm>>
    %dma_wait3A_796 = tpu.memref_squeeze %dma_wait3A_795 : memref<1x125x128xf32, #tpu.memory_space<hbm>> -> memref<125x128xf32, #tpu.memory_space<hbm>>
    tpu.wait_dma2 semaphore(%arg16 : memref<!tpu.dma_semaphore, #tpu.memory_space<semaphore_mem>>) src(%dma_wait3A_796 : memref<125x128xf32, #tpu.memory_space<hbm>>) dst(%arg8 : memref<125x128xf32, #tpu.memory_space<vmem>>)
    %run_scoped3A_797 = arith.constant 1 : i32
    "tpu.region"() ({
      %run_scoped3A_936 = tpu.sem_alloc : memref<!tpu.dma_semaphore, #tpu.memory_space<semaphore_mem>>
      %dma_start3A_937 = arith.constant 0 : i32
      %dma_start3A_938 = tpu.memref_slice %arg6[%run_scoped3A_797, %dma_start3A_937] : memref<10x125xi32, #tpu.memory_space<vmem>> -> memref<1x125xi32, #tpu.memory_space<vmem>>
      %dma_start3A_939 = tpu.memref_squeeze %dma_start3A_938 : memref<1x125xi32, #tpu.memory_space<vmem>> -> memref<125xi32, #tpu.memory_space<vmem>>
      %dma_start3A_940 = arith.constant 0 : i32
      %dma_start3A_941 = arith.constant 0 : i32
      %dma_start3A_942 = tpu.memref_slice %arg14[%dma_start3A_940, %dma_start3A_941] : memref<64x128xf32, #tpu.memory_space<vmem_shared>> -> memref<64x128xf32, #tpu.memory_space<vmem_shared>>
      tpu.enqueue_indirect_dma source(%arg8 : memref<125x128xf32, #tpu.memory_space<vmem>>) target(%dma_start3A_942 : memref<64x128xf32, #tpu.memory_space<vmem_shared>>) offsets(%dma_start3A_939 : memref<125xi32, #tpu.memory_space<vmem>>) semaphore(%run_scoped3A_936 : memref<!tpu.dma_semaphore, #tpu.memory_space<semaphore_mem>>) {add = true}
      %dma_wait3A_943 = arith.constant 0 : i32
      %dma_wait3A_944 = tpu.memref_slice %arg6[%run_scoped3A_797, %dma_wait3A_943] : memref<10x125xi32, #tpu.memory_space<vmem>> -> memref<1x125xi32, #tpu.memory_space<vmem>>
      %dma_wait3A_945 = tpu.memref_squeeze %dma_wait3A_944 : memref<1x125xi32, #tpu.memory_space<vmem>> -> memref<125xi32, #tpu.memory_space<vmem>>
      %dma_wait3A_946 = arith.constant 0 : i32
      %dma_wait3A_947 = arith.constant 0 : i32
      %dma_wait3A_948 = tpu.memref_slice %arg14[%dma_wait3A_946, %dma_wait3A_947] : memref<64x128xf32, #tpu.memory_space<vmem_shared>> -> memref<64x128xf32, #tpu.memory_space<vmem_shared>>
      tpu.wait_indirect_dma semaphore(%run_scoped3A_936 : memref<!tpu.dma_semaphore, #tpu.memory_space<semaphore_mem>>) src(%arg8 : memref<125x128xf32, #tpu.memory_space<vmem>>) dst(%dma_wait3A_948 : memref<64x128xf32, #tpu.memory_space<vmem_shared>>)
      tpu.yield
    }) : () -> ()
    %add3A_798 = arith.constant 1 : i32
    %add3A_799 = arith.addi %mul3A_2, %add3A_798 : i32
    %add3A_800 = arith.constant 4 : i32
    %add3A_801 = arith.addi %add3A_799, %add3A_800 : i32
    %dma_start3A_802 = arith.constant 0 : i32
    %dma_start3A_803 = arith.constant 0 : i32
    %dma_start3A_804 = tpu.memref_slice %arg2[%add3A_801, %dma_start3A_802, %dma_start3A_803] : memref<800x125x128xf32, #tpu.memory_space<hbm>> -> memref<1x125x128xf32, #tpu.memory_space<hbm>>
    %dma_start3A_805 = tpu.memref_squeeze %dma_start3A_804 : memref<1x125x128xf32, #tpu.memory_space<hbm>> -> memref<125x128xf32, #tpu.memory_space<hbm>>
    %dma_start3A_806 = arith.constant 0 : i32
    %dma_start3A_807 = arith.constant 0 : i32
    %dma_start3A_808 = tpu.memref_slice %arg2[%add3A_801, %dma_start3A_806, %dma_start3A_807] : memref<800x125x128xf32, #tpu.memory_space<hbm>> -> memref<1x125x128xf32, #tpu.memory_space<hbm>>
    %dma_start3A_809 = tpu.memref_squeeze %dma_start3A_808 : memref<1x125x128xf32, #tpu.memory_space<hbm>> -> memref<125x128xf32, #tpu.memory_space<hbm>>
    tpu.enqueue_dma source(%dma_start3A_809 : memref<125x128xf32, #tpu.memory_space<hbm>>) target(%arg8 : memref<125x128xf32, #tpu.memory_space<vmem>>) target_semaphore(%arg16 : memref<!tpu.dma_semaphore, #tpu.memory_space<semaphore_mem>>)
    %dma_wait3A_810 = arith.constant 0 : i32
    %dma_wait3A_811 = arith.constant 0 : i32
    %dma_wait3A_812 = tpu.memref_slice %arg2[%add3A_23, %dma_wait3A_810, %dma_wait3A_811] : memref<800x125x128xf32, #tpu.memory_space<hbm>> -> memref<1x125x128xf32, #tpu.memory_space<hbm>>
    %dma_wait3A_813 = tpu.memref_squeeze %dma_wait3A_812 : memref<1x125x128xf32, #tpu.memory_space<hbm>> -> memref<125x128xf32, #tpu.memory_space<hbm>>
    %dma_wait3A_814 = arith.constant 0 : i32
    %dma_wait3A_815 = arith.constant 0 : i32
    %dma_wait3A_816 = tpu.memref_slice %arg2[%add3A_23, %dma_wait3A_814, %dma_wait3A_815] : memref<800x125x128xf32, #tpu.memory_space<hbm>> -> memref<1x125x128xf32, #tpu.memory_space<hbm>>
    %dma_wait3A_817 = tpu.memref_squeeze %dma_wait3A_816 : memref<1x125x128xf32, #tpu.memory_space<hbm>> -> memref<125x128xf32, #tpu.memory_space<hbm>>
    tpu.wait_dma2 semaphore(%arg17 : memref<!tpu.dma_semaphore, #tpu.memory_space<semaphore_mem>>) src(%dma_wait3A_817 : memref<125x128xf32, #tpu.memory_space<hbm>>) dst(%arg9 : memref<125x128xf32, #tpu.memory_space<vmem>>)
    %run_scoped3A_818 = arith.constant 2 : i32
    "tpu.region"() ({
      %run_scoped3A_936 = tpu.sem_alloc : memref<!tpu.dma_semaphore, #tpu.memory_space<semaphore_mem>>
      %dma_start3A_937 = arith.constant 0 : i32
      %dma_start3A_938 = tpu.memref_slice %arg6[%run_scoped3A_818, %dma_start3A_937] : memref<10x125xi32, #tpu.memory_space<vmem>> -> memref<1x125xi32, #tpu.memory_space<vmem>>
      %dma_start3A_939 = tpu.memref_squeeze %dma_start3A_938 : memref<1x125xi32, #tpu.memory_space<vmem>> -> memref<125xi32, #tpu.memory_space<vmem>>
      %dma_start3A_940 = arith.constant 0 : i32
      %dma_start3A_941 = arith.constant 0 : i32
      %dma_start3A_942 = tpu.memref_slice %arg14[%dma_start3A_940, %dma_start3A_941] : memref<64x128xf32, #tpu.memory_space<vmem_shared>> -> memref<64x128xf32, #tpu.memory_space<vmem_shared>>
      tpu.enqueue_indirect_dma source(%arg9 : memref<125x128xf32, #tpu.memory_space<vmem>>) target(%dma_start3A_942 : memref<64x128xf32, #tpu.memory_space<vmem_shared>>) offsets(%dma_start3A_939 : memref<125xi32, #tpu.memory_space<vmem>>) semaphore(%run_scoped3A_936 : memref<!tpu.dma_semaphore, #tpu.memory_space<semaphore_mem>>) {add = true}
      %dma_wait3A_943 = arith.constant 0 : i32
      %dma_wait3A_944 = tpu.memref_slice %arg6[%run_scoped3A_818, %dma_wait3A_943] : memref<10x125xi32, #tpu.memory_space<vmem>> -> memref<1x125xi32, #tpu.memory_space<vmem>>
      %dma_wait3A_945 = tpu.memref_squeeze %dma_wait3A_944 : memref<1x125xi32, #tpu.memory_space<vmem>> -> memref<125xi32, #tpu.memory_space<vmem>>
      %dma_wait3A_946 = arith.constant 0 : i32
      %dma_wait3A_947 = arith.constant 0 : i32
      %dma_wait3A_948 = tpu.memref_slice %arg14[%dma_wait3A_946, %dma_wait3A_947] : memref<64x128xf32, #tpu.memory_space<vmem_shared>> -> memref<64x128xf32, #tpu.memory_space<vmem_shared>>
      tpu.wait_indirect_dma semaphore(%run_scoped3A_936 : memref<!tpu.dma_semaphore, #tpu.memory_space<semaphore_mem>>) src(%arg9 : memref<125x128xf32, #tpu.memory_space<vmem>>) dst(%dma_wait3A_948 : memref<64x128xf32, #tpu.memory_space<vmem_shared>>)
      tpu.yield
    }) : () -> ()
    %add3A_819 = arith.constant 2 : i32
    %add3A_820 = arith.addi %mul3A_2, %add3A_819 : i32
    %add3A_821 = arith.constant 4 : i32
    %add3A_822 = arith.addi %add3A_820, %add3A_821 : i32
    %dma_start3A_823 = arith.constant 0 : i32
    %dma_start3A_824 = arith.constant 0 : i32
    %dma_start3A_825 = tpu.memref_slice %arg2[%add3A_822, %dma_start3A_823, %dma_start3A_824] : memref<800x125x128xf32, #tpu.memory_space<hbm>> -> memref<1x125x128xf32, #tpu.memory_space<hbm>>
    %dma_start3A_826 = tpu.memref_squeeze %dma_start3A_825 : memref<1x125x128xf32, #tpu.memory_space<hbm>> -> memref<125x128xf32, #tpu.memory_space<hbm>>
    %dma_start3A_827 = arith.constant 0 : i32
    %dma_start3A_828 = arith.constant 0 : i32
    %dma_start3A_829 = tpu.memref_slice %arg2[%add3A_822, %dma_start3A_827, %dma_start3A_828] : memref<800x125x128xf32, #tpu.memory_space<hbm>> -> memref<1x125x128xf32, #tpu.memory_space<hbm>>
    %dma_start3A_830 = tpu.memref_squeeze %dma_start3A_829 : memref<1x125x128xf32, #tpu.memory_space<hbm>> -> memref<125x128xf32, #tpu.memory_space<hbm>>
    tpu.enqueue_dma source(%dma_start3A_830 : memref<125x128xf32, #tpu.memory_space<hbm>>) target(%arg9 : memref<125x128xf32, #tpu.memory_space<vmem>>) target_semaphore(%arg17 : memref<!tpu.dma_semaphore, #tpu.memory_space<semaphore_mem>>)
    %dma_wait3A_831 = arith.constant 0 : i32
    %dma_wait3A_832 = arith.constant 0 : i32
    %dma_wait3A_833 = tpu.memref_slice %arg2[%add3A_33, %dma_wait3A_831, %dma_wait3A_832] : memref<800x125x128xf32, #tpu.memory_space<hbm>> -> memref<1x125x128xf32, #tpu.memory_space<hbm>>
    %dma_wait3A_834 = tpu.memref_squeeze %dma_wait3A_833 : memref<1x125x128xf32, #tpu.memory_space<hbm>> -> memref<125x128xf32, #tpu.memory_space<hbm>>
    %dma_wait3A_835 = arith.constant 0 : i32
    %dma_wait3A_836 = arith.constant 0 : i32
    %dma_wait3A_837 = tpu.memref_slice %arg2[%add3A_33, %dma_wait3A_835, %dma_wait3A_836] : memref<800x125x128xf32, #tpu.memory_space<hbm>> -> memref<1x125x128xf32, #tpu.memory_space<hbm>>
    %dma_wait3A_838 = tpu.memref_squeeze %dma_wait3A_837 : memref<1x125x128xf32, #tpu.memory_space<hbm>> -> memref<125x128xf32, #tpu.memory_space<hbm>>
    tpu.wait_dma2 semaphore(%arg18 : memref<!tpu.dma_semaphore, #tpu.memory_space<semaphore_mem>>) src(%dma_wait3A_838 : memref<125x128xf32, #tpu.memory_space<hbm>>) dst(%arg10 : memref<125x128xf32, #tpu.memory_space<vmem>>)
    %run_scoped3A_839 = arith.constant 3 : i32
    "tpu.region"() ({
      %run_scoped3A_936 = tpu.sem_alloc : memref<!tpu.dma_semaphore, #tpu.memory_space<semaphore_mem>>
      %dma_start3A_937 = arith.constant 0 : i32
      %dma_start3A_938 = tpu.memref_slice %arg6[%run_scoped3A_839, %dma_start3A_937] : memref<10x125xi32, #tpu.memory_space<vmem>> -> memref<1x125xi32, #tpu.memory_space<vmem>>
      %dma_start3A_939 = tpu.memref_squeeze %dma_start3A_938 : memref<1x125xi32, #tpu.memory_space<vmem>> -> memref<125xi32, #tpu.memory_space<vmem>>
      %dma_start3A_940 = arith.constant 0 : i32
      %dma_start3A_941 = arith.constant 0 : i32
      %dma_start3A_942 = tpu.memref_slice %arg14[%dma_start3A_940, %dma_start3A_941] : memref<64x128xf32, #tpu.memory_space<vmem_shared>> -> memref<64x128xf32, #tpu.memory_space<vmem_shared>>
      tpu.enqueue_indirect_dma source(%arg10 : memref<125x128xf32, #tpu.memory_space<vmem>>) target(%dma_start3A_942 : memref<64x128xf32, #tpu.memory_space<vmem_shared>>) offsets(%dma_start3A_939 : memref<125xi32, #tpu.memory_space<vmem>>) semaphore(%run_scoped3A_936 : memref<!tpu.dma_semaphore, #tpu.memory_space<semaphore_mem>>) {add = true}
      %dma_wait3A_943 = arith.constant 0 : i32
      %dma_wait3A_944 = tpu.memref_slice %arg6[%run_scoped3A_839, %dma_wait3A_943] : memref<10x125xi32, #tpu.memory_space<vmem>> -> memref<1x125xi32, #tpu.memory_space<vmem>>
      %dma_wait3A_945 = tpu.memref_squeeze %dma_wait3A_944 : memref<1x125xi32, #tpu.memory_space<vmem>> -> memref<125xi32, #tpu.memory_space<vmem>>
      %dma_wait3A_946 = arith.constant 0 : i32
      %dma_wait3A_947 = arith.constant 0 : i32
      %dma_wait3A_948 = tpu.memref_slice %arg14[%dma_wait3A_946, %dma_wait3A_947] : memref<64x128xf32, #tpu.memory_space<vmem_shared>> -> memref<64x128xf32, #tpu.memory_space<vmem_shared>>
      tpu.wait_indirect_dma semaphore(%run_scoped3A_936 : memref<!tpu.dma_semaphore, #tpu.memory_space<semaphore_mem>>) src(%arg10 : memref<125x128xf32, #tpu.memory_space<vmem>>) dst(%dma_wait3A_948 : memref<64x128xf32, #tpu.memory_space<vmem_shared>>)
      tpu.yield
    }) : () -> ()
    %add3A_840 = arith.constant 3 : i32
    %add3A_841 = arith.addi %mul3A_2, %add3A_840 : i32
    %add3A_842 = arith.constant 4 : i32
    %add3A_843 = arith.addi %add3A_841, %add3A_842 : i32
    %dma_start3A_844 = arith.constant 0 : i32
    %dma_start3A_845 = arith.constant 0 : i32
    %dma_start3A_846 = tpu.memref_slice %arg2[%add3A_843, %dma_start3A_844, %dma_start3A_845] : memref<800x125x128xf32, #tpu.memory_space<hbm>> -> memref<1x125x128xf32, #tpu.memory_space<hbm>>
    %dma_start3A_847 = tpu.memref_squeeze %dma_start3A_846 : memref<1x125x128xf32, #tpu.memory_space<hbm>> -> memref<125x128xf32, #tpu.memory_space<hbm>>
    %dma_start3A_848 = arith.constant 0 : i32
    %dma_start3A_849 = arith.constant 0 : i32
    %dma_start3A_850 = tpu.memref_slice %arg2[%add3A_843, %dma_start3A_848, %dma_start3A_849] : memref<800x125x128xf32, #tpu.memory_space<hbm>> -> memref<1x125x128xf32, #tpu.memory_space<hbm>>
    %dma_start3A_851 = tpu.memref_squeeze %dma_start3A_850 : memref<1x125x128xf32, #tpu.memory_space<hbm>> -> memref<125x128xf32, #tpu.memory_space<hbm>>
    tpu.enqueue_dma source(%dma_start3A_851 : memref<125x128xf32, #tpu.memory_space<hbm>>) target(%arg10 : memref<125x128xf32, #tpu.memory_space<vmem>>) target_semaphore(%arg18 : memref<!tpu.dma_semaphore, #tpu.memory_space<semaphore_mem>>)
    %dma_wait3A_852 = arith.constant 0 : i32
    %dma_wait3A_853 = arith.constant 0 : i32
    %dma_wait3A_854 = tpu.memref_slice %arg2[%add3A_780, %dma_wait3A_852, %dma_wait3A_853] : memref<800x125x128xf32, #tpu.memory_space<hbm>> -> memref<1x125x128xf32, #tpu.memory_space<hbm>>
    %dma_wait3A_855 = tpu.memref_squeeze %dma_wait3A_854 : memref<1x125x128xf32, #tpu.memory_space<hbm>> -> memref<125x128xf32, #tpu.memory_space<hbm>>
    %dma_wait3A_856 = arith.constant 0 : i32
    %dma_wait3A_857 = arith.constant 0 : i32
    %dma_wait3A_858 = tpu.memref_slice %arg2[%add3A_780, %dma_wait3A_856, %dma_wait3A_857] : memref<800x125x128xf32, #tpu.memory_space<hbm>> -> memref<1x125x128xf32, #tpu.memory_space<hbm>>
    %dma_wait3A_859 = tpu.memref_squeeze %dma_wait3A_858 : memref<1x125x128xf32, #tpu.memory_space<hbm>> -> memref<125x128xf32, #tpu.memory_space<hbm>>
    tpu.wait_dma2 semaphore(%arg15 : memref<!tpu.dma_semaphore, #tpu.memory_space<semaphore_mem>>) src(%dma_wait3A_859 : memref<125x128xf32, #tpu.memory_space<hbm>>) dst(%arg7 : memref<125x128xf32, #tpu.memory_space<vmem>>)
    %run_scoped3A_860 = arith.constant 4 : i32
    "tpu.region"() ({
      %run_scoped3A_936 = tpu.sem_alloc : memref<!tpu.dma_semaphore, #tpu.memory_space<semaphore_mem>>
      %dma_start3A_937 = arith.constant 0 : i32
      %dma_start3A_938 = tpu.memref_slice %arg6[%run_scoped3A_860, %dma_start3A_937] : memref<10x125xi32, #tpu.memory_space<vmem>> -> memref<1x125xi32, #tpu.memory_space<vmem>>
      %dma_start3A_939 = tpu.memref_squeeze %dma_start3A_938 : memref<1x125xi32, #tpu.memory_space<vmem>> -> memref<125xi32, #tpu.memory_space<vmem>>
      %dma_start3A_940 = arith.constant 0 : i32
      %dma_start3A_941 = arith.constant 0 : i32
      %dma_start3A_942 = tpu.memref_slice %arg14[%dma_start3A_940, %dma_start3A_941] : memref<64x128xf32, #tpu.memory_space<vmem_shared>> -> memref<64x128xf32, #tpu.memory_space<vmem_shared>>
      tpu.enqueue_indirect_dma source(%arg7 : memref<125x128xf32, #tpu.memory_space<vmem>>) target(%dma_start3A_942 : memref<64x128xf32, #tpu.memory_space<vmem_shared>>) offsets(%dma_start3A_939 : memref<125xi32, #tpu.memory_space<vmem>>) semaphore(%run_scoped3A_936 : memref<!tpu.dma_semaphore, #tpu.memory_space<semaphore_mem>>) {add = true}
      %dma_wait3A_943 = arith.constant 0 : i32
      %dma_wait3A_944 = tpu.memref_slice %arg6[%run_scoped3A_860, %dma_wait3A_943] : memref<10x125xi32, #tpu.memory_space<vmem>> -> memref<1x125xi32, #tpu.memory_space<vmem>>
      %dma_wait3A_945 = tpu.memref_squeeze %dma_wait3A_944 : memref<1x125xi32, #tpu.memory_space<vmem>> -> memref<125xi32, #tpu.memory_space<vmem>>
      %dma_wait3A_946 = arith.constant 0 : i32
      %dma_wait3A_947 = arith.constant 0 : i32
      %dma_wait3A_948 = tpu.memref_slice %arg14[%dma_wait3A_946, %dma_wait3A_947] : memref<64x128xf32, #tpu.memory_space<vmem_shared>> -> memref<64x128xf32, #tpu.memory_space<vmem_shared>>
      tpu.wait_indirect_dma semaphore(%run_scoped3A_936 : memref<!tpu.dma_semaphore, #tpu.memory_space<semaphore_mem>>) src(%arg7 : memref<125x128xf32, #tpu.memory_space<vmem>>) dst(%dma_wait3A_948 : memref<64x128xf32, #tpu.memory_space<vmem_shared>>)
      tpu.yield
    }) : () -> ()
    %add3A_861 = arith.constant 4 : i32
    %add3A_862 = arith.addi %mul3A_2, %add3A_861 : i32
    %add3A_863 = arith.constant 4 : i32
    %add3A_864 = arith.addi %add3A_862, %add3A_863 : i32
    %dma_start3A_865 = arith.constant 0 : i32
    %dma_start3A_866 = arith.constant 0 : i32
    %dma_start3A_867 = tpu.memref_slice %arg2[%add3A_864, %dma_start3A_865, %dma_start3A_866] : memref<800x125x128xf32, #tpu.memory_space<hbm>> -> memref<1x125x128xf32, #tpu.memory_space<hbm>>
    %dma_start3A_868 = tpu.memref_squeeze %dma_start3A_867 : memref<1x125x128xf32, #tpu.memory_space<hbm>> -> memref<125x128xf32, #tpu.memory_space<hbm>>
    %dma_start3A_869 = arith.constant 0 : i32
    %dma_start3A_870 = arith.constant 0 : i32
    %dma_start3A_871 = tpu.memref_slice %arg2[%add3A_864, %dma_start3A_869, %dma_start3A_870] : memref<800x125x128xf32, #tpu.memory_space<hbm>> -> memref<1x125x128xf32, #tpu.memory_space<hbm>>
    %dma_start3A_872 = tpu.memref_squeeze %dma_start3A_871 : memref<1x125x128xf32, #tpu.memory_space<hbm>> -> memref<125x128xf32, #tpu.memory_space<hbm>>
    tpu.enqueue_dma source(%dma_start3A_872 : memref<125x128xf32, #tpu.memory_space<hbm>>) target(%arg7 : memref<125x128xf32, #tpu.memory_space<vmem>>) target_semaphore(%arg15 : memref<!tpu.dma_semaphore, #tpu.memory_space<semaphore_mem>>)
    %dma_wait3A_873 = arith.constant 0 : i32
    %dma_wait3A_874 = arith.constant 0 : i32
    %dma_wait3A_875 = tpu.memref_slice %arg2[%add3A_801, %dma_wait3A_873, %dma_wait3A_874] : memref<800x125x128xf32, #tpu.memory_space<hbm>> -> memref<1x125x128xf32, #tpu.memory_space<hbm>>
    %dma_wait3A_876 = tpu.memref_squeeze %dma_wait3A_875 : memref<1x125x128xf32, #tpu.memory_space<hbm>> -> memref<125x128xf32, #tpu.memory_space<hbm>>
    %dma_wait3A_877 = arith.constant 0 : i32
    %dma_wait3A_878 = arith.constant 0 : i32
    %dma_wait3A_879 = tpu.memref_slice %arg2[%add3A_801, %dma_wait3A_877, %dma_wait3A_878] : memref<800x125x128xf32, #tpu.memory_space<hbm>> -> memref<1x125x128xf32, #tpu.memory_space<hbm>>
    %dma_wait3A_880 = tpu.memref_squeeze %dma_wait3A_879 : memref<1x125x128xf32, #tpu.memory_space<hbm>> -> memref<125x128xf32, #tpu.memory_space<hbm>>
    tpu.wait_dma2 semaphore(%arg16 : memref<!tpu.dma_semaphore, #tpu.memory_space<semaphore_mem>>) src(%dma_wait3A_880 : memref<125x128xf32, #tpu.memory_space<hbm>>) dst(%arg8 : memref<125x128xf32, #tpu.memory_space<vmem>>)
    %run_scoped3A_881 = arith.constant 5 : i32
    "tpu.region"() ({
      %run_scoped3A_936 = tpu.sem_alloc : memref<!tpu.dma_semaphore, #tpu.memory_space<semaphore_mem>>
      %dma_start3A_937 = arith.constant 0 : i32
      %dma_start3A_938 = tpu.memref_slice %arg6[%run_scoped3A_881, %dma_start3A_937] : memref<10x125xi32, #tpu.memory_space<vmem>> -> memref<1x125xi32, #tpu.memory_space<vmem>>
      %dma_start3A_939 = tpu.memref_squeeze %dma_start3A_938 : memref<1x125xi32, #tpu.memory_space<vmem>> -> memref<125xi32, #tpu.memory_space<vmem>>
      %dma_start3A_940 = arith.constant 0 : i32
      %dma_start3A_941 = arith.constant 0 : i32
      %dma_start3A_942 = tpu.memref_slice %arg14[%dma_start3A_940, %dma_start3A_941] : memref<64x128xf32, #tpu.memory_space<vmem_shared>> -> memref<64x128xf32, #tpu.memory_space<vmem_shared>>
      tpu.enqueue_indirect_dma source(%arg8 : memref<125x128xf32, #tpu.memory_space<vmem>>) target(%dma_start3A_942 : memref<64x128xf32, #tpu.memory_space<vmem_shared>>) offsets(%dma_start3A_939 : memref<125xi32, #tpu.memory_space<vmem>>) semaphore(%run_scoped3A_936 : memref<!tpu.dma_semaphore, #tpu.memory_space<semaphore_mem>>) {add = true}
      %dma_wait3A_943 = arith.constant 0 : i32
      %dma_wait3A_944 = tpu.memref_slice %arg6[%run_scoped3A_881, %dma_wait3A_943] : memref<10x125xi32, #tpu.memory_space<vmem>> -> memref<1x125xi32, #tpu.memory_space<vmem>>
      %dma_wait3A_945 = tpu.memref_squeeze %dma_wait3A_944 : memref<1x125xi32, #tpu.memory_space<vmem>> -> memref<125xi32, #tpu.memory_space<vmem>>
      %dma_wait3A_946 = arith.constant 0 : i32
      %dma_wait3A_947 = arith.constant 0 : i32
      %dma_wait3A_948 = tpu.memref_slice %arg14[%dma_wait3A_946, %dma_wait3A_947] : memref<64x128xf32, #tpu.memory_space<vmem_shared>> -> memref<64x128xf32, #tpu.memory_space<vmem_shared>>
      tpu.wait_indirect_dma semaphore(%run_scoped3A_936 : memref<!tpu.dma_semaphore, #tpu.memory_space<semaphore_mem>>) src(%arg8 : memref<125x128xf32, #tpu.memory_space<vmem>>) dst(%dma_wait3A_948 : memref<64x128xf32, #tpu.memory_space<vmem_shared>>)
      tpu.yield
    }) : () -> ()
    %add3A_882 = arith.constant 5 : i32
    %add3A_883 = arith.addi %mul3A_2, %add3A_882 : i32
    %add3A_884 = arith.constant 4 : i32
    %add3A_885 = arith.addi %add3A_883, %add3A_884 : i32
    %dma_start3A_886 = arith.constant 0 : i32
    %dma_start3A_887 = arith.constant 0 : i32
    %dma_start3A_888 = tpu.memref_slice %arg2[%add3A_885, %dma_start3A_886, %dma_start3A_887] : memref<800x125x128xf32, #tpu.memory_space<hbm>> -> memref<1x125x128xf32, #tpu.memory_space<hbm>>
    %dma_start3A_889 = tpu.memref_squeeze %dma_start3A_888 : memref<1x125x128xf32, #tpu.memory_space<hbm>> -> memref<125x128xf32, #tpu.memory_space<hbm>>
    %dma_start3A_890 = arith.constant 0 : i32
    %dma_start3A_891 = arith.constant 0 : i32
    %dma_start3A_892 = tpu.memref_slice %arg2[%add3A_885, %dma_start3A_890, %dma_start3A_891] : memref<800x125x128xf32, #tpu.memory_space<hbm>> -> memref<1x125x128xf32, #tpu.memory_space<hbm>>
    %dma_start3A_893 = tpu.memref_squeeze %dma_start3A_892 : memref<1x125x128xf32, #tpu.memory_space<hbm>> -> memref<125x128xf32, #tpu.memory_space<hbm>>
    tpu.enqueue_dma source(%dma_start3A_893 : memref<125x128xf32, #tpu.memory_space<hbm>>) target(%arg8 : memref<125x128xf32, #tpu.memory_space<vmem>>) target_semaphore(%arg16 : memref<!tpu.dma_semaphore, #tpu.memory_space<semaphore_mem>>)
    %dma_wait3A_894 = arith.constant 0 : i32
    %dma_wait3A_895 = arith.constant 0 : i32
    %dma_wait3A_896 = tpu.memref_slice %arg2[%add3A_822, %dma_wait3A_894, %dma_wait3A_895] : memref<800x125x128xf32, #tpu.memory_space<hbm>> -> memref<1x125x128xf32, #tpu.memory_space<hbm>>
    %dma_wait3A_897 = tpu.memref_squeeze %dma_wait3A_896 : memref<1x125x128xf32, #tpu.memory_space<hbm>> -> memref<125x128xf32, #tpu.memory_space<hbm>>
    %dma_wait3A_898 = arith.constant 0 : i32
    %dma_wait3A_899 = arith.constant 0 : i32
    %dma_wait3A_900 = tpu.memref_slice %arg2[%add3A_822, %dma_wait3A_898, %dma_wait3A_899] : memref<800x125x128xf32, #tpu.memory_space<hbm>> -> memref<1x125x128xf32, #tpu.memory_space<hbm>>
    %dma_wait3A_901 = tpu.memref_squeeze %dma_wait3A_900 : memref<1x125x128xf32, #tpu.memory_space<hbm>> -> memref<125x128xf32, #tpu.memory_space<hbm>>
    tpu.wait_dma2 semaphore(%arg17 : memref<!tpu.dma_semaphore, #tpu.memory_space<semaphore_mem>>) src(%dma_wait3A_901 : memref<125x128xf32, #tpu.memory_space<hbm>>) dst(%arg9 : memref<125x128xf32, #tpu.memory_space<vmem>>)
    %run_scoped3A_902 = arith.constant 6 : i32
    "tpu.region"() ({
      %run_scoped3A_936 = tpu.sem_alloc : memref<!tpu.dma_semaphore, #tpu.memory_space<semaphore_mem>>
      %dma_start3A_937 = arith.constant 0 : i32
      %dma_start3A_938 = tpu.memref_slice %arg6[%run_scoped3A_902, %dma_start3A_937] : memref<10x125xi32, #tpu.memory_space<vmem>> -> memref<1x125xi32, #tpu.memory_space<vmem>>
      %dma_start3A_939 = tpu.memref_squeeze %dma_start3A_938 : memref<1x125xi32, #tpu.memory_space<vmem>> -> memref<125xi32, #tpu.memory_space<vmem>>
      %dma_start3A_940 = arith.constant 0 : i32
      %dma_start3A_941 = arith.constant 0 : i32
      %dma_start3A_942 = tpu.memref_slice %arg14[%dma_start3A_940, %dma_start3A_941] : memref<64x128xf32, #tpu.memory_space<vmem_shared>> -> memref<64x128xf32, #tpu.memory_space<vmem_shared>>
      tpu.enqueue_indirect_dma source(%arg9 : memref<125x128xf32, #tpu.memory_space<vmem>>) target(%dma_start3A_942 : memref<64x128xf32, #tpu.memory_space<vmem_shared>>) offsets(%dma_start3A_939 : memref<125xi32, #tpu.memory_space<vmem>>) semaphore(%run_scoped3A_936 : memref<!tpu.dma_semaphore, #tpu.memory_space<semaphore_mem>>) {add = true}
      %dma_wait3A_943 = arith.constant 0 : i32
      %dma_wait3A_944 = tpu.memref_slice %arg6[%run_scoped3A_902, %dma_wait3A_943] : memref<10x125xi32, #tpu.memory_space<vmem>> -> memref<1x125xi32, #tpu.memory_space<vmem>>
      %dma_wait3A_945 = tpu.memref_squeeze %dma_wait3A_944 : memref<1x125xi32, #tpu.memory_space<vmem>> -> memref<125xi32, #tpu.memory_space<vmem>>
      %dma_wait3A_946 = arith.constant 0 : i32
      %dma_wait3A_947 = arith.constant 0 : i32
      %dma_wait3A_948 = tpu.memref_slice %arg14[%dma_wait3A_946, %dma_wait3A_947] : memref<64x128xf32, #tpu.memory_space<vmem_shared>> -> memref<64x128xf32, #tpu.memory_space<vmem_shared>>
      tpu.wait_indirect_dma semaphore(%run_scoped3A_936 : memref<!tpu.dma_semaphore, #tpu.memory_space<semaphore_mem>>) src(%arg9 : memref<125x128xf32, #tpu.memory_space<vmem>>) dst(%dma_wait3A_948 : memref<64x128xf32, #tpu.memory_space<vmem_shared>>)
      tpu.yield
    }) : () -> ()
    %dma_wait3A_903 = arith.constant 0 : i32
    %dma_wait3A_904 = arith.constant 0 : i32
    %dma_wait3A_905 = tpu.memref_slice %arg2[%add3A_843, %dma_wait3A_903, %dma_wait3A_904] : memref<800x125x128xf32, #tpu.memory_space<hbm>> -> memref<1x125x128xf32, #tpu.memory_space<hbm>>
    %dma_wait3A_906 = tpu.memref_squeeze %dma_wait3A_905 : memref<1x125x128xf32, #tpu.memory_space<hbm>> -> memref<125x128xf32, #tpu.memory_space<hbm>>
    %dma_wait3A_907 = arith.constant 0 : i32
    %dma_wait3A_908 = arith.constant 0 : i32
    %dma_wait3A_909 = tpu.memref_slice %arg2[%add3A_843, %dma_wait3A_907, %dma_wait3A_908] : memref<800x125x128xf32, #tpu.memory_space<hbm>> -> memref<1x125x128xf32, #tpu.memory_space<hbm>>
    %dma_wait3A_910 = tpu.memref_squeeze %dma_wait3A_909 : memref<1x125x128xf32, #tpu.memory_space<hbm>> -> memref<125x128xf32, #tpu.memory_space<hbm>>
    tpu.wait_dma2 semaphore(%arg18 : memref<!tpu.dma_semaphore, #tpu.memory_space<semaphore_mem>>) src(%dma_wait3A_910 : memref<125x128xf32, #tpu.memory_space<hbm>>) dst(%arg10 : memref<125x128xf32, #tpu.memory_space<vmem>>)
    %run_scoped3A_911 = arith.constant 7 : i32
    "tpu.region"() ({
      %run_scoped3A_936 = tpu.sem_alloc : memref<!tpu.dma_semaphore, #tpu.memory_space<semaphore_mem>>
      %dma_start3A_937 = arith.constant 0 : i32
      %dma_start3A_938 = tpu.memref_slice %arg6[%run_scoped3A_911, %dma_start3A_937] : memref<10x125xi32, #tpu.memory_space<vmem>> -> memref<1x125xi32, #tpu.memory_space<vmem>>
      %dma_start3A_939 = tpu.memref_squeeze %dma_start3A_938 : memref<1x125xi32, #tpu.memory_space<vmem>> -> memref<125xi32, #tpu.memory_space<vmem>>
      %dma_start3A_940 = arith.constant 0 : i32
      %dma_start3A_941 = arith.constant 0 : i32
      %dma_start3A_942 = tpu.memref_slice %arg14[%dma_start3A_940, %dma_start3A_941] : memref<64x128xf32, #tpu.memory_space<vmem_shared>> -> memref<64x128xf32, #tpu.memory_space<vmem_shared>>
      tpu.enqueue_indirect_dma source(%arg10 : memref<125x128xf32, #tpu.memory_space<vmem>>) target(%dma_start3A_942 : memref<64x128xf32, #tpu.memory_space<vmem_shared>>) offsets(%dma_start3A_939 : memref<125xi32, #tpu.memory_space<vmem>>) semaphore(%run_scoped3A_936 : memref<!tpu.dma_semaphore, #tpu.memory_space<semaphore_mem>>) {add = true}
      %dma_wait3A_943 = arith.constant 0 : i32
      %dma_wait3A_944 = tpu.memref_slice %arg6[%run_scoped3A_911, %dma_wait3A_943] : memref<10x125xi32, #tpu.memory_space<vmem>> -> memref<1x125xi32, #tpu.memory_space<vmem>>
      %dma_wait3A_945 = tpu.memref_squeeze %dma_wait3A_944 : memref<1x125xi32, #tpu.memory_space<vmem>> -> memref<125xi32, #tpu.memory_space<vmem>>
      %dma_wait3A_946 = arith.constant 0 : i32
      %dma_wait3A_947 = arith.constant 0 : i32
      %dma_wait3A_948 = tpu.memref_slice %arg14[%dma_wait3A_946, %dma_wait3A_947] : memref<64x128xf32, #tpu.memory_space<vmem_shared>> -> memref<64x128xf32, #tpu.memory_space<vmem_shared>>
      tpu.wait_indirect_dma semaphore(%run_scoped3A_936 : memref<!tpu.dma_semaphore, #tpu.memory_space<semaphore_mem>>) src(%arg10 : memref<125x128xf32, #tpu.memory_space<vmem>>) dst(%dma_wait3A_948 : memref<64x128xf32, #tpu.memory_space<vmem_shared>>)
      tpu.yield
    }) : () -> ()
    %dma_wait3A_912 = arith.constant 0 : i32
    %dma_wait3A_913 = arith.constant 0 : i32
    %dma_wait3A_914 = tpu.memref_slice %arg2[%add3A_864, %dma_wait3A_912, %dma_wait3A_913] : memref<800x125x128xf32, #tpu.memory_space<hbm>> -> memref<1x125x128xf32, #tpu.memory_space<hbm>>
    %dma_wait3A_915 = tpu.memref_squeeze %dma_wait3A_914 : memref<1x125x128xf32, #tpu.memory_space<hbm>> -> memref<125x128xf32, #tpu.memory_space<hbm>>
    %dma_wait3A_916 = arith.constant 0 : i32
    %dma_wait3A_917 = arith.constant 0 : i32
    %dma_wait3A_918 = tpu.memref_slice %arg2[%add3A_864, %dma_wait3A_916, %dma_wait3A_917] : memref<800x125x128xf32, #tpu.memory_space<hbm>> -> memref<1x125x128xf32, #tpu.memory_space<hbm>>
    %dma_wait3A_919 = tpu.memref_squeeze %dma_wait3A_918 : memref<1x125x128xf32, #tpu.memory_space<hbm>> -> memref<125x128xf32, #tpu.memory_space<hbm>>
    tpu.wait_dma2 semaphore(%arg15 : memref<!tpu.dma_semaphore, #tpu.memory_space<semaphore_mem>>) src(%dma_wait3A_919 : memref<125x128xf32, #tpu.memory_space<hbm>>) dst(%arg7 : memref<125x128xf32, #tpu.memory_space<vmem>>)
    %run_scoped3A_920 = arith.constant 8 : i32
    "tpu.region"() ({
      %run_scoped3A_936 = tpu.sem_alloc : memref<!tpu.dma_semaphore, #tpu.memory_space<semaphore_mem>>
      %dma_start3A_937 = arith.constant 0 : i32
      %dma_start3A_938 = tpu.memref_slice %arg6[%run_scoped3A_920, %dma_start3A_937] : memref<10x125xi32, #tpu.memory_space<vmem>> -> memref<1x125xi32, #tpu.memory_space<vmem>>
      %dma_start3A_939 = tpu.memref_squeeze %dma_start3A_938 : memref<1x125xi32, #tpu.memory_space<vmem>> -> memref<125xi32, #tpu.memory_space<vmem>>
      %dma_start3A_940 = arith.constant 0 : i32
      %dma_start3A_941 = arith.constant 0 : i32
      %dma_start3A_942 = tpu.memref_slice %arg14[%dma_start3A_940, %dma_start3A_941] : memref<64x128xf32, #tpu.memory_space<vmem_shared>> -> memref<64x128xf32, #tpu.memory_space<vmem_shared>>
      tpu.enqueue_indirect_dma source(%arg7 : memref<125x128xf32, #tpu.memory_space<vmem>>) target(%dma_start3A_942 : memref<64x128xf32, #tpu.memory_space<vmem_shared>>) offsets(%dma_start3A_939 : memref<125xi32, #tpu.memory_space<vmem>>) semaphore(%run_scoped3A_936 : memref<!tpu.dma_semaphore, #tpu.memory_space<semaphore_mem>>) {add = true}
      %dma_wait3A_943 = arith.constant 0 : i32
      %dma_wait3A_944 = tpu.memref_slice %arg6[%run_scoped3A_920, %dma_wait3A_943] : memref<10x125xi32, #tpu.memory_space<vmem>> -> memref<1x125xi32, #tpu.memory_space<vmem>>
      %dma_wait3A_945 = tpu.memref_squeeze %dma_wait3A_944 : memref<1x125xi32, #tpu.memory_space<vmem>> -> memref<125xi32, #tpu.memory_space<vmem>>
      %dma_wait3A_946 = arith.constant 0 : i32
      %dma_wait3A_947 = arith.constant 0 : i32
      %dma_wait3A_948 = tpu.memref_slice %arg14[%dma_wait3A_946, %dma_wait3A_947] : memref<64x128xf32, #tpu.memory_space<vmem_shared>> -> memref<64x128xf32, #tpu.memory_space<vmem_shared>>
      tpu.wait_indirect_dma semaphore(%run_scoped3A_936 : memref<!tpu.dma_semaphore, #tpu.memory_space<semaphore_mem>>) src(%arg7 : memref<125x128xf32, #tpu.memory_space<vmem>>) dst(%dma_wait3A_948 : memref<64x128xf32, #tpu.memory_space<vmem_shared>>)
      tpu.yield
    }) : () -> ()
    %dma_wait3A_921 = arith.constant 0 : i32
    %dma_wait3A_922 = arith.constant 0 : i32
    %dma_wait3A_923 = tpu.memref_slice %arg2[%add3A_885, %dma_wait3A_921, %dma_wait3A_922] : memref<800x125x128xf32, #tpu.memory_space<hbm>> -> memref<1x125x128xf32, #tpu.memory_space<hbm>>
    %dma_wait3A_924 = tpu.memref_squeeze %dma_wait3A_923 : memref<1x125x128xf32, #tpu.memory_space<hbm>> -> memref<125x128xf32, #tpu.memory_space<hbm>>
    %dma_wait3A_925 = arith.constant 0 : i32
    %dma_wait3A_926 = arith.constant 0 : i32
    %dma_wait3A_927 = tpu.memref_slice %arg2[%add3A_885, %dma_wait3A_925, %dma_wait3A_926] : memref<800x125x128xf32, #tpu.memory_space<hbm>> -> memref<1x125x128xf32, #tpu.memory_space<hbm>>
    %dma_wait3A_928 = tpu.memref_squeeze %dma_wait3A_927 : memref<1x125x128xf32, #tpu.memory_space<hbm>> -> memref<125x128xf32, #tpu.memory_space<hbm>>
    tpu.wait_dma2 semaphore(%arg16 : memref<!tpu.dma_semaphore, #tpu.memory_space<semaphore_mem>>) src(%dma_wait3A_928 : memref<125x128xf32, #tpu.memory_space<hbm>>) dst(%arg8 : memref<125x128xf32, #tpu.memory_space<vmem>>)
    %run_scoped3A_929 = arith.constant 9 : i32
    "tpu.region"() ({
      %run_scoped3A_936 = tpu.sem_alloc : memref<!tpu.dma_semaphore, #tpu.memory_space<semaphore_mem>>
      %dma_start3A_937 = arith.constant 0 : i32
      %dma_start3A_938 = tpu.memref_slice %arg6[%run_scoped3A_929, %dma_start3A_937] : memref<10x125xi32, #tpu.memory_space<vmem>> -> memref<1x125xi32, #tpu.memory_space<vmem>>
      %dma_start3A_939 = tpu.memref_squeeze %dma_start3A_938 : memref<1x125xi32, #tpu.memory_space<vmem>> -> memref<125xi32, #tpu.memory_space<vmem>>
      %dma_start3A_940 = arith.constant 0 : i32
      %dma_start3A_941 = arith.constant 0 : i32
      %dma_start3A_942 = tpu.memref_slice %arg14[%dma_start3A_940, %dma_start3A_941] : memref<64x128xf32, #tpu.memory_space<vmem_shared>> -> memref<64x128xf32, #tpu.memory_space<vmem_shared>>
      tpu.enqueue_indirect_dma source(%arg8 : memref<125x128xf32, #tpu.memory_space<vmem>>) target(%dma_start3A_942 : memref<64x128xf32, #tpu.memory_space<vmem_shared>>) offsets(%dma_start3A_939 : memref<125xi32, #tpu.memory_space<vmem>>) semaphore(%run_scoped3A_936 : memref<!tpu.dma_semaphore, #tpu.memory_space<semaphore_mem>>) {add = true}
      %dma_wait3A_943 = arith.constant 0 : i32
      %dma_wait3A_944 = tpu.memref_slice %arg6[%run_scoped3A_929, %dma_wait3A_943] : memref<10x125xi32, #tpu.memory_space<vmem>> -> memref<1x125xi32, #tpu.memory_space<vmem>>
      %dma_wait3A_945 = tpu.memref_squeeze %dma_wait3A_944 : memref<1x125xi32, #tpu.memory_space<vmem>> -> memref<125xi32, #tpu.memory_space<vmem>>
      %dma_wait3A_946 = arith.constant 0 : i32
      %dma_wait3A_947 = arith.constant 0 : i32
      %dma_wait3A_948 = tpu.memref_slice %arg14[%dma_wait3A_946, %dma_wait3A_947] : memref<64x128xf32, #tpu.memory_space<vmem_shared>> -> memref<64x128xf32, #tpu.memory_space<vmem_shared>>
      tpu.wait_indirect_dma semaphore(%run_scoped3A_936 : memref<!tpu.dma_semaphore, #tpu.memory_space<semaphore_mem>>) src(%arg8 : memref<125x128xf32, #tpu.memory_space<vmem>>) dst(%dma_wait3A_948 : memref<64x128xf32, #tpu.memory_space<vmem_shared>>)
      tpu.yield
    }) : () -> ()
    %barrier3A_930 = arith.constant 0 : index
    tpu.barrier barrier_id(%barrier3A_930)
    %eq3A_931 = arith.constant 0 : i32
    %eq3A_932 = arith.cmpi eq, %arg1, %eq3A_931 : i32
    %convert_element_type3A_933 = arith.extui %eq3A_932 : i1 to i32
    %cond3A_934 = arith.constant 0 : i32
    %cond3A_935 = arith.cmpi ne, %convert_element_type3A_933, %cond3A_934 : i32
    scf.if %cond3A_935 {
      "tpu.region"() ({
        %run_scoped3A_936 = tpu.sem_alloc : memref<!tpu.dma_semaphore, #tpu.memory_space<semaphore_mem>>
        %dma_start3A_937 = arith.constant 0 : i32
        %dma_start3A_938 = arith.constant 0 : i32
        %dma_start3A_939 = tpu.memref_slice %arg4[%arg0, %dma_start3A_937, %dma_start3A_938] : memref<2x64x128xf32, #tpu.memory_space<hbm>> -> memref<1x64x128xf32, #tpu.memory_space<hbm>>
        %dma_start3A_940 = tpu.memref_squeeze %dma_start3A_939 : memref<1x64x128xf32, #tpu.memory_space<hbm>> -> memref<64x128xf32, #tpu.memory_space<hbm>>
        tpu.enqueue_dma source(%arg14 : memref<64x128xf32, #tpu.memory_space<vmem_shared>>) target(%dma_start3A_940 : memref<64x128xf32, #tpu.memory_space<hbm>>) target_semaphore(%run_scoped3A_936 : memref<!tpu.dma_semaphore, #tpu.memory_space<semaphore_mem>>)
        %dma_wait3A_941 = arith.constant 0 : i32
        %dma_wait3A_942 = arith.constant 0 : i32
        %dma_wait3A_943 = tpu.memref_slice %arg4[%arg0, %dma_wait3A_941, %dma_wait3A_942] : memref<2x64x128xf32, #tpu.memory_space<hbm>> -> memref<1x64x128xf32, #tpu.memory_space<hbm>>
        %dma_wait3A_944 = tpu.memref_squeeze %dma_wait3A_943 : memref<1x64x128xf32, #tpu.memory_space<hbm>> -> memref<64x128xf32, #tpu.memory_space<hbm>>
        tpu.wait_dma2 semaphore(%run_scoped3A_936 : memref<!tpu.dma_semaphore, #tpu.memory_space<semaphore_mem>>) src(%arg14 : memref<64x128xf32, #tpu.memory_space<vmem_shared>>) dst(%dma_wait3A_944 : memref<64x128xf32, #tpu.memory_space<hbm>>)
        tpu.yield
      }) : () -> ()
    } else {
    }
    return
  }
}

module attributes {stable_mosaic.version = 14 : i64} {
  func.func @_tc_body(%arg0: i32, %arg1: memref<1x1x5000xi32, #tpu.memory_space<vmem>>, %arg2: memref<1x5000x128xf32, #tpu.memory_space<vmem>>, %arg3: memref<64x128xf32, #tpu.memory_space<vmem>>, %arg4: memref<64x1xf32, #tpu.memory_space<vmem>>) attributes {dimension_semantics = [#tpu.dimension_semantics<arbitrary>], iteration_bounds = array<i64: 12>, scalar_prefetch = 0 : i64, scratch_operands = 0 : i64, tpu.core_type = #tpu.core_type<tc>, window_params = [{transform_indices = @transform_0, window_bounds = array<i64: 1, 1, 5000>}, {transform_indices = @transform_1, window_bounds = array<i64: 1, 5000, 128>}, {pipeline_mode = #tpu.pipeline_mode<synchronous>, transform_indices = @transform_2, window_bounds = array<i64: 64, 128>}, {pipeline_mode = #tpu.pipeline_mode<synchronous>, transform_indices = @transform_3, window_bounds = array<i64: 64, 1>}]} {
    %eq3A = arith.constant 0 : i32
    %eq3A_0 = arith.cmpi eq, %arg0, %eq3A : i32
    %convert_element_type3A = arith.extui %eq3A_0 : i1 to i32
    %cond3A = arith.constant 0 : i32
    %cond3A_1 = arith.cmpi ne, %convert_element_type3A, %cond3A : i32
    scf.if %cond3A_1 {
      %broadcast_in_dim3A_30 = arith.constant 0.000000e+00 : f32
      %broadcast_in_dim3A_31 = vector.broadcast %broadcast_in_dim3A_30 : f32 to vector<64x128xf32>
      %swap3A_32 = arith.constant 0 : index
      %swap3A_33 = arith.constant 0 : index
      %swap3A_34 = vector.load %arg3[%swap3A_32, %swap3A_33] : memref<64x128xf32, #tpu.memory_space<vmem>>, vector<64x128xf32>
      tpu.vector_store %arg3[%swap3A_32, %swap3A_33], %broadcast_in_dim3A_31 {strides = array<i32>} : memref<64x128xf32, #tpu.memory_space<vmem>>, vector<64x128xf32>,
      %broadcast_in_dim3A_35 = arith.constant 0.000000e+00 : f32
      %broadcast_in_dim3A_36 = vector.broadcast %broadcast_in_dim3A_35 : f32 to vector<64x1xf32>
      %swap3A_37 = arith.constant 0 : index
      %swap3A_38 = arith.constant 0 : index
      %swap3A_39 = vector.load %arg4[%swap3A_37, %swap3A_38] : memref<64x1xf32, #tpu.memory_space<vmem>>, vector<64x1xf32>
      tpu.vector_store %arg4[%swap3A_37, %swap3A_38], %broadcast_in_dim3A_36 {strides = array<i32>} : memref<64x1xf32, #tpu.memory_space<vmem>>, vector<64x1xf32>,
    } else {
    }
    %get3A = arith.constant 0 : index
    %get3A_2 = arith.constant 0 : index
    %get3A_3 = arith.constant 0 : index
    %get3A_4 = vector.load %arg1[%get3A, %get3A_2, %get3A_3] : memref<1x1x5000xi32, #tpu.memory_space<vmem>>, vector<1x1x5000xi32>
    %get3A_5 = vector.shape_cast %get3A_4 : vector<1x1x5000xi32> to vector<1x5000xi32>
    %iota3A = tpu.iota {dimensions = array<i32: 0>} : vector<64x5000xi32>
    %eq3A_6 = vector.broadcast %get3A_5 : vector<1x5000xi32> to vector<64x5000xi32>
    %eq3A_7 = arith.cmpi eq, %eq3A_6, %iota3A : vector<64x5000xi32>
    %jit3A = arith.constant 1.000000e+00 : f32
    %jit3A_8 = arith.constant 0.000000e+00 : f32
    %broadcast_in_dim3A = vector.broadcast %jit3A : f32 to vector<64x5000xf32>
    %broadcast_in_dim3A_9 = vector.broadcast %jit3A_8 : f32 to vector<64x5000xf32>
    %select_n3A = arith.select %eq3A_7, %broadcast_in_dim3A, %broadcast_in_dim3A_9 : vector<64x5000xi1>, vector<64x5000xf32>
    %get3A_10 = arith.constant 0 : index
    %get3A_11 = arith.constant 0 : index
    %get3A_12 = vector.load %arg3[%get3A_10, %get3A_11] : memref<64x128xf32, #tpu.memory_space<vmem>>, vector<64x128xf32>
    %get3A_13 = arith.constant 0 : index
    %get3A_14 = arith.constant 0 : index
    %get3A_15 = arith.constant 0 : index
    %get3A_16 = vector.load %arg2[%get3A_13, %get3A_14, %get3A_15] : memref<1x5000x128xf32, #tpu.memory_space<vmem>>, vector<1x5000x128xf32>
    %get3A_17 = vector.shape_cast %get3A_16 : vector<1x5000x128xf32> to vector<5000x128xf32>
    %dot_general3A = arith.constant dense<0.000000e+00> : vector<64x128xf32>
    %dot_general3A_18 = tpu.matmul %select_n3A, %get3A_17, %dot_general3A {dimension_numbers = #tpu.dot_dimension_numbers<[1], [0], [0], [1], [0, 0, 1, 1], [], []>, transpose_lhs_hint = false} : vector<64x5000xf32>, vector<5000x128xf32>, vector<64x128xf32> -> vector<64x128xf32>
    %add3A = arith.addf %get3A_12, %dot_general3A_18 : vector<64x128xf32>
    %swap3A = arith.constant 0 : index
    %swap3A_19 = arith.constant 0 : index
    %swap3A_20 = vector.load %arg3[%swap3A, %swap3A_19] : memref<64x128xf32, #tpu.memory_space<vmem>>, vector<64x128xf32>
    tpu.vector_store %arg3[%swap3A, %swap3A_19], %add3A {strides = array<i32>} : memref<64x128xf32, #tpu.memory_space<vmem>>, vector<64x128xf32>,
    %get3A_21 = arith.constant 0 : index
    %get3A_22 = arith.constant 0 : index
    %get3A_23 = vector.load %arg4[%get3A_21, %get3A_22] : memref<64x1xf32, #tpu.memory_space<vmem>>, vector<64x1xf32>
    %reduce_sum3A = arith.constant dense<0.000000e+00> : vector<64xf32>
    %reduce_sum3A_24 = vector.multi_reduction <add>, %select_n3A, %reduce_sum3A [1] : vector<64x5000xf32> to vector<64xf32>
    %broadcast_in_dim3A_25 = vector.shape_cast %reduce_sum3A_24 : vector<64xf32> to vector<64x1xf32>
    %add3A_26 = arith.addf %get3A_23, %broadcast_in_dim3A_25 : vector<64x1xf32>
    %swap3A_27 = arith.constant 0 : index
    %swap3A_28 = arith.constant 0 : index
    %swap3A_29 = vector.load %arg4[%swap3A_27, %swap3A_28] : memref<64x1xf32, #tpu.memory_space<vmem>>, vector<64x1xf32>
    tpu.vector_store %arg4[%swap3A_27, %swap3A_28], %add3A_26 {strides = array<i32>} : memref<64x1xf32, #tpu.memory_space<vmem>>, vector<64x1xf32>,
    return
  }
  func.func @transform_0(%arg0: i32) -> (i32, i32, i32) {
    %add3A = arith.constant 8 : i32
    %add3A_0 = arith.addi %add3A, %arg0 : i32
    %c0_i32 = arith.constant 0 : i32
    %c0_i32_1 = arith.constant 0 : i32
    %c0_i32_2 = arith.constant 0 : i32
    return %add3A_0, %c0_i32, %c0_i32_1 : i32, i32, i32
  }
  func.func @transform_1(%arg0: i32) -> (i32, i32, i32) {
    %add3A = arith.constant 8 : i32
    %add3A_0 = arith.addi %add3A, %arg0 : i32
    %c0_i32 = arith.constant 0 : i32
    %c0_i32_1 = arith.constant 0 : i32
    %c0_i32_2 = arith.constant 0 : i32
    return %add3A_0, %c0_i32, %c0_i32_1 : i32, i32, i32
  }
  func.func @transform_2(%arg0: i32) -> (i32, i32) {
    %c0_i32 = arith.constant 0 : i32
    %c0_i32_0 = arith.constant 0 : i32
    %c0_i32_1 = arith.constant 0 : i32
    return %c0_i32, %c0_i32_0 : i32, i32
  }
  func.func @transform_3(%arg0: i32) -> (i32, i32) {
    %c0_i32 = arith.constant 0 : i32
    %c0_i32_0 = arith.constant 0 : i32
    %c0_i32_1 = arith.constant 0 : i32
    return %c0_i32, %c0_i32_0 : i32, i32
  }
}

module attributes {stable_mosaic.version = 14 : i64} {
  func.func @_finish_body(%arg0: memref<2x64x128xf32, #tpu.memory_space<vmem>>, %arg1: memref<32x64x1xf32, #tpu.memory_space<vmem>>, %arg2: memref<64x128xf32, #tpu.memory_space<vmem>>, %arg3: memref<64x1xf32, #tpu.memory_space<vmem>>, %arg4: memref<1x128xf32, #tpu.memory_space<vmem>>, %arg5: memref<1x1xf32, #tpu.memory_space<vmem>>, %arg6: memref<64x1xf32, #tpu.memory_space<vmem>>) attributes {dimension_semantics = [], scalar_prefetch = 0 : i64, scratch_operands = 0 : i64, tpu.core_type = #tpu.core_type<tc>} {
    %get3A = arith.constant 0 : index
    %get3A_0 = arith.constant 0 : index
    %get3A_1 = arith.constant 0 : index
    %get3A_2 = vector.load %arg0[%get3A, %get3A_0, %get3A_1] : memref<2x64x128xf32, #tpu.memory_space<vmem>>, vector<1x64x128xf32>
    %get3A_3 = vector.shape_cast %get3A_2 : vector<1x64x128xf32> to vector<64x128xf32>
    %get3A_4 = arith.constant 1 : index
    %get3A_5 = arith.constant 0 : index
    %get3A_6 = arith.constant 0 : index
    %get3A_7 = vector.load %arg0[%get3A_4, %get3A_5, %get3A_6] : memref<2x64x128xf32, #tpu.memory_space<vmem>>, vector<1x64x128xf32>
    %get3A_8 = vector.shape_cast %get3A_7 : vector<1x64x128xf32> to vector<64x128xf32>
    %add3A = arith.addf %get3A_3, %get3A_8 : vector<64x128xf32>
    %get3A_9 = arith.constant 0 : index
    %get3A_10 = arith.constant 0 : index
    %get3A_11 = vector.load %arg2[%get3A_9, %get3A_10] : memref<64x128xf32, #tpu.memory_space<vmem>>, vector<64x128xf32>
    %add3A_12 = arith.addf %add3A, %get3A_11 : vector<64x128xf32>
    %get3A_13 = arith.constant 0 : index
    %get3A_14 = arith.constant 0 : index
    %get3A_15 = arith.constant 0 : index
    %get3A_16 = vector.load %arg1[%get3A_13, %get3A_14, %get3A_15] : memref<32x64x1xf32, #tpu.memory_space<vmem>>, vector<32x64x1xf32>
    %reduce_sum3A = arith.constant dense<0.000000e+00> : vector<64x1xf32>
    %reduce_sum3A_17 = vector.multi_reduction <add>, %get3A_16, %reduce_sum3A [0] : vector<32x64x1xf32> to vector<64x1xf32>
    %get3A_18 = arith.constant 0 : index
    %get3A_19 = arith.constant 0 : index
    %get3A_20 = vector.load %arg3[%get3A_18, %get3A_19] : memref<64x1xf32, #tpu.memory_space<vmem>>, vector<64x1xf32>
    %add3A_21 = arith.addf %reduce_sum3A_17, %get3A_20 : vector<64x1xf32>
    %max3A = arith.constant 1.000000e+00 : f32
    %max3A_22 = vector.broadcast %max3A : f32 to vector<64x1xf32>
    %max3A_23 = arith.maximumf %add3A_21, %max3A_22 : vector<64x1xf32>
    %div3A = vector.broadcast %max3A_23 : vector<64x1xf32> to vector<64x128xf32>
    %div3A_24 = arith.divf %add3A_12, %div3A : vector<64x128xf32>
    %get3A_25 = arith.constant 0 : index
    %get3A_26 = arith.constant 0 : index
    %get3A_27 = vector.load %arg4[%get3A_25, %get3A_26] : memref<1x128xf32, #tpu.memory_space<vmem>>, vector<1x128xf32>
    %mul3A = vector.broadcast %get3A_27 : vector<1x128xf32> to vector<64x128xf32>
    %mul3A_28 = arith.mulf %div3A_24, %mul3A : vector<64x128xf32>
    %reduce_sum3A_29 = arith.constant dense<0.000000e+00> : vector<64xf32>
    %reduce_sum3A_30 = vector.multi_reduction <add>, %mul3A_28, %reduce_sum3A_29 [1] : vector<64x128xf32> to vector<64xf32>
    %broadcast_in_dim3A = vector.shape_cast %reduce_sum3A_30 : vector<64xf32> to vector<64x1xf32>
    %get3A_31 = arith.constant 0 : index
    %get3A_32 = arith.constant 0 : index
    %get3A_33 = vector.load %arg5[%get3A_31, %get3A_32] : memref<1x1xf32, #tpu.memory_space<vmem>>, vector<1x1xf32>
    %get3A_34 = vector.extract %get3A_33[0, 0] : f32 from vector<1x1xf32>
    %add3A_35 = vector.broadcast %get3A_34 : f32 to vector<64x1xf32>
    %add3A_36 = arith.addf %broadcast_in_dim3A, %add3A_35 : vector<64x1xf32>
    %neg3A = arith.constant 0.000000e+00 : f32
    %neg3A_37 = vector.broadcast %neg3A : f32 to vector<64x1xf32>
    %neg3A_38 = arith.subf %neg3A_37, %add3A_36 : vector<64x1xf32>
    %exp3A = math.exp %neg3A_38 : vector<64x1xf32>
    %add3A_39 = arith.constant 1.000000e+00 : f32
    %add3A_40 = vector.broadcast %add3A_39 : f32 to vector<64x1xf32>
    %add3A_41 = arith.addf %add3A_40, %exp3A : vector<64x1xf32>
    %div3A_42 = arith.constant 1.000000e+00 : f32
    %div3A_43 = vector.broadcast %div3A_42 : f32 to vector<64x1xf32>
    %div3A_44 = arith.divf %div3A_43, %add3A_41 : vector<64x1xf32>
    %swap3A = arith.constant 0 : index
    %swap3A_45 = arith.constant 0 : index
    %swap3A_46 = vector.load %arg6[%swap3A, %swap3A_45] : memref<64x1xf32, #tpu.memory_space<vmem>>, vector<64x1xf32>
    tpu.vector_store %arg6[%swap3A, %swap3A_45], %div3A_44 {strides = array<i32>} : memref<64x1xf32, #tpu.memory_space<vmem>>, vector<64x1xf32>,
    return
  }
}

</mosaic_0001>

<sc_bundles>
// kernel: kernel.5.cloned.1.call-start
scs
__scs_entry_jumppad:
0x0: {  	(pc) =	sbr.rel $0x88, $3  }
0x1: {  	(tag) =	ssettag $0x0;
	lr =	simm.s32 $0x1  }
0x2: {  	[smem:$0x3F9D] =	sst lr;
	_ =	strace $0xD0000000  }
0x3: {  	_ = 	snop  }
0x4: {  	_ = 	snop  }
0x5: {  	_ = 	snop  }
0x6: {  	_ = 	snop  }
0x7: {  	_ = 	snop  }
__scs_overlays_trampoline_lowered:
0x8: {  	[smem:$0x3FAC] =	sst s0  }
0x9: {  	[smem:$0x3FAD] =	sst s1  }
0xa: {  	[smem:$0x3FAE] =	sst s2  }
0xb: {  	[smem:$0x3FAF] =	sst s3  }
0xc: {  	[smem:$0x3FB0] =	sst s4  }
0xd: {  	[smem:$0x3FB1] =	sst s5  }
0xe: {  	[smem:$0x3FB2] =	sst s6  }
0xf: {  	[smem:$0x3FB3] =	sst s7  }
0x10: {  	[smem:$0x3FB4] =	sst s8  }
0x11: {  	[smem:$0x3FB5] =	sst s9;
	s0 =	simm.s32 @!p0 $0x0  }
0x12: {  	s1 =	sld [smem:$0x3F9B];
	s0 =	simm.s32 @p0 $0x1  }
0x13: {  	[smem:$0x3FB6] =	sst s0;
	s0 =	simm.s32 @!p1 $0x0  }
0x14: {  	s2 =	sld [smem:$0x3F9A];
	s0 =	simm.s32 @p1 $0x1  }
0x15: {  	[smem:$0x3FB7] =	sst s0;
	s0 =	simm.s32 @!p2 $0x0  }
0x16: {  	s3 =	sld [smem:$0x3FDB];
	s0 =	simm.s32 @p2 $0x1  }
0x17: {  	s4 =	simm.s32 $0x1BF5;
	[smem:$0x3FB9] =	sst s0  }
0x18: {  	s0 =	sld [smem:$0x3F9C];
	_ =	swait.ge [sflag:s4], $0x0  }
0x19: {  	s7 =	sld [smem:$0x3F9D]  }
0x1a: {  	s8 =	sadd.s32 $0xFFFFE003, lr  }
0x1b: {  	s9 =	sadd.s32 $0xFFFFFEF7, lr;
	s5 =	simm.s32 $0xFFFFFFFF;
	p2 =	slt.u32 s8, $0xFFFFF086  }
0x1c: {  	p1 =	slt.u32 s9, $0xF7A;
	s5 =	simm.s32 @!p2 $0x0  }
0x1d: {  	s5 =	simm.s32 @p1 $0x1;
	p0 =	seq.s32 s7, s2  }
0x1e: {  	s7 =	smul.u32 @!p0 $0xF7A, s2;
	p2 =	seq.s32 @!p0 s5, $0x0  }
0x1f: {  	s9 =	smul.u32 $0xF7A, s1;
	s8 =	simm.s32 @!p0 $0x1BF5;
	p2 =	por !p2, p0  }
0x20: {  	[sflag:s8] =	ssyncset.s32 @!p0 $0xFFFFF086;
	s6 =	sadd.s32 @!p0 s3, s7;
	s7 =	simm.s32 @!p0 $0x108  }
0x21: {  	s3 =	sadd.s32 s3, s9;
	s6 =	sadd.s32 @!p0 $0x88, s6;
	s7 =	simm.s32 @p2 $0x1082  }
0x22: {  	[simem:s7], [sflag:s8] =	dma.local @!p0 [hbm:s6], $0xF7A  }
0x23: {  	s9 =	sor.u32 $0xD0000000, s2;
	s6 =	simm.s32 $0x108;
	_ =	swait.ge @!p0 [sflag:s8], $0x0  }
0x24: {  	s3 =	sadd.s32 $0x88, s3;
	s6 =	simm.s32 @!p1 $0x1082;
	[sflag:s4] =	ssyncset.s32 $0xFFFFF086  }
0x25: {  	[simem:s6], [sflag:s4] =	dma.local [hbm:s3], $0xF7A  }
0x26: {  	[smem:$0x3F9D] =	sst s1;
	(tag) =	ssettag s2;
	_ =	strace s9  }
0x27: {  	s1 =	sld [smem:$0x3FAD]  }
0x28: {  	s2 =	sld [smem:$0x3FAE]  }
0x29: {  	s4 =	sld [smem:$0x3FB0]  }
0x2a: {  	p0 =	seq.s32 s5, $0x0;
	s5 =	sld [smem:$0x3FB1]  }
0x2b: {  	s6 =	sld [smem:$0x3FB2]  }
0x2c: {  	s7 =	sld [smem:$0x3FB3]  }
0x2d: {  	s3 =	simm.s32 $0x108;
	s8 =	sld [smem:$0x3FB4]  }
0x2e: {  	s3 =	simm.s32 @!p0 $0x1082;
	s9 =	sld [smem:$0x3FB5]  }
0x2f: {  	lr =	sadd.s32 s0, s3;
	s0 =	sld [smem:$0x3FAC]  }
0x30: {  	s3 =	sld [smem:$0x3FAF]  }
0x31: {  	[smem:$0x3FB8] =	sst s10  }
0x32: {  	s10 =	sld [smem:$0x3FB6];
	_ =	sdelay $0x3  }
0x33: {  	p0 =	seq.s32 s10, $0x1;
	s10 =	sld [smem:$0x3FB8];
	_ =	sdelay $0x3  }
0x34: {  	[smem:$0x3FB8] =	sst s10  }
0x35: {  	s10 =	sld [smem:$0x3FB7];
	_ =	sdelay $0x3  }
0x36: {  	p1 =	seq.s32 s10, $0x1;
	s10 =	sld [smem:$0x3FB8];
	_ =	sdelay $0x3  }
0x37: {  	[smem:$0x3FB8] =	sst s10  }
0x38: {  	s10 =	sld [smem:$0x3FB9]  }
0x39: {  	_ = 	snop;
	(pc) =	sbr.ind lr, $3  }
0x3a: {  	_ = 	snop  }
0x3b: {  	_ = 	snop  }
0x3c: {  	p2 =	seq.s32 s10, $0x1;
	s10 =	sld [smem:$0x3FB8]  }
0x3d: {  	_ =	shalt  }
0x3e: {  	_ =	shalt  }
0x3f: {  	_ =	shalt  }
0x40: {  	_ =	shalt  }
0x41: {  	_ =	shalt  }
0x42: {  	_ =	shalt  }
0x43: {  	_ =	shalt  }
0x44: {  	_ =	shalt  }
0x45: {  	_ =	shalt  }
0x46: {  	_ =	shalt  }
0x47: {  	_ =	shalt  }
0x48: {  	_ =	shalt  }
0x49: {  	_ =	shalt  }
0x4a: {  	_ =	shalt  }
0x4b: {  	_ =	shalt  }
0x4c: {  	_ =	shalt  }
0x4d: {  	_ =	shalt  }
0x4e: {  	_ =	shalt  }
0x4f: {  	_ =	shalt  }
0x50: {  	_ =	shalt  }
0x51: {  	_ =	shalt  }
0x52: {  	_ =	shalt  }
0x53: {  	_ =	shalt  }
0x54: {  	_ =	shalt  }
0x55: {  	_ =	shalt  }
0x56: {  	_ =	shalt  }
0x57: {  	_ =	shalt  }
0x58: {  	_ =	shalt  }
0x59: {  	_ =	shalt  }
0x5a: {  	_ =	shalt  }
0x5b: {  	_ =	shalt  }
0x5c: {  	_ =	shalt  }
0x5d: {  	_ =	shalt  }
0x5e: {  	_ =	shalt  }
0x5f: {  	_ =	shalt  }
0x60: {  	_ =	shalt  }
0x61: {  	_ =	shalt  }
0x62: {  	_ =	shalt  }
0x63: {  	_ =	shalt  }
0x64: {  	_ =	shalt  }
0x65: {  	_ =	shalt  }
0x66: {  	_ =	shalt  }
0x67: {  	_ =	shalt  }
0x68: {  	_ =	shalt  }
0x69: {  	_ =	shalt  }
0x6a: {  	_ =	shalt  }
0x6b: {  	_ =	shalt  }
0x6c: {  	_ =	shalt  }
0x6d: {  	_ =	shalt  }
0x6e: {  	_ =	shalt  }
0x6f: {  	_ =	shalt  }
0x70: {  	_ =	shalt  }
0x71: {  	_ =	shalt  }
0x72: {  	_ =	shalt  }
0x73: {  	_ =	shalt  }
0x74: {  	_ =	shalt  }
0x75: {  	_ =	shalt  }
0x76: {  	_ =	shalt  }
0x77: {  	_ =	shalt  }
0x78: {  	_ =	shalt  }
0x79: {  	_ =	shalt  }
0x7a: {  	_ =	shalt  }
0x7b: {  	_ =	shalt  }
0x7c: {  	_ =	shalt  }
0x7d: {  	_ =	shalt  }
0x7e: {  	_ =	shalt  }
0x7f: {  	_ =	shalt  }
0x80: {  	_ =	shalt  }
0x81: {  	_ =	shalt  }
0x82: {  	_ =	shalt  }
0x83: {  	_ =	shalt  }
0x84: {  	_ =	shalt  }
0x85: {  	_ =	shalt  }
0x86: {  	_ =	shalt  }
0x87: {  	_ =	shalt  }
.Lfunc_end0:
.L_simem_size_0:
called_computation_lowered:
.L_overlay_start_0:
0x88: {  	s2 =	sld [smem:$0x3FD9]  }
0x89: {  	s3 =	sld [smem:$0x3FFE];
	_ =	sdelay $0x1  }
0x8a: {  	s1 =	srdreg.scid  }
0x8b: {  	s0 =	sand.u32 $0x1, s1  }
0x8c: {  	s16 =	sshll.u32 s0, $0xA;
	s2 =	sadd.s32 s3, s2  }
0x8d: {  	s2 =	sadd.s32 s2, s16  }
0x8e: {  	[smem:$0x3FC4] =	sst s2  }
0x8f: {  	_ = 	snop  }
0x90: {  	(tm) =	ssettm $0x1  }
0x91: {  	s17 =	sld [smem:$0x3FFB];
	_ =	sdelay $0x3  }
0x92: {  	_ =	strace s17  }
0x93: {  	s2 =	sld [smem:$0x3FFC];
	_ =	sdelay $0x3  }
0x94: {  	_ =	strace s2  }
0x95: {  	s2 =	sld [smem:$0x3FFD];
	_ =	sdelay $0x3  }
0x96: {  	_ =	strace s2  }
0x97: {  	_ =	strace $0x8FFFFFFF  }
0x98: {  	s18 =	sld [smem:$0x3FDB];
	_ =	sdelay $0x1  }
0x99: {  	s19 =	simm.s32 $_scs_section_size  }
0x9a: {  	s4 =	simm.s32 $_size__tile_overlayer_lowered;
	s5 =	simm.s32 $_tile_overlayer_lowered  }
0x9b: {  	s22 =	simm.s32 $0x1BFF;
	s21 =	sshll.u32 s5, $0x1;
	s2 =	sadd.s32 s19, s18  }
0x9c: {  	s6 =	simm.s32 $0x0;
	s20 =	sshll.u32 s4, $0x1;
	s4 =	sadd.s32 s21, s2  }
0x9d: {  	[timem:s6], [sflag:s22] =	dma.local [hbm:s4], s20  }
0x9e: {  	_ =	swait.ge [sflag:s22], s20  }
0x9f: {  	s3 =	ssub.s32 $0x0, s20;
	[sflag:s22] =	ssyncset.done $0x0  }
0xa0: {  	[sflag:s22] =	ssyncadd.s32 s3;
	_ =	sdelay $0x1  }
0xa1: {  	s23 =	simm.s32 $0x1B8B  }
0xa2: {  	_ =	swait.ge [sflag:s23], $0x1  }
0xa3: {  	[sflag:s23] =	ssyncset.done $0x0  }
0xa4: {  	s25 =	simm.s32 $0x1B8E;
	s24 =	sld [smem:$0x3FFE];
	[sflag:s23] =	ssyncadd.s32 $0xFFFFFFFF  }
0xa5: {  	s26 =	simm.s32 $execute0_lowered;
	[smem:$0x3FD2] =	sst s25  }
0xa6: {  	s4 =	sshll.u32 s26, $0x1;
	_ =	strace $0x80000046;
	[dreg:$0x1] =	wrdreg $0xFFFFFFFF  }
0xa7: {  	s28 =	simm.s32 $_size_execute0_lowered;
	s2 =	sadd.s32 s2, s4;
	[dreg:$0x0] =	wrdreg $0x0  }
0xa8: {  	s4 =	sshll.u32 s28, $0x1;
	[dreg:$0x2] =	wrdreg s2  }
0xa9: {  	[dreg:$0x3] =	wrdreg s4  }
0xaa: {  	[dreg:$0x4] =	wrdreg $0xC0  }
0xab: {  	_ =	task [dreg:s6], $0x5FFFF  }
0xac: {  	[dreg:$0x1] =	wrdreg $0xFFFFFFFF  }
0xad: {  	[dreg:$0x0] =	wrdreg $0x60  }
0xae: {  	[dreg:$0x2] =	wrdreg s24  }
0xaf: {  	[dreg:$0x3] =	wrdreg $0x118800  }
0xb0: {  	[dreg:$0x4] =	wrdreg $0x9  }
0xb1: {  	_ =	task.clear_ibuf [dreg:s6], $0x5FFFF;
	_ =	strace $0x90000046  }
0xb2: {  	s29 =	simm.s32 $0x9;
	_ =	strace $0x80000048  }
0xb3: {  	_ =	swait.ge [sflag:s29], $0x1  }
0xb4: {  	[sflag:s29] =	ssyncadd.s32 $0xFFFFFFFF  }
0xb5: {  	_ =	strace $0x90000048  }
0xb6: {  	_ =	sfence  }
0xb7: {  	s30 =	sld [smem:$0x0];
	_ =	sdelay $0x2  }
0xb8: {  	s31 =	sshll.u32 s1, $0xD;
	s1 =	sshrl.u32 s1, $0x2  }
0xb9: {  	s3 =	sand.u32 $0x4000, s31;
	s1 =	sadd.s32 s1, s30  }
0xba: {  	s0 =	sor.u32 s3, s0;
	s1 =	sshll.u32 s1, $0x11  }
0xbb: {  	s0 =	sor.u32 s1, s0  }
0xbc: {  	s0 =	sadd.s32 $0x8F2B, s0  }
0xbd: {  	[sflag:s0] =	ssyncadd.remote.s32 $0x1  }
0xbe: {  	_ =	sfence.sel $0xFFFF  }
0xbf: {  	[dreg:$0x0] =	wrdreg $0xFFFFFFFF;
	(pc) =	sbr.abs _section_cstart, $3  }
0xc0: {  	[dreg:$0x1] =	wrdreg $0xFFFFFFFF  }
0xc1: {  	_ =	task.clear_ibuf [dreg:s6], $0x2FFFF;
	_ =	strace $0x9FFFFFFF  }
0xc2: {  	(tm) =	ssettm $0x7FFFFFFF  }
0xc3: {  	_ =	shalt  }
tec
execute0_lowered:
.L_overlay_start_1:
0x0: {  	(tag) =	ssettag $0x1  }
0x1: {  	s0 =	rddreg [dreg:$0x0]  }
0x2: {  	s1 =	rddreg [dreg:$0x1]  }
0x3: {  	s2 =	srdreg.scid;
	s8 =	stileid.u32;
	s20 =	simm.s32 $0x5  }
0x4: {  	s21 =	simm.s32 $0x800;
	s29 =	simm.s32 $0x1;
	s30 =	simm.s32 $0x7D  }
0x5: {  	s31 =	simm.s32 $0x2;
	s3 =	sand.u32 $0x1, s2;
	s2 =	simm.s32 $0x0  }
0x6: {  	s6 =	sadd.s32 $0x1000, s0;
	s22 =	sshll.u32 s8, $0x4;
	s25 =	sadd.s32 $0x800, s1  }
0x7: {  	s26 =	sadd.s32 $0x1000, s1;
	s28 =	sadd.s32 $0x1800, s1;
	p0 =	sne.s32 s8, $0x0  }
0x8: {  	s4 =	sshll.u32 s3, $0x4;
	[smem:$0x7FF] =	sst s2;
	s5 =	sshll.u32 s3, $0xA  }
0x9: {  	s3 =	ssub.s32 $0x2, s3;
	_ =	strace $0x80000047;
	[dreg:$0x3] =	wrdreg s25  }
0xa: {  	s7 =	sor.u32 s8, s4;
	s9 =	sadd.s32 s5, s0;
	[dreg:$0x4] =	wrdreg s26  }
0xb: {  	s5 =	sand.u32 $0x70, s22;
	s11 =	sshrl.u32 s3, $0x1;
	[dreg:$0x5] =	wrdreg s28  }
0xc: {  	s22 =	simm.s32 $0x4800;
	s25 =	simm.s32 $0x11080;
	s26 =	simm.s32 $0x10880  }
0xd: {  	s8 =	simm.s32 $0x3;
	s4 =	sshll.u32 s7, $0x8;
	s10 =	smul.u32 $0x28000, s7  }
0xe: {  	s12 =	smul.u32 $0x5000, s7;
	s19 =	ssub.s32 s3, s11;
	s24 =	sshll.u32 s7, $0x4  }
0xf: {  	s18 =	sadd.s32 $0x196200, s9;
	s4 =	sadd.s32 s4, s0;
	s0 =	sadd.s32 s5, s0  }
0x10: {  	s11 =	sand.u32 $0x180, s24;
	s19 =	smax.u32 s19, $0x1;
	s24 =	simm.s32 $0xC800  }
0x11: {  	s23 =	sshrl.u32 s10, $0x3;
	s3 =	sadd.s32 $0x191000, s4;
	s4 =	sadd.s32 s6, s12  }
0x12: {  	s0 =	sadd.s32 s11, s0;
	s10 =	sadd.s32 s6, s23;
	s5 =	sadd.s32 $0x800, s4  }
0x13: {  	s11 =	sadd.s32 $0x196000, s0;
	s23 =	simm.s32 $0x8800;
	s0 =	simm.s32 $0x0  }
0x14: {  	s6 =	sadd.s32 $0x1000, s10;
	s7 =	sadd.s32 $0x1800, s10;
	s12 =	sadd.s32 $0x2000, s10  }
0x15: {  	v0 =	vimm.f32 $0.0e+00;
	v1 =	vlaneseq.u32;
	s13 =	sadd.s32 $0x2800, s10;
	s14 =	sadd.s32 $0x3000, s10;
	s15 =	sadd.s32 $0x3800, s10  }
0x16: {  	v2 =	vimm.f32 $1.000000000e+00;
	vm0 =	vcmask $0x3F0C;
	v1 =	vmul.u32 $0x80, v1;
	s16 =	sadd.s32 $0x4000, s10;
	s17 =	sadd.s32 $0x4800, s10;
	s10 =	simm.s32 $0x4  }
.LBB2_1:
0x17: {  	[tilespmem:s2], [sflag:$0x5] =	stream.linear.gather [hbm4b:s3+s2], $0x500, $0x38;
	[tilespmem:$0x11A80] =	vst v63  }
0x18: {  	_ =	swait.ge [sflag:s20], $0x500  }
0x19: {  	[sflag:s20] =	ssyncset.done $0x0  }
0x1a: {  	[sflag:s20] =	ssyncadd.s32 $0xFFFFFB00  }
0x1b: {  	[tilespmem:s21], [sflag:$0x1] =	stream.linear.gather [hbm4b:s4+s2], $0x3E80, $0x38;
	[tilespmem:$0x11A80] =	vst v63  }
0x1c: {  	_ = 	snop  }
0x1d: {  	[tilespmem:s22], [sflag:$0x2] =	stream.linear.gather [hbm4b:s5+s2], $0x3E80, $0x38;
	[tilespmem:$0x11A80] =	vst v63  }
.Ltmp0:
0x1e: {  	_ = 	snop;
	(pc) =	sbr.rel @p0 .LBB2_3-.Ltmp0, $4  }
0x1f: {  	_ = 	snop  }
0x20: {  	[tilespmem:s23], [sflag:$0x3] =	stream.linear.gather [hbm4b:s6+s2], $0x3E80, $0x38;
	[tilespmem:$0x11A80] =	vst v63  }
0x21: {  	_ = 	snop  }
0x22: {  	[tilespmem:s24], [sflag:$0x4] =	stream.linear.gather [hbm4b:s7+s2], $0x3E80, $0x38;
	[tilespmem:$0x11A80] =	vst v63  }
0x23: {  	[tilespmem:$0x11080] =	vst v0  }
0x24: {  	[tilespmem:$0x11090] =	vst v0  }
0x25: {  	[tilespmem:$0x110A0] =	vst v0  }
0x26: {  	[tilespmem:$0x110B0] =	vst v0  }
0x27: {  	[tilespmem:$0x110C0] =	vst v0  }
0x28: {  	[tilespmem:$0x110D0] =	vst v0  }
0x29: {  	[tilespmem:$0x110E0] =	vst v0  }
0x2a: {  	[tilespmem:$0x110F0] =	vst v0  }
0x2b: {  	[tilespmem:$0x11100] =	vst v0  }
0x2c: {  	[tilespmem:$0x11110] =	vst v0  }
0x2d: {  	[tilespmem:$0x11120] =	vst v0  }
0x2e: {  	[tilespmem:$0x11130] =	vst v0  }
0x2f: {  	[tilespmem:$0x11140] =	vst v0  }
0x30: {  	[tilespmem:$0x11150] =	vst v0  }
0x31: {  	[tilespmem:$0x11160] =	vst v0  }
0x32: {  	[tilespmem:$0x11170] =	vst v0  }
0x33: {  	[tilespmem:$0x11180] =	vst v0  }
0x34: {  	[tilespmem:$0x11190] =	vst v0  }
0x35: {  	[tilespmem:$0x111A0] =	vst v0  }
0x36: {  	[tilespmem:$0x111B0] =	vst v0  }
0x37: {  	[tilespmem:$0x111C0] =	vst v0  }
0x38: {  	[tilespmem:$0x111D0] =	vst v0  }
0x39: {  	[tilespmem:$0x111E0] =	vst v0  }
0x3a: {  	[tilespmem:$0x111F0] =	vst v0  }
0x3b: {  	[tilespmem:$0x11200] =	vst v0  }
0x3c: {  	[tilespmem:$0x11210] =	vst v0  }
0x3d: {  	[tilespmem:$0x11220] =	vst v0  }
0x3e: {  	[tilespmem:$0x11230] =	vst v0  }
0x3f: {  	[tilespmem:$0x11240] =	vst v0  }
0x40: {  	[tilespmem:$0x11250] =	vst v0  }
0x41: {  	[tilespmem:$0x11260] =	vst v0  }
0x42: {  	[tilespmem:$0x11270] =	vst v0  }
0x43: {  	[tilespmem:$0x11280] =	vst v0  }
0x44: {  	[tilespmem:$0x11290] =	vst v0  }
0x45: {  	[tilespmem:$0x112A0] =	vst v0  }
0x46: {  	[tilespmem:$0x112B0] =	vst v0  }
0x47: {  	[tilespmem:$0x112C0] =	vst v0  }
0x48: {  	[tilespmem:$0x112D0] =	vst v0  }
0x49: {  	[tilespmem:$0x112E0] =	vst v0  }
0x4a: {  	[tilespmem:$0x112F0] =	vst v0  }
0x4b: {  	[tilespmem:$0x11300] =	vst v0  }
0x4c: {  	[tilespmem:$0x11310] =	vst v0  }
0x4d: {  	[tilespmem:$0x11320] =	vst v0  }
0x4e: {  	[tilespmem:$0x11330] =	vst v0  }
0x4f: {  	[tilespmem:$0x11340] =	vst v0  }
0x50: {  	[tilespmem:$0x11350] =	vst v0  }
0x51: {  	[tilespmem:$0x11360] =	vst v0  }
0x52: {  	[tilespmem:$0x11370] =	vst v0  }
0x53: {  	[tilespmem:$0x11380] =	vst v0  }
0x54: {  	[tilespmem:$0x11390] =	vst v0  }
0x55: {  	[tilespmem:$0x113A0] =	vst v0  }
0x56: {  	[tilespmem:$0x113B0] =	vst v0  }
0x57: {  	[tilespmem:$0x113C0] =	vst v0  }
0x58: {  	[tilespmem:$0x113D0] =	vst v0  }
0x59: {  	[tilespmem:$0x113E0] =	vst v0  }
0x5a: {  	[tilespmem:$0x113F0] =	vst v0  }
0x5b: {  	[tilespmem:$0x11400] =	vst v0  }
0x5c: {  	[tilespmem:$0x11410] =	vst v0  }
0x5d: {  	[tilespmem:$0x11420] =	vst v0  }
0x5e: {  	[tilespmem:$0x11430] =	vst v0  }
0x5f: {  	[tilespmem:$0x11440] =	vst v0  }
0x60: {  	[tilespmem:$0x11450] =	vst v0  }
0x61: {  	[tilespmem:$0x11460] =	vst v0  }
0x62: {  	[tilespmem:$0x11470] =	vst v0  }
0x63: {  	[tilespmem:$0x11480] =	vst v0  }
0x64: {  	[tilespmem:$0x11490] =	vst v0  }
0x65: {  	[tilespmem:$0x114A0] =	vst v0  }
0x66: {  	[tilespmem:$0x114B0] =	vst v0  }
0x67: {  	[tilespmem:$0x114C0] =	vst v0  }
0x68: {  	[tilespmem:$0x114D0] =	vst v0  }
0x69: {  	[tilespmem:$0x114E0] =	vst v0  }
0x6a: {  	[tilespmem:$0x114F0] =	vst v0  }
0x6b: {  	[tilespmem:$0x11500] =	vst v0  }
0x6c: {  	[tilespmem:$0x11510] =	vst v0  }
0x6d: {  	[tilespmem:$0x11520] =	vst v0  }
0x6e: {  	[tilespmem:$0x11530] =	vst v0  }
0x6f: {  	[tilespmem:$0x11540] =	vst v0  }
0x70: {  	[tilespmem:$0x11550] =	vst v0  }
0x71: {  	[tilespmem:$0x11560] =	vst v0  }
0x72: {  	[tilespmem:$0x11570] =	vst v0  }
0x73: {  	[tilespmem:$0x11580] =	vst v0  }
0x74: {  	[tilespmem:$0x11590] =	vst v0  }
0x75: {  	[tilespmem:$0x115A0] =	vst v0  }
0x76: {  	[tilespmem:$0x115B0] =	vst v0  }
0x77: {  	[tilespmem:$0x115C0] =	vst v0  }
0x78: {  	[tilespmem:$0x115D0] =	vst v0  }
0x79: {  	[tilespmem:$0x115E0] =	vst v0  }
0x7a: {  	[tilespmem:$0x115F0] =	vst v0  }
0x7b: {  	[tilespmem:$0x11600] =	vst v0  }
0x7c: {  	[tilespmem:$0x11610] =	vst v0  }
0x7d: {  	[tilespmem:$0x11620] =	vst v0  }
0x7e: {  	[tilespmem:$0x11630] =	vst v0  }
0x7f: {  	[tilespmem:$0x11640] =	vst v0  }
0x80: {  	[tilespmem:$0x11650] =	vst v0  }
0x81: {  	[tilespmem:$0x11660] =	vst v0  }
0x82: {  	[tilespmem:$0x11670] =	vst v0  }
0x83: {  	[tilespmem:$0x11680] =	vst v0  }
0x84: {  	[tilespmem:$0x11690] =	vst v0  }
0x85: {  	[tilespmem:$0x116A0] =	vst v0  }
0x86: {  	[tilespmem:$0x116B0] =	vst v0  }
0x87: {  	[tilespmem:$0x116C0] =	vst v0  }
0x88: {  	[tilespmem:$0x116D0] =	vst v0  }
0x89: {  	[tilespmem:$0x116E0] =	vst v0  }
0x8a: {  	[tilespmem:$0x116F0] =	vst v0  }
0x8b: {  	[tilespmem:$0x11700] =	vst v0  }
0x8c: {  	[tilespmem:$0x11710] =	vst v0  }
0x8d: {  	[tilespmem:$0x11720] =	vst v0  }
0x8e: {  	[tilespmem:$0x11730] =	vst v0  }
0x8f: {  	[tilespmem:$0x11740] =	vst v0  }
0x90: {  	[tilespmem:$0x11750] =	vst v0  }
0x91: {  	[tilespmem:$0x11760] =	vst v0  }
0x92: {  	[tilespmem:$0x11770] =	vst v0  }
0x93: {  	[tilespmem:$0x11780] =	vst v0  }
0x94: {  	[tilespmem:$0x11790] =	vst v0  }
0x95: {  	[tilespmem:$0x117A0] =	vst v0  }
0x96: {  	[tilespmem:$0x117B0] =	vst v0  }
0x97: {  	[tilespmem:$0x117C0] =	vst v0  }
0x98: {  	[tilespmem:$0x117D0] =	vst v0  }
0x99: {  	[tilespmem:$0x117E0] =	vst v0  }
0x9a: {  	[tilespmem:$0x117F0] =	vst v0  }
0x9b: {  	[tilespmem:$0x11800] =	vst v0  }
0x9c: {  	[tilespmem:$0x11810] =	vst v0  }
0x9d: {  	[tilespmem:$0x11820] =	vst v0  }
0x9e: {  	[tilespmem:$0x11830] =	vst v0  }
0x9f: {  	[tilespmem:$0x11840] =	vst v0  }
0xa0: {  	[tilespmem:$0x11850] =	vst v0  }
0xa1: {  	[tilespmem:$0x11860] =	vst v0  }
0xa2: {  	[tilespmem:$0x11870] =	vst v0  }
0xa3: {  	[spmem:s1] =	stream.linear.scatter [tilespmem:s25], [sflag:$0x5], $0x800, $0x38;
	[tilespmem:$0x11A80] =	vst v63  }
0xa4: {  	_ =	swait.ge [sflag:s20], $0x800  }
0xa5: {  	[sflag:s20] =	ssyncset.done $0x0  }
0xa6: {  	s9 =	rddreg [dreg:$0x3];
	[sflag:s20] =	ssyncadd.s32 $0xFFFFF800  }
0xa7: {  	[spmem:s9] =	stream.linear.scatter [tilespmem:s25], [sflag:$0x5], $0x800, $0x38;
	[tilespmem:$0x11A80] =	vst v63  }
0xa8: {  	_ =	swait.ge [sflag:s20], $0x800  }
0xa9: {  	[sflag:s20] =	ssyncset.done $0x0  }
0xaa: {  	s28 =	rddreg [dreg:$0x4];
	[sflag:s20] =	ssyncadd.s32 $0xFFFFF800  }
0xab: {  	[spmem:s28] =	stream.linear.scatter [tilespmem:s25], [sflag:$0x5], $0x800, $0x38;
	[tilespmem:$0x11A80] =	vst v63  }
0xac: {  	_ =	swait.ge [sflag:s20], $0x800  }
0xad: {  	[sflag:s20] =	ssyncset.done $0x0  }
0xae: {  	s28 =	rddreg [dreg:$0x5];
	[sflag:s20] =	ssyncadd.s32 $0xFFFFF800  }
0xaf: {  	[spmem:s28] =	stream.linear.scatter [tilespmem:s25], [sflag:$0x5], $0x800, $0x38;
	[tilespmem:$0x11A80] =	vst v63  }
0xb0: {  	_ =	swait.ge [sflag:s20], $0x800  }
0xb1: {  	[sflag:s20] =	ssyncset.done $0x0  }
0xb2: {  	[sflag:s20] =	ssyncadd.s32 $0xFFFFF800  }
.LBB2_3:
0xb3: {  	[tilespmem:$0x10880] =	vst v0  }
0xb4: {  	[tilespmem:$0x10890] =	vst v0  }
0xb5: {  	[tilespmem:$0x108A0] =	vst v0  }
0xb6: {  	[tilespmem:$0x108B0] =	vst v0  }
0xb7: {  	[tilespmem:$0x10900] =	vst v0  }
0xb8: {  	[tilespmem:$0x10910] =	vst v0  }
0xb9: {  	[tilespmem:$0x10920] =	vst v0  }
0xba: {  	[tilespmem:$0x10930] =	vst v0  }
0xbb: {  	[tilespmem:$0x10980] =	vst v0  }
0xbc: {  	[tilespmem:$0x10990] =	vst v0  }
0xbd: {  	[tilespmem:$0x109A0] =	vst v0  }
0xbe: {  	[tilespmem:$0x109B0] =	vst v0  }
0xbf: {  	[tilespmem:$0x10A00] =	vst v0  }
0xc0: {  	[tilespmem:$0x10A10] =	vst v0  }
0xc1: {  	[tilespmem:$0x10A20] =	vst v0  }
0xc2: {  	[tilespmem:$0x10A30] =	vst v0  }
0xc3: {  	[tilespmem:$0x10A80] =	vst v0  }
0xc4: {  	[tilespmem:$0x10A90] =	vst v0  }
0xc5: {  	[tilespmem:$0x10AA0] =	vst v0  }
0xc6: {  	[tilespmem:$0x10AB0] =	vst v0  }
0xc7: {  	[tilespmem:$0x10B00] =	vst v0  }
0xc8: {  	[tilespmem:$0x10B10] =	vst v0  }
0xc9: {  	[tilespmem:$0x10B20] =	vst v0  }
0xca: {  	[tilespmem:$0x10B30] =	vst v0  }
0xcb: {  	[tilespmem:$0x10B80] =	vst v0  }
0xcc: {  	[tilespmem:$0x10B90] =	vst v0  }
0xcd: {  	[tilespmem:$0x10BA0] =	vst v0  }
0xce: {  	[tilespmem:$0x10BB0] =	vst v0  }
0xcf: {  	[tilespmem:$0x10C00] =	vst v0  }
0xd0: {  	[tilespmem:$0x10C10] =	vst v0  }
0xd1: {  	[tilespmem:$0x10C20] =	vst v0  }
0xd2: {  	[tilespmem:$0x10C30] =	vst v0  }
0xd3: {  	[tilespmem:$0x10C80] =	vst v0  }
0xd4: {  	[tilespmem:$0x10C90] =	vst v0  }
0xd5: {  	[tilespmem:$0x10CA0] =	vst v0  }
0xd6: {  	[tilespmem:$0x10CB0] =	vst v0  }
0xd7: {  	[tilespmem:$0x10D00] =	vst v0  }
0xd8: {  	[tilespmem:$0x10D10] =	vst v0  }
0xd9: {  	[tilespmem:$0x10D20] =	vst v0  }
0xda: {  	[tilespmem:$0x10D30] =	vst v0  }
0xdb: {  	[tilespmem:$0x10D80] =	vst v0  }
0xdc: {  	[tilespmem:$0x10D90] =	vst v0  }
0xdd: {  	[tilespmem:$0x10DA0] =	vst v0  }
0xde: {  	[tilespmem:$0x10DB0] =	vst v0  }
0xdf: {  	[tilespmem:$0x10E00] =	vst v0  }
0xe0: {  	[tilespmem:$0x10E10] =	vst v0  }
0xe1: {  	[tilespmem:$0x10E20] =	vst v0  }
0xe2: {  	[tilespmem:$0x10E30] =	vst v0  }
0xe3: {  	[tilespmem:$0x10E80] =	vst v0  }
0xe4: {  	[tilespmem:$0x10E90] =	vst v0  }
0xe5: {  	[tilespmem:$0x10EA0] =	vst v0  }
0xe6: {  	[tilespmem:$0x10EB0] =	vst v0  }
0xe7: {  	[tilespmem:$0x10F00] =	vst v0  }
0xe8: {  	[tilespmem:$0x10F10] =	vst v0  }
0xe9: {  	[tilespmem:$0x10F20] =	vst v0  }
0xea: {  	[tilespmem:$0x10F30] =	vst v0  }
0xeb: {  	[tilespmem:$0x10F80] =	vst v0  }
0xec: {  	[tilespmem:$0x10F90] =	vst v0  }
0xed: {  	[tilespmem:$0x10FA0] =	vst v0  }
0xee: {  	[tilespmem:$0x10FB0] =	vst v0  }
0xef: {  	[tilespmem:$0x11000] =	vst v0  }
0xf0: {  	[tilespmem:$0x11010] =	vst v0  }
0xf1: {  	[tilespmem:$0x11020] =	vst v0  }
0xf2: {  	[tilespmem:$0x11030] =	vst v0;
	s9 =	simm.s32 $0x0  }
.LBB2_4:
0xf3: {  	s28 =	sshra.s32 s9, $0x2  }
0xf4: {  	v3 =	vld [tilespmem:s28+$0x0];
	_ =	sdelay $0x4  }
0xf5: {  	v3 =	vadd.s32 v1, v3;
	_ =	sdelay $0x4  }
0xf6: {  	[tilespmem:v3+s26+$0x0] =	vst.idx.add.f32.msk $0xffff, v2  }
0xf7: {  	v3 =	vld [tilespmem:s28+$0x10];
	_ =	sdelay $0x4  }
0xf8: {  	v3 =	vadd.s32 v1, v3;
	_ =	sdelay $0x4  }
0xf9: {  	[tilespmem:v3+s26+$0x0] =	vst.idx.add.f32.msk $0xffff, v2  }
0xfa: {  	v3 =	vld [tilespmem:s28+$0x20];
	_ =	sdelay $0x4  }
0xfb: {  	v3 =	vadd.s32 v1, v3;
	_ =	sdelay $0x4  }
0xfc: {  	[tilespmem:v3+s26+$0x0] =	vst.idx.add.f32.msk $0xffff, v2  }
0xfd: {  	v3 =	vld [tilespmem:s28+$0x30];
	_ =	sdelay $0x4  }
0xfe: {  	v3 =	vadd.s32 v1, v3;
	_ =	sdelay $0x4  }
0xff: {  	[tilespmem:v3+s26+$0x0] =	vst.idx.add.f32.msk $0xffff, v2  }
0x100: {  	v3 =	vld [tilespmem:s28+$0x40];
	_ =	sdelay $0x4  }
0x101: {  	v3 =	vadd.s32 v1, v3;
	_ =	sdelay $0x4  }
0x102: {  	[tilespmem:v3+s26+$0x0] =	vst.idx.add.f32.msk $0xffff, v2  }
0x103: {  	v3 =	vld [tilespmem:s28+$0x50];
	_ =	sdelay $0x4  }
0x104: {  	v3 =	vadd.s32 v1, v3;
	_ =	sdelay $0x4  }
0x105: {  	[tilespmem:v3+s26+$0x0] =	vst.idx.add.f32.msk $0xffff, v2  }
0x106: {  	v3 =	vld [tilespmem:s28+$0x60];
	_ =	sdelay $0x4  }
0x107: {  	v3 =	vadd.s32 v1, v3;
	_ =	sdelay $0x4  }
0x108: {  	[tilespmem:v3+s26+$0x0] =	vst.idx.add.f32.msk $0xffff, v2  }
0x109: {  	v3 =	vld [tilespmem:s28+$0x6D];
	_ =	sdelay $0x4  }
0x10a: {  	p1 =	sne.s32 s9, $0x1200;
	v3 =	vadd.s32 v1, v3  }
.Ltmp1:
0x10b: {  	_ = 	snop;
	(pc) =	sbr.rel @p1 .LBB2_4-.Ltmp1, $2  }
0x10c: {  	_ =	sdelay $0x2  }
0x10d: {  	s9 =	sadd.s32 $0x200, s9;
	[tilespmem:v3+s26+$0x0] =	vst.idx.add.f32.msk vm0, v2  }
0x10e: {  	v3 =	vld [tilespmem:$0x10880]  }
0x10f: {  	v4 =	vld [tilespmem:$0x10900]  }
0x110: {  	v5 =	vld [tilespmem:$0x10980]  }
0x111: {  	v6 =	vld [tilespmem:$0x10A00]  }
0x112: {  	v7 =	vld [tilespmem:$0x10A80]  }
0x113: {  	v8 =	vld [tilespmem:$0x10B00]  }
0x114: {  	v9 =	vld [tilespmem:$0x10B80]  }
0x115: {  	v10 =	vld [tilespmem:$0x10C00]  }
0x116: {  	v11 =	vld [tilespmem:$0x10C80]  }
0x117: {  	v12 =	vld [tilespmem:$0x10D00]  }
0x118: {  	v13 =	vld [tilespmem:$0x10D80]  }
0x119: {  	v14 =	vld [tilespmem:$0x10E00]  }
0x11a: {  	v15 =	vld [tilespmem:$0x10E80]  }
0x11b: {  	v16 =	vld [tilespmem:$0x10F00]  }
0x11c: {  	v17 =	vld [tilespmem:$0x10F80]  }
0x11d: {  	v18 =	vld [tilespmem:$0x11000]  }
0x11e: {  	v19 =	vld [tilespmem:$0x10890]  }
0x11f: {  	v20 =	vld [tilespmem:$0x10910]  }
0x120: {  	v21 =	vld [tilespmem:$0x10990]  }
0x121: {  	v22 =	vld [tilespmem:$0x10A10]  }
0x122: {  	v23 =	vld [tilespmem:$0x10A90]  }
0x123: {  	v24 =	vld [tilespmem:$0x10B10]  }
0x124: {  	v25 =	vld [tilespmem:$0x10B90]  }
0x125: {  	v26 =	vld [tilespmem:$0x10C10]  }
0x126: {  	v27 =	vld [tilespmem:$0x10C90]  }
0x127: {  	v28 =	vld [tilespmem:$0x10D10]  }
0x128: {  	v29 =	vld [tilespmem:$0x10D90]  }
0x129: {  	v30 =	vld [tilespmem:$0x10E10]  }
0x12a: {  	v31 =	vld [tilespmem:$0x10E90]  }
0x12b: {  	v32 =	vld [tilespmem:$0x10F10]  }
0x12c: {  	v33 =	vld [tilespmem:$0x10F90]  }
0x12d: {  	v34 =	vld [tilespmem:$0x11010]  }
0x12e: {  	v36 =	vld [tilespmem:$0x108B0]  }
0x12f: {  	v35 =	vld [tilespmem:$0x108A0]  }
0x130: {  	v38 =	vld [tilespmem:$0x10930]  }
0x131: {  	v37 =	vld [tilespmem:$0x10920];
	v3 =	vadd.f32 $0.0e+00, v3  }
0x132: {  	v59 =	vld [tilespmem:$0x109B0];
	v19 =	vadd.f32 $0.0e+00, v19  }
0x133: {  	v39 =	vld [tilespmem:$0x109A0];
	v36 =	vadd.f32 $0.0e+00, v36;
	v3 =	vadd.f32 v4, v3  }
0x134: {  	v61 =	vld [tilespmem:$0x10A30];
	v58 =	vadd.f32 $0.0e+00, v35;
	v19 =	vadd.f32 v20, v19  }
0x135: {  	v60 =	vld [tilespmem:$0x10A20];
	v62 =	vadd.f32 v38, v36;
	v3 =	vadd.f32 v5, v3  }
0x136: {  	v4 =	vadd.f32 v37, v58;
	v38 =	vld [tilespmem:$0x10AB0];
	v19 =	vadd.f32 v21, v19  }
0x137: {  	v63 =	vld [tilespmem:$0x10AA0];
	v21 =	vadd.f32 v59, v62;
	v3 =	vadd.f32 v6, v3  }
0x138: {  	v40 =	vld [tilespmem:$0x10B30];
	v4 =	vadd.f32 v39, v4;
	v19 =	vadd.f32 v22, v19  }
0x139: {  	v39 =	vld [tilespmem:$0x10B20];
	v5 =	vadd.f32 v61, v21;
	v3 =	vadd.f32 v7, v3  }
0x13a: {  	v42 =	vld [tilespmem:$0x10BB0];
	v4 =	vadd.f32 v60, v4;
	v19 =	vadd.f32 v23, v19  }
0x13b: {  	v41 =	vld [tilespmem:$0x10BA0];
	v5 =	vadd.f32 v38, v5;
	v3 =	vadd.f32 v8, v3  }
0x13c: {  	v44 =	vld [tilespmem:$0x10C30];
	v4 =	vadd.f32 v63, v4;
	v19 =	vadd.f32 v24, v19  }
0x13d: {  	v43 =	vld [tilespmem:$0x10C20];
	v5 =	vadd.f32 v40, v5;
	v3 =	vadd.f32 v9, v3  }
0x13e: {  	v46 =	vld [tilespmem:$0x10CB0];
	v4 =	vadd.f32 v39, v4;
	v19 =	vadd.f32 v25, v19  }
0x13f: {  	v45 =	vld [tilespmem:$0x10CA0];
	v5 =	vadd.f32 v42, v5;
	v3 =	vadd.f32 v10, v3  }
0x140: {  	v48 =	vld [tilespmem:$0x10D30];
	v4 =	vadd.f32 v41, v4;
	v19 =	vadd.f32 v26, v19  }
0x141: {  	v47 =	vld [tilespmem:$0x10D20];
	v5 =	vadd.f32 v44, v5;
	v3 =	vadd.f32 v11, v3  }
0x142: {  	v51 =	vld [tilespmem:$0x10DB0];
	v4 =	vadd.f32 v43, v4;
	v49 =	vadd.f32 v27, v19  }
0x143: {  	v50 =	vld [tilespmem:$0x10DA0];
	v5 =	vadd.f32 v46, v5;
	v3 =	vadd.f32 v12, v3  }
0x144: {  	v53 =	vld [tilespmem:$0x10E30];
	v4 =	vadd.f32 v45, v4;
	v11 =	vadd.f32 v28, v49  }
0x145: {  	v52 =	vld [tilespmem:$0x10E20];
	v5 =	vadd.f32 v48, v5;
	v3 =	vadd.f32 v13, v3  }
0x146: {  	v55 =	vld [tilespmem:$0x10EB0];
	v4 =	vadd.f32 v47, v4;
	v11 =	vadd.f32 v29, v11  }
0x147: {  	v54 =	vld [tilespmem:$0x10EA0];
	v5 =	vadd.f32 v51, v5;
	v3 =	vadd.f32 v14, v3  }
0x148: {  	v57 =	vld [tilespmem:$0x10F30];
	v4 =	vadd.f32 v50, v4;
	v11 =	vadd.f32 v30, v11  }
0x149: {  	v56 =	vld [tilespmem:$0x10F20];
	v5 =	vadd.f32 v53, v5;
	v3 =	vadd.f32 v15, v3  }
0x14a: {  	v59 =	vld [tilespmem:$0x10FB0];
	v4 =	vadd.f32 v52, v4;
	v11 =	vadd.f32 v31, v11  }
0x14b: {  	v58 =	vld [tilespmem:$0x10FA0];
	v5 =	vadd.f32 v55, v5;
	v3 =	vadd.f32 v16, v3  }
0x14c: {  	v61 =	vld [tilespmem:$0x11030];
	v4 =	vadd.f32 v54, v4;
	v11 =	vadd.f32 v32, v11  }
0x14d: {  	v60 =	vld [tilespmem:$0x11020];
	v5 =	vadd.f32 v57, v5;
	v3 =	vadd.f32 v17, v3  }
0x14e: {  	v4 =	vadd.f32 v56, v4;
	v11 =	vadd.f32 v33, v11  }
0x14f: {  	v5 =	vadd.f32 v59, v5;
	v3 =	vadd.f32 v18, v3  }
0x150: {  	v4 =	vadd.f32 v58, v4;
	v62 =	vadd.f32 v34, v11  }
0x151: {  	v63 =	vadd.f32 v61, v5;
	[tilespmem:$0x10800] =	vst v3  }
0x152: {  	v3 =	vadd.f32 v60, v4;
	[tilespmem:$0x10810] =	vst v62  }
0x153: {  	[tilespmem:$0x10830] =	vst v63  }
0x154: {  	s9 =	simm.s32 $0x10800;
	[tilespmem:$0x10820] =	vst v3  }
0x155: {  	[hbm4b:s11+s2] =	stream.linear.scatter [tilespmem:s9], [sflag:$0x5], $0x80, $0x38;
	[tilespmem:$0x11A80] =	vst v63  }
0x156: {  	_ =	swait.ge [sflag:s20], $0x80  }
0x157: {  	[sflag:s20] =	ssyncset.done $0x0  }
0x158: {  	[sflag:s20] =	ssyncadd.s32 $0xFFFFFF80  }
0x159: {  	[bflag:$0x0] =	sbarrier.arrive $0xFFFF  }
0x15a: {  	_ =	swait.ge [sflag:s29], $0x3E80  }
0x15b: {  	[sflag:s29] =	ssyncset.done $0x0  }
0x15c: {  	[sflag:s29] =	ssyncadd.s32 $0xFFFFC180  }
0x15d: {  	[spmem:s1] =	stream.indirect.scatter.add.f32 [tilespmem:s21], [sflag:$0x5], $0x80, s2, s30, $0xb8;
	[tilespmem:$0x11A80] =	vst v63  }
0x15e: {  	_ =	swait.ge [sflag:s20], $0x3E80  }
0x15f: {  	[sflag:s20] =	ssyncset.done $0x0  }
0x160: {  	[sflag:s20] =	ssyncadd.s32 $0xFFFFC180  }
0x161: {  	[tilespmem:s21], [sflag:$0x1] =	stream.linear.gather [hbm4b:s12+s2], $0x3E80, $0x38;
	[tilespmem:$0x11A80] =	vst v63  }
0x162: {  	_ =	swait.ge [sflag:s31], $0x3E80  }
0x163: {  	[sflag:s31] =	ssyncset.done $0x0  }
0x164: {  	s28 =	simm.s32 $0x80;
	[sflag:s31] =	ssyncadd.s32 $0xFFFFC180  }
0x165: {  	[spmem:s1] =	stream.indirect.scatter.add.f32 [tilespmem:s22], [sflag:$0x5], $0x80, s28, s30, $0xb8;
	[tilespmem:$0x11A80] =	vst v63  }
0x166: {  	_ =	swait.ge [sflag:s20], $0x3E80  }
0x167: {  	[sflag:s20] =	ssyncset.done $0x0  }
0x168: {  	[sflag:s20] =	ssyncadd.s32 $0xFFFFC180  }
0x169: {  	[tilespmem:s22], [sflag:$0x2] =	stream.linear.gather [hbm4b:s13+s2], $0x3E80, $0x38;
	[tilespmem:$0x11A80] =	vst v63  }
0x16a: {  	_ =	swait.ge [sflag:s8], $0x3E80  }
0x16b: {  	[sflag:s8] =	ssyncset.done $0x0  }
0x16c: {  	s28 =	simm.s32 $0x100;
	[sflag:s8] =	ssyncadd.s32 $0xFFFFC180  }
0x16d: {  	[spmem:s1] =	stream.indirect.scatter.add.f32 [tilespmem:s23], [sflag:$0x5], $0x80, s28, s30, $0xb8;
	[tilespmem:$0x11A80] =	vst v63  }
0x16e: {  	_ =	swait.ge [sflag:s20], $0x3E80  }
0x16f: {  	[sflag:s20] =	ssyncset.done $0x0  }
0x170: {  	[sflag:s20] =	ssyncadd.s32 $0xFFFFC180  }
0x171: {  	[tilespmem:s23], [sflag:$0x3] =	stream.linear.gather [hbm4b:s14+s2], $0x3E80, $0x38;
	[tilespmem:$0x11A80] =	vst v63  }
0x172: {  	_ =	swait.ge [sflag:s10], $0x3E80  }
0x173: {  	[sflag:s10] =	ssyncset.done $0x0  }
0x174: {  	s28 =	simm.s32 $0x180;
	[sflag:s10] =	ssyncadd.s32 $0xFFFFC180  }
0x175: {  	[spmem:s1] =	stream.indirect.scatter.add.f32 [tilespmem:s24], [sflag:$0x5], $0x80, s28, s30, $0xb8;
	[tilespmem:$0x11A80] =	vst v63  }
0x176: {  	_ =	swait.ge [sflag:s20], $0x3E80  }
0x177: {  	[sflag:s20] =	ssyncset.done $0x0  }
0x178: {  	[sflag:s20] =	ssyncadd.s32 $0xFFFFC180  }
0x179: {  	[tilespmem:s24], [sflag:$0x4] =	stream.linear.gather [hbm4b:s15+s2], $0x3E80, $0x38;
	[tilespmem:$0x11A80] =	vst v63  }
0x17a: {  	_ =	swait.ge [sflag:s29], $0x3E80  }
0x17b: {  	[sflag:s29] =	ssyncset.done $0x0  }
0x17c: {  	s28 =	simm.s32 $0x200;
	[sflag:s29] =	ssyncadd.s32 $0xFFFFC180  }
0x17d: {  	[spmem:s1] =	stream.indirect.scatter.add.f32 [tilespmem:s21], [sflag:$0x5], $0x80, s28, s30, $0xb8;
	[tilespmem:$0x11A80] =	vst v63  }
0x17e: {  	_ =	swait.ge [sflag:s20], $0x3E80  }
0x17f: {  	[sflag:s20] =	ssyncset.done $0x0  }
0x180: {  	[sflag:s20] =	ssyncadd.s32 $0xFFFFC180  }
0x181: {  	[tilespmem:s21], [sflag:$0x1] =	stream.linear.gather [hbm4b:s16+s2], $0x3E80, $0x38;
	[tilespmem:$0x11A80] =	vst v63  }
0x182: {  	_ =	swait.ge [sflag:s31], $0x3E80  }
0x183: {  	[sflag:s31] =	ssyncset.done $0x0  }
0x184: {  	s28 =	simm.s32 $0x280;
	[sflag:s31] =	ssyncadd.s32 $0xFFFFC180  }
0x185: {  	[spmem:s1] =	stream.indirect.scatter.add.f32 [tilespmem:s22], [sflag:$0x5], $0x80, s28, s30, $0xb8;
	[tilespmem:$0x11A80] =	vst v63  }
0x186: {  	_ =	swait.ge [sflag:s20], $0x3E80  }
0x187: {  	[sflag:s20] =	ssyncset.done $0x0  }
0x188: {  	[sflag:s20] =	ssyncadd.s32 $0xFFFFC180  }
0x189: {  	[tilespmem:s22], [sflag:$0x2] =	stream.linear.gather [hbm4b:s17+s2], $0x3E80, $0x38;
	[tilespmem:$0x11A80] =	vst v63  }
0x18a: {  	_ =	swait.ge [sflag:s8], $0x3E80  }
0x18b: {  	[sflag:s8] =	ssyncset.done $0x0  }
0x18c: {  	s28 =	simm.s32 $0x300;
	[sflag:s8] =	ssyncadd.s32 $0xFFFFC180  }
0x18d: {  	[spmem:s1] =	stream.indirect.scatter.add.f32 [tilespmem:s23], [sflag:$0x5], $0x80, s28, s30, $0xb8;
	[tilespmem:$0x11A80] =	vst v63  }
0x18e: {  	_ =	swait.ge [sflag:s20], $0x3E80  }
0x18f: {  	[sflag:s20] =	ssyncset.done $0x0  }
0x190: {  	[sflag:s20] =	ssyncadd.s32 $0xFFFFC180  }
0x191: {  	_ =	swait.ge [sflag:s10], $0x3E80  }
0x192: {  	[sflag:s10] =	ssyncset.done $0x0  }
0x193: {  	s28 =	simm.s32 $0x380;
	[sflag:s10] =	ssyncadd.s32 $0xFFFFC180  }
0x194: {  	[spmem:s1] =	stream.indirect.scatter.add.f32 [tilespmem:s24], [sflag:$0x5], $0x80, s28, s30, $0xb8;
	[tilespmem:$0x11A80] =	vst v63  }
0x195: {  	_ =	swait.ge [sflag:s20], $0x3E80  }
0x196: {  	[sflag:s20] =	ssyncset.done $0x0  }
0x197: {  	[sflag:s20] =	ssyncadd.s32 $0xFFFFC180  }
0x198: {  	_ =	swait.ge [sflag:s29], $0x3E80  }
0x199: {  	[sflag:s29] =	ssyncset.done $0x0  }
0x19a: {  	s28 =	simm.s32 $0x400;
	[sflag:s29] =	ssyncadd.s32 $0xFFFFC180  }
0x19b: {  	[spmem:s1] =	stream.indirect.scatter.add.f32 [tilespmem:s21], [sflag:$0x5], $0x80, s28, s30, $0xb8;
	[tilespmem:$0x11A80] =	vst v63  }
0x19c: {  	_ =	swait.ge [sflag:s20], $0x3E80  }
0x19d: {  	[sflag:s20] =	ssyncset.done $0x0  }
0x19e: {  	[sflag:s20] =	ssyncadd.s32 $0xFFFFC180  }
0x19f: {  	_ =	swait.ge [sflag:s31], $0x3E80  }
0x1a0: {  	[sflag:s31] =	ssyncset.done $0x0  }
0x1a1: {  	s28 =	simm.s32 $0x480;
	[sflag:s31] =	ssyncadd.s32 $0xFFFFC180  }
0x1a2: {  	[spmem:s1] =	stream.indirect.scatter.add.f32 [tilespmem:s22], [sflag:$0x5], $0x80, s28, s30, $0xb8;
	[tilespmem:$0x11A80] =	vst v63  }
0x1a3: {  	_ =	swait.ge [sflag:s20], $0x3E80  }
0x1a4: {  	s0 =	sadd.s32 $0x1, s0;
	[sflag:s20] =	ssyncset.done $0x0  }
0x1a5: {  	p1 =	sne.s32 s0, s19;
	[sflag:s20] =	ssyncadd.s32 $0xFFFFC180  }
0x1a6: {  	s9 =	sshrl.u32 @!p0 s1, $0x3;
	s28 =	simm.s32 @!p0 $0x1C05;
	[bflag:$0x0] =	sbarrier.arrive $0xFFFF  }
0x1a7: {  	[hbm:s18], [sflag:s28] =	dma.local @!p0 [spmem:s9], $0x400  }
.Ltmp2:
0x1a8: {  	_ = 	snop;
	(pc) =	sbr.rel @p1 .LBB2_1-.Ltmp2, $4  }
0x1a9: {  	s9 =	simm.s32 @!p0 $0x5  }
0x1aa: {  	_ =	swait.ge @!p0 [sflag:s9], $0x400  }
0x1ab: {  	[sflag:s9] =	ssyncset.done @!p0 $0x0  }
0x1ac: {  	[sflag:s9] =	ssyncadd.s32 @!p0 $0xFFFFFC00  }
0x1ad: {  	_ =	sfence.sel $0x180000  }
0x1ae: {  	[bflag:$0x0] =	sbarrier.arrive $0xFFFF  }
0x1af: {  	_ =	strace $0x90000047  }
0x1b0: {  	[bflag:$0x2] =	sbarrier.arrive $0xFFFF  }
0x1b1: {  	s0 =	rddreg [dreg:$0x2]  }
0x1b2: {  	s0 =	sadd.s32 @!p0 $0x100000, s0  }
0x1b3: {  	[sflag:s0] =	ssyncadd.tile.s32 @!p0 $0x1;
	_ =	shalt  }
.Lfunc_end2:
_tile_overlayer_lowered:
.L_overlay_start_2:
0x1b4: {  	(tag) =	ssettag $0x2  }
0x1b5: {  	s0 =	rddreg [dreg:$0x0];
	s2 =	stileid.u32  }
0x1b6: {  	s1 =	rddreg [dreg:$0x1];
	p0 =	sne.s32 s2, $0x0  }
0x1b7: {  	s3 =	rddreg [dreg:$0x2];
	[bflag:$0x3] =	sbarrier.arrive $0xFFFF;
	s2 =	simm.s32 @!p0 $0x1C05  }
0x1b8: {  	[timem:s3], [sflag:s2] =	dma.local @!p0 [hbm:s0], s1  }
0x1b9: {  	s0 =	simm.s32 @!p0 $0x5  }
0x1ba: {  	_ =	swait.ge @!p0 [sflag:s0], s1  }
0x1bb: {  	s1 =	ssub.s32 @!p0 $0x0, s1;
	[sflag:s0] =	ssyncset.done @!p0 $0x0  }
0x1bc: {  	[sflag:s0] =	ssyncadd.s32 @!p0 s1  }
0x1bd: {  	[bflag:$0x3] =	sbarrier.arrive $0xFFFF  }
0x1be: {  	_ =	shalt  }

</sc_bundles>
